<compile_context>
chip_gen: v7x
topology: tpu7x:2x2x1
jax: 0.10.2.dev20260603
libtpu: 0.0.44.dev20260713+nightly
codegen_flags: <defaults>
</compile_context>

<pallas_src>
import functools

import jax
import jax.numpy as jnp
from jax import lax
from jax.experimental import pallas as pl
from jax.experimental.pallas import tpu as pltpu
from jax.experimental.pallas import tpu_sc as plsc

N = 10000
E = 320000
D = 128
H = 128
C = 3

NC = 2
NS = 16
NW = NC * NS
NPAD = 10240
RPT = NPAD // NS
EPT = E // NW
K = 80

BLK = 1000

@functools.lru_cache(maxsize=None)
def _mesh():
    return plsc.VectorSubcoreMesh(core_axis_name="c", subcore_axis_name="s",
                                  num_cores=NC, num_subcores=NS)



def _sc_degree_body(dst_hbm, deg_hbm, idx_v, ones_v, buf_v,
                    deg_sh, isem, ssem0, ssem1):
    c = lax.axis_index("c")
    s = lax.axis_index("s")
    wid = s * NC + c
    pltpu.async_copy(dst_hbm.at[wid], idx_v, isem)
    zero16 = jnp.zeros((16,), jnp.float32)
    one16 = jnp.ones((16,), jnp.float32)
    for i in range(K // 16):
        ones_v[pl.ds(i * 16, 16)] = one16
    for i in range(RPT // 16):
        buf_v[pl.ds(i * 16, 16)] = zero16
    pltpu.sync_copy(buf_v, deg_sh.at[pl.ds(s * RPT, RPT)])
    pltpu.make_async_copy(dst_hbm.at[0], idx_v, isem).wait()
    plsc.subcore_barrier()

    ssem = (ssem0, ssem1)
    NCH = EPT // K

    def sstart(j, p):
        pltpu.async_copy(ones_v, deg_sh.at[idx_v.at[j]], ssem[p], add=True)

    def swait(p):
        pltpu.make_async_copy(ones_v, deg_sh.at[idx_v.at[0]], ssem[p]).wait()

    sstart(0, 0)
    sstart(1, 1)

    def pair(g, carry):
        j0 = 2 * g + 2
        swait(0)
        sstart(j0, 0)
        swait(1)
        sstart(j0 + 1, 1)
        return carry

    lax.fori_loop(0, (NCH - 3) // 2, pair, 0)
    swait(0)
    sstart(124, 0)
    swait(1)
    swait(0)
    plsc.subcore_barrier()
    pltpu.sync_copy(deg_sh.at[pl.ds(s * RPT, RPT)],
                    deg_hbm.at[c, pl.ds(s * RPT, RPT)])


@functools.lru_cache(maxsize=None)
def _sc_degree_kernel():
    return pl.kernel(
        _sc_degree_body,
        out_type=jax.ShapeDtypeStruct((NC, NPAD), jnp.float32),
        mesh=_mesh(),
        scratch_types=[
            pltpu.VMEM((EPT // K, K), jnp.int32),
            pltpu.VMEM((K,), jnp.float32),
            pltpu.VMEM((RPT,), jnp.float32),
            pltpu.VMEM_SHARED((NPAD,), jnp.float32),
            pltpu.SemaphoreType.DMA,
            pltpu.SemaphoreType.DMA,
            pltpu.SemaphoreType.DMA,
        ],
    )


KS = 80
NCHUNK = EPT // KS


def _sc_scatter_body(src_hbm, dst_hbm, hs_hbm, acc_hbm,
                     sidx_v, didx_v, rows0, rows1, acc_sh,
                     isem, gsem0, gsem1, ssem0, ssem1):
    c = lax.axis_index("c")
    s = lax.axis_index("s")
    wid = s * NC + c
    pltpu.async_copy(src_hbm.at[wid], sidx_v, isem)
    pltpu.async_copy(dst_hbm.at[wid], didx_v, isem)
    zero16 = jnp.zeros((16,), jnp.float32)

    def zrow(i, carry):
        for j in range(D // 16):
            rows0[i, pl.ds(j * 16, 16)] = zero16
        return carry

    lax.fori_loop(0, KS, zrow, 0)

    rows = (rows0, rows1)
    gsem = (gsem0, gsem1)
    ssem = (ssem0, ssem1)

    HK = KS // 2

    def gather(j, b):
        pltpu.async_copy(hs_hbm.at[sidx_v.at[pl.ds(j * KS, HK)]],
                         rows[b].at[pl.ds(0, HK)], gsem[b])
        pltpu.async_copy(hs_hbm.at[sidx_v.at[pl.ds(j * KS + HK, HK)]],
                         rows[b].at[pl.ds(HK, HK)], gsem[b])

    def gwait(b):
        for _ in range(2):
            pltpu.make_async_copy(hs_hbm.at[sidx_v.at[pl.ds(0, HK)]],
                                  rows[b].at[pl.ds(0, HK)], gsem[b]).wait()

    def sstart(j, b):
        pltpu.async_copy(rows[b], acc_sh.at[didx_v.at[j]], ssem[b], add=True)

    def swait(b):
        pltpu.make_async_copy(rows[0], acc_sh.at[didx_v.at[0]],
                              ssem[b]).wait()

    pltpu.make_async_copy(src_hbm.at[0], sidx_v, isem).wait()
    pltpu.make_async_copy(dst_hbm.at[0], didx_v, isem).wait()
    gather(0, 1)
    for t in range(RPT // KS):
        pltpu.async_copy(rows0, acc_sh.at[pl.ds(s * RPT + t * KS, KS)],
                         isem)
    for t in range(RPT // KS):
        pltpu.make_async_copy(rows0, acc_sh.at[pl.ds(0, KS)], isem).wait()
    plsc.subcore_barrier()

    def body(j, ph, do_swait=True, do_gather=True):
        if do_swait:
            swait(1 - ph)
        if do_gather:
            gather(j + 1, 1 - ph)
        gwait(ph)
        sstart(j, ph)

    body(0, 1, do_swait=False)

    def pair(g, carry):
        j0 = 2 * g + 1
        body(j0, 0)
        body(j0 + 1, 1)
        return carry

    lax.fori_loop(0, (NCHUNK - 3) // 2, pair, 0)
    body(123, 0)
    body(124, 1, do_gather=False)
    swait(1)
    plsc.subcore_barrier()
    pltpu.sync_copy(acc_sh.at[pl.ds(s * RPT, RPT)],
                    acc_hbm.at[c, pl.ds(s * RPT, RPT)])


@functools.lru_cache(maxsize=None)
def _sc_scatter_kernel():
    return pl.kernel(
        _sc_scatter_body,
        out_type=jax.ShapeDtypeStruct((NC, NPAD, D), jnp.float32),
        mesh=_mesh(),
        scratch_types=[
            pltpu.VMEM((EPT,), jnp.int32),
            pltpu.VMEM((NCHUNK, KS), jnp.int32),
            pltpu.VMEM((KS, D), jnp.float32),
            pltpu.VMEM((KS, D), jnp.float32),
            pltpu.VMEM_SHARED((NPAD, D), jnp.float32),
            pltpu.SemaphoreType.DMA,
            pltpu.SemaphoreType.DMA,
            pltpu.SemaphoreType.DMA,
            pltpu.SemaphoreType.DMA,
            pltpu.SemaphoreType.DMA,
        ],
    )



def _dinv_of(degb):
    return lax.rsqrt(degb[:, 0] + degb[:, 1] + 1.0)


def _tc1_body(x_ref, w_ref, deg_ref, out_ref):
    dinv = _dinv_of(deg_ref[...])
    h = jnp.dot(x_ref[...], w_ref[...], preferred_element_type=jnp.float32)
    out_ref[...] = h * dinv[:, None]


def _tc1(x, W1, deg2):
    return pl.pallas_call(
        _tc1_body,
        grid=(N // BLK,),
        in_specs=[
            pl.BlockSpec((BLK, D), lambda i: (i, 0)),
            pl.BlockSpec((D, H), lambda i: (0, 0)),
            pl.BlockSpec((BLK, NC), lambda i: (i, 0)),
        ],
        out_specs=pl.BlockSpec((BLK, H), lambda i: (i, 0)),
        out_shape=jax.ShapeDtypeStruct((N, H), jnp.float32),
    )(x, W1, deg2)


def _ln_relu(t, w, b):
    mu = jnp.mean(t, axis=-1, keepdims=True)
    var = jnp.mean((t - mu) ** 2, axis=-1, keepdims=True)
    t = (t - mu) * lax.rsqrt(var + 1e-5) * w + b
    return jnp.maximum(t, 0.0)


def _tc2_body(hs_ref, acc_ref, deg_ref, b_ref, lnw_ref, lnb_ref, w2_ref,
              out_ref):
    dinv = _dinv_of(deg_ref[...])
    a = acc_ref[0] + acc_ref[1]
    t = (hs_ref[...] + a) * dinv[:, None] + b_ref[...]
    t = _ln_relu(t, lnw_ref[...], lnb_ref[...])
    h2 = jnp.dot(t, w2_ref[...], preferred_element_type=jnp.float32)
    out_ref[...] = h2 * dinv[:, None]


def _tc2(hs1, acc1, deg2, b1, lnw, lnb, W2):
    return pl.pallas_call(
        _tc2_body,
        grid=(N // BLK,),
        in_specs=[
            pl.BlockSpec((BLK, H), lambda i: (i, 0)),
            pl.BlockSpec((NC, BLK, H), lambda i: (0, i, 0)),
            pl.BlockSpec((BLK, NC), lambda i: (i, 0)),
            pl.BlockSpec((1, H), lambda i: (0, 0)),
            pl.BlockSpec((1, H), lambda i: (0, 0)),
            pl.BlockSpec((1, H), lambda i: (0, 0)),
            pl.BlockSpec((H, H), lambda i: (0, 0)),
        ],
        out_specs=pl.BlockSpec((BLK, H), lambda i: (i, 0)),
        out_shape=jax.ShapeDtypeStruct((N, H), jnp.float32),
    )(hs1, acc1, deg2, b1.reshape(1, H), lnw.reshape(1, H),
      lnb.reshape(1, H), W2)


NB = N // BLK


def _tc34_body(hs_ref, acc_ref, deg_ref, b_ref, lnw_ref, lnb_ref,
               wg_ref, bg_ref, wf1_ref, bf1_ref, wf2_ref, bf2_ref,
               out_ref, h_scr, gsum_scr):
    i = pl.program_id(0)

    @pl.when(i < NB)
    def _():
        dinv = _dinv_of(deg_ref[...])
        a = acc_ref[0] + acc_ref[1]
        t = (hs_ref[...] + a) * dinv[:, None] + b_ref[...]
        t = _ln_relu(t, lnw_ref[...], lnb_ref[...])
        h_scr[pl.ds(i * BLK, BLK)] = t

        @pl.when(i == 0)
        def _():
            gsum_scr[...] = jnp.zeros_like(gsum_scr)

        gsum_scr[...] += jnp.sum(t, axis=0, keepdims=True)

    @pl.when(i >= NB)
    def _():
        g = gsum_scr[...] * (1.0 / N)
        tg = jnp.dot(g, wg_ref[...], preferred_element_type=jnp.float32) \
            + bg_ref[...]
        r = h_scr[pl.ds((i - NB) * BLK, BLK)] + tg
        r = jnp.dot(r, wf1_ref[...], preferred_element_type=jnp.float32) \
            + bf1_ref[...]
        r = jnp.maximum(r, 0.0)
        o = jnp.dot(r, wf2_ref[...], preferred_element_type=jnp.float32) \
            + bf2_ref[...]
        out_ref[...] = jnp.tanh(o)


def _tc34(hs2, acc2, deg2, b2, lnw, lnb, Wg, bg, Wf1, bf1, Wf2, bf2):
    lo = lambda i: (jnp.minimum(i, NB - 1), 0)
    lo3 = lambda i: (0, jnp.minimum(i, NB - 1), 0)
    z = lambda i: (0, 0)
    return pl.pallas_call(
        _tc34_body,
        grid=(2 * NB,),
        in_specs=[
            pl.BlockSpec((BLK, H), lo),
            pl.BlockSpec((NC, BLK, H), lo3),
            pl.BlockSpec((BLK, NC), lo),
            pl.BlockSpec((1, H), z),
            pl.BlockSpec((1, H), z),
            pl.BlockSpec((1, H), z),
            pl.BlockSpec((H, H), z),
            pl.BlockSpec((1, H), z),
            pl.BlockSpec((H, H // 2), z),
            pl.BlockSpec((1, H // 2), z),
            pl.BlockSpec((H // 2, C), z),
            pl.BlockSpec((1, C), z),
        ],
        out_specs=pl.BlockSpec((BLK, C), lambda i: (jnp.maximum(i - NB, 0),
                                                    0)),
        out_shape=jax.ShapeDtypeStruct((N, C), jnp.float32),
        scratch_shapes=[
            pltpu.VMEM((N, H), jnp.float32),
            pltpu.VMEM((1, H), jnp.float32),
        ],
    )(hs2, acc2, deg2, b2.reshape(1, H), lnw.reshape(1, H),
      lnb.reshape(1, H), Wg, bg.reshape(1, H), Wf1, bf1.reshape(1, H // 2),
      Wf2, bf2.reshape(1, C))



def kernel(x, edge_index, W1, b1, ln1_w, ln1_b, W2, b2, ln2_w, ln2_b,
           Wg, bg, Wf1, bf1, Wf2, bf2):
    src2 = edge_index[0].reshape(NW, EPT)
    dst3 = edge_index[1].reshape(NW, NCHUNK, KS)

    deg2 = _sc_degree_kernel()(dst3).T
    hs1 = _tc1(x, W1, deg2)
    acc1 = _sc_scatter_kernel()(src2, dst3, hs1)
    hs2 = _tc2(hs1, acc1, deg2, b1, ln1_w, ln1_b, W2)
    acc2 = _sc_scatter_kernel()(src2, dst3, hs2)
    return _tc34(hs2, acc2, deg2, b2, ln2_w, ln2_b,
                 Wg, bg, Wf1, bf1, Wf2, bf2)

# --- scband reference (transcript-rebuilt; emitter-appended) ---
"""Pipeline reference for scband-residual-gnnv3-88914412961893 (READ-ONLY COPY).

The authoritative reference and input builder live on the scoring server;
editing this copy changes nothing except your own understanding.
"""

import jax, jax.numpy as jnp
import numpy as np

N = 10000
E = 320000
D = 128
H = 128
C = 3

def setup_inputs(seed: int = 0) -> dict:
    key = jax.random.key(seed)
    ks = jax.random.split(key, 20)
    s = 1.0 / np.sqrt(D)
    inp = {}
    inp["x"] = jax.random.normal(ks[0], (N, D), dtype=jnp.float32)
    inp["edge_index"] = jax.random.randint(ks[1], (2, E), 0, N, dtype=jnp.int32)
    inp["W1"] = jax.random.normal(ks[2], (D, H), dtype=jnp.float32) * s
    inp["b1"] = jnp.zeros((H,), dtype=jnp.float32)
    inp["ln1_w"] = jnp.ones((H,), dtype=jnp.float32)
    inp["ln1_b"] = jnp.zeros((H,), dtype=jnp.float32)
    inp["W2"] = jax.random.normal(ks[3], (H, H), dtype=jnp.float32) * s
    inp["b2"] = jnp.zeros((H,), dtype=jnp.float32)
    inp["ln2_w"] = jnp.ones((H,), dtype=jnp.float32)
    inp["ln2_b"] = jnp.zeros((H,), dtype=jnp.float32)
    inp["Wg"] = jax.random.normal(ks[4], (H, H), dtype=jnp.float32) * s
    inp["bg"] = jnp.zeros((H,), dtype=jnp.float32)
    inp["Wf1"] = jax.random.normal(ks[5], (H, H // 2), dtype=jnp.float32) * s
    inp["bf1"] = jnp.zeros((H // 2,), dtype=jnp.float32)
    inp["Wf2"] = jax.random.normal(ks[6], (H // 2, C), dtype=jnp.float32) * (1.0 / np.sqrt(H // 2))
    inp["bf2"] = jnp.zeros((C,), dtype=jnp.float32)
    return inp

def gcn_conv(x, edge_index, W, b):
    n = x.shape[0]
    src = edge_index[0]
    dst = edge_index[1]
    loop = jnp.arange(n, dtype=src.dtype)
    src = jnp.concatenate([src, loop])
    dst = jnp.concatenate([dst, loop])
    deg = jnp.zeros((n,), dtype=x.dtype).at[dst].add(1.0)
    dinv = jnp.where(deg > 0, 1.0 / jnp.sqrt(deg), 0.0)
    norm = dinv[src] * dinv[dst]
    h = x @ W
    msg = h[src] * norm[:, None]
    out = jnp.zeros_like(h).at[dst].add(msg)
    return out + b

def layer_norm_node(x, w, b, eps=1e-5):
    mu = jnp.mean(x, axis=-1, keepdims=True)
    var = jnp.mean((x - mu) ** 2, axis=-1, keepdims=True)
    return (x - mu) / jnp.sqrt(var + eps) * w + b

def reference(x, edge_index, W1, b1, ln1_w, ln1_b, W2, b2, ln2_w, ln2_b, Wg, bg, Wf1, bf1, Wf2, bf2):
    h = gcn_conv(x, edge_index, W1, b1)
    h = layer_norm_node(h, ln1_w, ln1_b)
    h = jax.nn.relu(h)
    h = gcn_conv(h, edge_index, W2, b2)
    h = layer_norm_node(h, ln2_w, ln2_b)
    h = jax.nn.relu(h)
    # synthetic batch: all nodes in one graph (dropout is identity in eval)
    batch = jnp.zeros((h.shape[0],), dtype=jnp.int32)
    g_sum = jax.ops.segment_sum(h, batch, num_segments=1)
    g_cnt = jax.ops.segment_sum(jnp.ones((h.shape[0],), dtype=h.dtype), batch, num_segments=1)
    g = g_sum / g_cnt[:, None]
    tg = g @ Wg + bg
    h = h + tg[batch]
    h = h @ Wf1 + bf1
    h = jax.nn.relu(h)  # i=0 in fc loop, i < len-2
    h = jax.nn.relu(h)  # fc_layers[1] is nn.ReLU()
    out = h @ Wf2 + bf2
    return jnp.tanh(out)

if __name__ == "__main__":
    import jax
    _d = setup_inputs()
    print(jax.jit(kernel)(*tuple(_d.values())))

</pallas_src>

<mosaic_0001>
#map = affine_map<(d0, d1) -> (0, 0, 0)>
#map1 = affine_map<(d0, d1) -> (0, 0)>
module attributes {stable_mosaic.version = 14 : i64} {
  func.func @_sc_degree_body(%arg0: i32, %arg1: i32, %arg2: memref<32x125x80xi32, #tpu.memory_space<hbm>>, %arg3: memref<2x10240xf32, #tpu.memory_space<hbm>>, %arg4: memref<125x80xi32, #tpu.memory_space<vmem>>, %arg5: memref<80xf32, #tpu.memory_space<vmem>>, %arg6: memref<640xf32, #tpu.memory_space<vmem>>, %arg7: memref<10240xf32, #tpu.memory_space<vmem_shared>>, %arg8: memref<!tpu.dma_semaphore, #tpu.memory_space<semaphore_mem>>, %arg9: memref<!tpu.dma_semaphore, #tpu.memory_space<semaphore_mem>>, %arg10: memref<!tpu.dma_semaphore, #tpu.memory_space<semaphore_mem>>) attributes {dimension_semantics = [#tpu.dimension_semantics<core_parallel>, #tpu.dimension_semantics<subcore_parallel>], iteration_bounds = array<i64: 2, 16>, scalar_prefetch = 0 : i64, scratch_operands = 7 : i64, tpu.core_type = #tpu.core_type<sc_vector_subcore>, window_params = [{transform_indices = #map}, {transform_indices = #map1}]} {
    %mul3A = arith.constant 2 : i32
    %mul3A_0 = arith.muli %arg1, %mul3A : i32
    %add3A = arith.addi %mul3A_0, %arg0 : i32
    %dma_start3A = arith.constant 0 : i32
    %dma_start3A_1 = arith.constant 0 : i32
    %dma_start3A_2 = tpu.memref_slice %arg2[%add3A, %dma_start3A, %dma_start3A_1] : memref<32x125x80xi32, #tpu.memory_space<hbm>> -> memref<1x125x80xi32, #tpu.memory_space<hbm>>
    %dma_start3A_3 = tpu.memref_squeeze %dma_start3A_2 : memref<1x125x80xi32, #tpu.memory_space<hbm>> -> memref<125x80xi32, #tpu.memory_space<hbm>>
    %dma_start3A_4 = arith.constant 0 : i32
    %dma_start3A_5 = arith.constant 0 : i32
    %dma_start3A_6 = tpu.memref_slice %arg2[%add3A, %dma_start3A_4, %dma_start3A_5] : memref<32x125x80xi32, #tpu.memory_space<hbm>> -> memref<1x125x80xi32, #tpu.memory_space<hbm>>
    %dma_start3A_7 = tpu.memref_squeeze %dma_start3A_6 : memref<1x125x80xi32, #tpu.memory_space<hbm>> -> memref<125x80xi32, #tpu.memory_space<hbm>>
    tpu.enqueue_dma source(%dma_start3A_7 : memref<125x80xi32, #tpu.memory_space<hbm>>) target(%arg4 : memref<125x80xi32, #tpu.memory_space<vmem>>) target_semaphore(%arg8 : memref<!tpu.dma_semaphore, #tpu.memory_space<semaphore_mem>>)
    %broadcast_in_dim3A = arith.constant 0.000000e+00 : f32
    %broadcast_in_dim3A_8 = vector.broadcast %broadcast_in_dim3A : f32 to vector<16xf32>
    %broadcast_in_dim3A_9 = arith.constant 1.000000e+00 : f32
    %broadcast_in_dim3A_10 = vector.broadcast %broadcast_in_dim3A_9 : f32 to vector<16xf32>
    %swap3A = arith.constant 0 : index
    %swap3A_11 = tpu.vector_load %arg5[%swap3A] {strides = array<i32>} : memref<80xf32, #tpu.memory_space<vmem>>, vector<16xf32>,
    %swap3A_12 = vector.shape_cast %swap3A_11 : vector<16xf32> to vector<16xf32>
    %swap3A_13 = vector.shape_cast %broadcast_in_dim3A_10 : vector<16xf32> to vector<16xf32>
    tpu.vector_store %arg5[%swap3A], %swap3A_13 {strides = array<i32>} : memref<80xf32, #tpu.memory_space<vmem>>, vector<16xf32>,
    %swap3A_14 = arith.constant 16 : index
    %swap3A_15 = tpu.vector_load %arg5[%swap3A_14] {strides = array<i32>} : memref<80xf32, #tpu.memory_space<vmem>>, vector<16xf32>,
    %swap3A_16 = vector.shape_cast %swap3A_15 : vector<16xf32> to vector<16xf32>
    %swap3A_17 = vector.shape_cast %broadcast_in_dim3A_10 : vector<16xf32> to vector<16xf32>
    tpu.vector_store %arg5[%swap3A_14], %swap3A_17 {strides = array<i32>} : memref<80xf32, #tpu.memory_space<vmem>>, vector<16xf32>,
    %swap3A_18 = arith.constant 32 : index
    %swap3A_19 = tpu.vector_load %arg5[%swap3A_18] {strides = array<i32>} : memref<80xf32, #tpu.memory_space<vmem>>, vector<16xf32>,
    %swap3A_20 = vector.shape_cast %swap3A_19 : vector<16xf32> to vector<16xf32>
    %swap3A_21 = vector.shape_cast %broadcast_in_dim3A_10 : vector<16xf32> to vector<16xf32>
    tpu.vector_store %arg5[%swap3A_18], %swap3A_21 {strides = array<i32>} : memref<80xf32, #tpu.memory_space<vmem>>, vector<16xf32>,
    %swap3A_22 = arith.constant 48 : index
    %swap3A_23 = tpu.vector_load %arg5[%swap3A_22] {strides = array<i32>} : memref<80xf32, #tpu.memory_space<vmem>>, vector<16xf32>,
    %swap3A_24 = vector.shape_cast %swap3A_23 : vector<16xf32> to vector<16xf32>
    %swap3A_25 = vector.shape_cast %broadcast_in_dim3A_10 : vector<16xf32> to vector<16xf32>
    tpu.vector_store %arg5[%swap3A_22], %swap3A_25 {strides = array<i32>} : memref<80xf32, #tpu.memory_space<vmem>>, vector<16xf32>,
    %swap3A_26 = arith.constant 64 : index
    %swap3A_27 = tpu.vector_load %arg5[%swap3A_26] {strides = array<i32>} : memref<80xf32, #tpu.memory_space<vmem>>, vector<16xf32>,
    %swap3A_28 = vector.shape_cast %swap3A_27 : vector<16xf32> to vector<16xf32>
    %swap3A_29 = vector.shape_cast %broadcast_in_dim3A_10 : vector<16xf32> to vector<16xf32>
    tpu.vector_store %arg5[%swap3A_26], %swap3A_29 {strides = array<i32>} : memref<80xf32, #tpu.memory_space<vmem>>, vector<16xf32>,
    %swap3A_30 = arith.constant 0 : index
    %swap3A_31 = tpu.vector_load %arg6[%swap3A_30] {strides = array<i32>} : memref<640xf32, #tpu.memory_space<vmem>>, vector<16xf32>,
    %swap3A_32 = vector.shape_cast %swap3A_31 : vector<16xf32> to vector<16xf32>
    %swap3A_33 = vector.shape_cast %broadcast_in_dim3A_8 : vector<16xf32> to vector<16xf32>
    tpu.vector_store %arg6[%swap3A_30], %swap3A_33 {strides = array<i32>} : memref<640xf32, #tpu.memory_space<vmem>>, vector<16xf32>,
    %swap3A_34 = arith.constant 16 : index
    %swap3A_35 = tpu.vector_load %arg6[%swap3A_34] {strides = array<i32>} : memref<640xf32, #tpu.memory_space<vmem>>, vector<16xf32>,
    %swap3A_36 = vector.shape_cast %swap3A_35 : vector<16xf32> to vector<16xf32>
    %swap3A_37 = vector.shape_cast %broadcast_in_dim3A_8 : vector<16xf32> to vector<16xf32>
    tpu.vector_store %arg6[%swap3A_34], %swap3A_37 {strides = array<i32>} : memref<640xf32, #tpu.memory_space<vmem>>, vector<16xf32>,
    %swap3A_38 = arith.constant 32 : index
    %swap3A_39 = tpu.vector_load %arg6[%swap3A_38] {strides = array<i32>} : memref<640xf32, #tpu.memory_space<vmem>>, vector<16xf32>,
    %swap3A_40 = vector.shape_cast %swap3A_39 : vector<16xf32> to vector<16xf32>
    %swap3A_41 = vector.shape_cast %broadcast_in_dim3A_8 : vector<16xf32> to vector<16xf32>
    tpu.vector_store %arg6[%swap3A_38], %swap3A_41 {strides = array<i32>} : memref<640xf32, #tpu.memory_space<vmem>>, vector<16xf32>,
    %swap3A_42 = arith.constant 48 : index
    %swap3A_43 = tpu.vector_load %arg6[%swap3A_42] {strides = array<i32>} : memref<640xf32, #tpu.memory_space<vmem>>, vector<16xf32>,
    %swap3A_44 = vector.shape_cast %swap3A_43 : vector<16xf32> to vector<16xf32>
    %swap3A_45 = vector.shape_cast %broadcast_in_dim3A_8 : vector<16xf32> to vector<16xf32>
    tpu.vector_store %arg6[%swap3A_42], %swap3A_45 {strides = array<i32>} : memref<640xf32, #tpu.memory_space<vmem>>, vector<16xf32>,
    %swap3A_46 = arith.constant 64 : index
    %swap3A_47 = tpu.vector_load %arg6[%swap3A_46] {strides = array<i32>} : memref<640xf32, #tpu.memory_space<vmem>>, vector<16xf32>,
    %swap3A_48 = vector.shape_cast %swap3A_47 : vector<16xf32> to vector<16xf32>
    %swap3A_49 = vector.shape_cast %broadcast_in_dim3A_8 : vector<16xf32> to vector<16xf32>
    tpu.vector_store %arg6[%swap3A_46], %swap3A_49 {strides = array<i32>} : memref<640xf32, #tpu.memory_space<vmem>>, vector<16xf32>,
    %swap3A_50 = arith.constant 80 : index
    %swap3A_51 = tpu.vector_load %arg6[%swap3A_50] {strides = array<i32>} : memref<640xf32, #tpu.memory_space<vmem>>, vector<16xf32>,
    %swap3A_52 = vector.shape_cast %swap3A_51 : vector<16xf32> to vector<16xf32>
    %swap3A_53 = vector.shape_cast %broadcast_in_dim3A_8 : vector<16xf32> to vector<16xf32>
    tpu.vector_store %arg6[%swap3A_50], %swap3A_53 {strides = array<i32>} : memref<640xf32, #tpu.memory_space<vmem>>, vector<16xf32>,
    %swap3A_54 = arith.constant 96 : index
    %swap3A_55 = tpu.vector_load %arg6[%swap3A_54] {strides = array<i32>} : memref<640xf32, #tpu.memory_space<vmem>>, vector<16xf32>,
    %swap3A_56 = vector.shape_cast %swap3A_55 : vector<16xf32> to vector<16xf32>
    %swap3A_57 = vector.shape_cast %broadcast_in_dim3A_8 : vector<16xf32> to vector<16xf32>
    tpu.vector_store %arg6[%swap3A_54], %swap3A_57 {strides = array<i32>} : memref<640xf32, #tpu.memory_space<vmem>>, vector<16xf32>,
    %swap3A_58 = arith.constant 112 : index
    %swap3A_59 = tpu.vector_load %arg6[%swap3A_58] {strides = array<i32>} : memref<640xf32, #tpu.memory_space<vmem>>, vector<16xf32>,
    %swap3A_60 = vector.shape_cast %swap3A_59 : vector<16xf32> to vector<16xf32>
    %swap3A_61 = vector.shape_cast %broadcast_in_dim3A_8 : vector<16xf32> to vector<16xf32>
    tpu.vector_store %arg6[%swap3A_58], %swap3A_61 {strides = array<i32>} : memref<640xf32, #tpu.memory_space<vmem>>, vector<16xf32>,
    %swap3A_62 = arith.constant 128 : index
    %swap3A_63 = tpu.vector_load %arg6[%swap3A_62] {strides = array<i32>} : memref<640xf32, #tpu.memory_space<vmem>>, vector<16xf32>,
    %swap3A_64 = vector.shape_cast %swap3A_63 : vector<16xf32> to vector<16xf32>
    %swap3A_65 = vector.shape_cast %broadcast_in_dim3A_8 : vector<16xf32> to vector<16xf32>
    tpu.vector_store %arg6[%swap3A_62], %swap3A_65 {strides = array<i32>} : memref<640xf32, #tpu.memory_space<vmem>>, vector<16xf32>,
    %swap3A_66 = arith.constant 144 : index
    %swap3A_67 = tpu.vector_load %arg6[%swap3A_66] {strides = array<i32>} : memref<640xf32, #tpu.memory_space<vmem>>, vector<16xf32>,
    %swap3A_68 = vector.shape_cast %swap3A_67 : vector<16xf32> to vector<16xf32>
    %swap3A_69 = vector.shape_cast %broadcast_in_dim3A_8 : vector<16xf32> to vector<16xf32>
    tpu.vector_store %arg6[%swap3A_66], %swap3A_69 {strides = array<i32>} : memref<640xf32, #tpu.memory_space<vmem>>, vector<16xf32>,
    %swap3A_70 = arith.constant 160 : index
    %swap3A_71 = tpu.vector_load %arg6[%swap3A_70] {strides = array<i32>} : memref<640xf32, #tpu.memory_space<vmem>>, vector<16xf32>,
    %swap3A_72 = vector.shape_cast %swap3A_71 : vector<16xf32> to vector<16xf32>
    %swap3A_73 = vector.shape_cast %broadcast_in_dim3A_8 : vector<16xf32> to vector<16xf32>
    tpu.vector_store %arg6[%swap3A_70], %swap3A_73 {strides = array<i32>} : memref<640xf32, #tpu.memory_space<vmem>>, vector<16xf32>,
    %swap3A_74 = arith.constant 176 : index
    %swap3A_75 = tpu.vector_load %arg6[%swap3A_74] {strides = array<i32>} : memref<640xf32, #tpu.memory_space<vmem>>, vector<16xf32>,
    %swap3A_76 = vector.shape_cast %swap3A_75 : vector<16xf32> to vector<16xf32>
    %swap3A_77 = vector.shape_cast %broadcast_in_dim3A_8 : vector<16xf32> to vector<16xf32>
    tpu.vector_store %arg6[%swap3A_74], %swap3A_77 {strides = array<i32>} : memref<640xf32, #tpu.memory_space<vmem>>, vector<16xf32>,
    %swap3A_78 = arith.constant 192 : index
    %swap3A_79 = tpu.vector_load %arg6[%swap3A_78] {strides = array<i32>} : memref<640xf32, #tpu.memory_space<vmem>>, vector<16xf32>,
    %swap3A_80 = vector.shape_cast %swap3A_79 : vector<16xf32> to vector<16xf32>
    %swap3A_81 = vector.shape_cast %broadcast_in_dim3A_8 : vector<16xf32> to vector<16xf32>
    tpu.vector_store %arg6[%swap3A_78], %swap3A_81 {strides = array<i32>} : memref<640xf32, #tpu.memory_space<vmem>>, vector<16xf32>,
    %swap3A_82 = arith.constant 208 : index
    %swap3A_83 = tpu.vector_load %arg6[%swap3A_82] {strides = array<i32>} : memref<640xf32, #tpu.memory_space<vmem>>, vector<16xf32>,
    %swap3A_84 = vector.shape_cast %swap3A_83 : vector<16xf32> to vector<16xf32>
    %swap3A_85 = vector.shape_cast %broadcast_in_dim3A_8 : vector<16xf32> to vector<16xf32>
    tpu.vector_store %arg6[%swap3A_82], %swap3A_85 {strides = array<i32>} : memref<640xf32, #tpu.memory_space<vmem>>, vector<16xf32>,
    %swap3A_86 = arith.constant 224 : index
    %swap3A_87 = tpu.vector_load %arg6[%swap3A_86] {strides = array<i32>} : memref<640xf32, #tpu.memory_space<vmem>>, vector<16xf32>,
    %swap3A_88 = vector.shape_cast %swap3A_87 : vector<16xf32> to vector<16xf32>
    %swap3A_89 = vector.shape_cast %broadcast_in_dim3A_8 : vector<16xf32> to vector<16xf32>
    tpu.vector_store %arg6[%swap3A_86], %swap3A_89 {strides = array<i32>} : memref<640xf32, #tpu.memory_space<vmem>>, vector<16xf32>,
    %swap3A_90 = arith.constant 240 : index
    %swap3A_91 = tpu.vector_load %arg6[%swap3A_90] {strides = array<i32>} : memref<640xf32, #tpu.memory_space<vmem>>, vector<16xf32>,
    %swap3A_92 = vector.shape_cast %swap3A_91 : vector<16xf32> to vector<16xf32>
    %swap3A_93 = vector.shape_cast %broadcast_in_dim3A_8 : vector<16xf32> to vector<16xf32>
    tpu.vector_store %arg6[%swap3A_90], %swap3A_93 {strides = array<i32>} : memref<640xf32, #tpu.memory_space<vmem>>, vector<16xf32>,
    %swap3A_94 = arith.constant 256 : index
    %swap3A_95 = tpu.vector_load %arg6[%swap3A_94] {strides = array<i32>} : memref<640xf32, #tpu.memory_space<vmem>>, vector<16xf32>,
    %swap3A_96 = vector.shape_cast %swap3A_95 : vector<16xf32> to vector<16xf32>
    %swap3A_97 = vector.shape_cast %broadcast_in_dim3A_8 : vector<16xf32> to vector<16xf32>
    tpu.vector_store %arg6[%swap3A_94], %swap3A_97 {strides = array<i32>} : memref<640xf32, #tpu.memory_space<vmem>>, vector<16xf32>,
    %swap3A_98 = arith.constant 272 : index
    %swap3A_99 = tpu.vector_load %arg6[%swap3A_98] {strides = array<i32>} : memref<640xf32, #tpu.memory_space<vmem>>, vector<16xf32>,
    %swap3A_100 = vector.shape_cast %swap3A_99 : vector<16xf32> to vector<16xf32>
    %swap3A_101 = vector.shape_cast %broadcast_in_dim3A_8 : vector<16xf32> to vector<16xf32>
    tpu.vector_store %arg6[%swap3A_98], %swap3A_101 {strides = array<i32>} : memref<640xf32, #tpu.memory_space<vmem>>, vector<16xf32>,
    %swap3A_102 = arith.constant 288 : index
    %swap3A_103 = tpu.vector_load %arg6[%swap3A_102] {strides = array<i32>} : memref<640xf32, #tpu.memory_space<vmem>>, vector<16xf32>,
    %swap3A_104 = vector.shape_cast %swap3A_103 : vector<16xf32> to vector<16xf32>
    %swap3A_105 = vector.shape_cast %broadcast_in_dim3A_8 : vector<16xf32> to vector<16xf32>
    tpu.vector_store %arg6[%swap3A_102], %swap3A_105 {strides = array<i32>} : memref<640xf32, #tpu.memory_space<vmem>>, vector<16xf32>,
    %swap3A_106 = arith.constant 304 : index
    %swap3A_107 = tpu.vector_load %arg6[%swap3A_106] {strides = array<i32>} : memref<640xf32, #tpu.memory_space<vmem>>, vector<16xf32>,
    %swap3A_108 = vector.shape_cast %swap3A_107 : vector<16xf32> to vector<16xf32>
    %swap3A_109 = vector.shape_cast %broadcast_in_dim3A_8 : vector<16xf32> to vector<16xf32>
    tpu.vector_store %arg6[%swap3A_106], %swap3A_109 {strides = array<i32>} : memref<640xf32, #tpu.memory_space<vmem>>, vector<16xf32>,
    %swap3A_110 = arith.constant 320 : index
    %swap3A_111 = tpu.vector_load %arg6[%swap3A_110] {strides = array<i32>} : memref<640xf32, #tpu.memory_space<vmem>>, vector<16xf32>,
    %swap3A_112 = vector.shape_cast %swap3A_111 : vector<16xf32> to vector<16xf32>
    %swap3A_113 = vector.shape_cast %broadcast_in_dim3A_8 : vector<16xf32> to vector<16xf32>
    tpu.vector_store %arg6[%swap3A_110], %swap3A_113 {strides = array<i32>} : memref<640xf32, #tpu.memory_space<vmem>>, vector<16xf32>,
    %swap3A_114 = arith.constant 336 : index
    %swap3A_115 = tpu.vector_load %arg6[%swap3A_114] {strides = array<i32>} : memref<640xf32, #tpu.memory_space<vmem>>, vector<16xf32>,
    %swap3A_116 = vector.shape_cast %swap3A_115 : vector<16xf32> to vector<16xf32>
    %swap3A_117 = vector.shape_cast %broadcast_in_dim3A_8 : vector<16xf32> to vector<16xf32>
    tpu.vector_store %arg6[%swap3A_114], %swap3A_117 {strides = array<i32>} : memref<640xf32, #tpu.memory_space<vmem>>, vector<16xf32>,
    %swap3A_118 = arith.constant 352 : index
    %swap3A_119 = tpu.vector_load %arg6[%swap3A_118] {strides = array<i32>} : memref<640xf32, #tpu.memory_space<vmem>>, vector<16xf32>,
    %swap3A_120 = vector.shape_cast %swap3A_119 : vector<16xf32> to vector<16xf32>
    %swap3A_121 = vector.shape_cast %broadcast_in_dim3A_8 : vector<16xf32> to vector<16xf32>
    tpu.vector_store %arg6[%swap3A_118], %swap3A_121 {strides = array<i32>} : memref<640xf32, #tpu.memory_space<vmem>>, vector<16xf32>,
    %swap3A_122 = arith.constant 368 : index
    %swap3A_123 = tpu.vector_load %arg6[%swap3A_122] {strides = array<i32>} : memref<640xf32, #tpu.memory_space<vmem>>, vector<16xf32>,
    %swap3A_124 = vector.shape_cast %swap3A_123 : vector<16xf32> to vector<16xf32>
    %swap3A_125 = vector.shape_cast %broadcast_in_dim3A_8 : vector<16xf32> to vector<16xf32>
    tpu.vector_store %arg6[%swap3A_122], %swap3A_125 {strides = array<i32>} : memref<640xf32, #tpu.memory_space<vmem>>, vector<16xf32>,
    %swap3A_126 = arith.constant 384 : index
    %swap3A_127 = tpu.vector_load %arg6[%swap3A_126] {strides = array<i32>} : memref<640xf32, #tpu.memory_space<vmem>>, vector<16xf32>,
    %swap3A_128 = vector.shape_cast %swap3A_127 : vector<16xf32> to vector<16xf32>
    %swap3A_129 = vector.shape_cast %broadcast_in_dim3A_8 : vector<16xf32> to vector<16xf32>
    tpu.vector_store %arg6[%swap3A_126], %swap3A_129 {strides = array<i32>} : memref<640xf32, #tpu.memory_space<vmem>>, vector<16xf32>,
    %swap3A_130 = arith.constant 400 : index
    %swap3A_131 = tpu.vector_load %arg6[%swap3A_130] {strides = array<i32>} : memref<640xf32, #tpu.memory_space<vmem>>, vector<16xf32>,
    %swap3A_132 = vector.shape_cast %swap3A_131 : vector<16xf32> to vector<16xf32>
    %swap3A_133 = vector.shape_cast %broadcast_in_dim3A_8 : vector<16xf32> to vector<16xf32>
    tpu.vector_store %arg6[%swap3A_130], %swap3A_133 {strides = array<i32>} : memref<640xf32, #tpu.memory_space<vmem>>, vector<16xf32>,
    %swap3A_134 = arith.constant 416 : index
    %swap3A_135 = tpu.vector_load %arg6[%swap3A_134] {strides = array<i32>} : memref<640xf32, #tpu.memory_space<vmem>>, vector<16xf32>,
    %swap3A_136 = vector.shape_cast %swap3A_135 : vector<16xf32> to vector<16xf32>
    %swap3A_137 = vector.shape_cast %broadcast_in_dim3A_8 : vector<16xf32> to vector<16xf32>
    tpu.vector_store %arg6[%swap3A_134], %swap3A_137 {strides = array<i32>} : memref<640xf32, #tpu.memory_space<vmem>>, vector<16xf32>,
    %swap3A_138 = arith.constant 432 : index
    %swap3A_139 = tpu.vector_load %arg6[%swap3A_138] {strides = array<i32>} : memref<640xf32, #tpu.memory_space<vmem>>, vector<16xf32>,
    %swap3A_140 = vector.shape_cast %swap3A_139 : vector<16xf32> to vector<16xf32>
    %swap3A_141 = vector.shape_cast %broadcast_in_dim3A_8 : vector<16xf32> to vector<16xf32>
    tpu.vector_store %arg6[%swap3A_138], %swap3A_141 {strides = array<i32>} : memref<640xf32, #tpu.memory_space<vmem>>, vector<16xf32>,
    %swap3A_142 = arith.constant 448 : index
    %swap3A_143 = tpu.vector_load %arg6[%swap3A_142] {strides = array<i32>} : memref<640xf32, #tpu.memory_space<vmem>>, vector<16xf32>,
    %swap3A_144 = vector.shape_cast %swap3A_143 : vector<16xf32> to vector<16xf32>
    %swap3A_145 = vector.shape_cast %broadcast_in_dim3A_8 : vector<16xf32> to vector<16xf32>
    tpu.vector_store %arg6[%swap3A_142], %swap3A_145 {strides = array<i32>} : memref<640xf32, #tpu.memory_space<vmem>>, vector<16xf32>,
    %swap3A_146 = arith.constant 464 : index
    %swap3A_147 = tpu.vector_load %arg6[%swap3A_146] {strides = array<i32>} : memref<640xf32, #tpu.memory_space<vmem>>, vector<16xf32>,
    %swap3A_148 = vector.shape_cast %swap3A_147 : vector<16xf32> to vector<16xf32>
    %swap3A_149 = vector.shape_cast %broadcast_in_dim3A_8 : vector<16xf32> to vector<16xf32>
    tpu.vector_store %arg6[%swap3A_146], %swap3A_149 {strides = array<i32>} : memref<640xf32, #tpu.memory_space<vmem>>, vector<16xf32>,
    %swap3A_150 = arith.constant 480 : index
    %swap3A_151 = tpu.vector_load %arg6[%swap3A_150] {strides = array<i32>} : memref<640xf32, #tpu.memory_space<vmem>>, vector<16xf32>,
    %swap3A_152 = vector.shape_cast %swap3A_151 : vector<16xf32> to vector<16xf32>
    %swap3A_153 = vector.shape_cast %broadcast_in_dim3A_8 : vector<16xf32> to vector<16xf32>
    tpu.vector_store %arg6[%swap3A_150], %swap3A_153 {strides = array<i32>} : memref<640xf32, #tpu.memory_space<vmem>>, vector<16xf32>,
    %swap3A_154 = arith.constant 496 : index
    %swap3A_155 = tpu.vector_load %arg6[%swap3A_154] {strides = array<i32>} : memref<640xf32, #tpu.memory_space<vmem>>, vector<16xf32>,
    %swap3A_156 = vector.shape_cast %swap3A_155 : vector<16xf32> to vector<16xf32>
    %swap3A_157 = vector.shape_cast %broadcast_in_dim3A_8 : vector<16xf32> to vector<16xf32>
    tpu.vector_store %arg6[%swap3A_154], %swap3A_157 {strides = array<i32>} : memref<640xf32, #tpu.memory_space<vmem>>, vector<16xf32>,
    %swap3A_158 = arith.constant 512 : index
    %swap3A_159 = tpu.vector_load %arg6[%swap3A_158] {strides = array<i32>} : memref<640xf32, #tpu.memory_space<vmem>>, vector<16xf32>,
    %swap3A_160 = vector.shape_cast %swap3A_159 : vector<16xf32> to vector<16xf32>
    %swap3A_161 = vector.shape_cast %broadcast_in_dim3A_8 : vector<16xf32> to vector<16xf32>
    tpu.vector_store %arg6[%swap3A_158], %swap3A_161 {strides = array<i32>} : memref<640xf32, #tpu.memory_space<vmem>>, vector<16xf32>,
    %swap3A_162 = arith.constant 528 : index
    %swap3A_163 = tpu.vector_load %arg6[%swap3A_162] {strides = array<i32>} : memref<640xf32, #tpu.memory_space<vmem>>, vector<16xf32>,
    %swap3A_164 = vector.shape_cast %swap3A_163 : vector<16xf32> to vector<16xf32>
    %swap3A_165 = vector.shape_cast %broadcast_in_dim3A_8 : vector<16xf32> to vector<16xf32>
    tpu.vector_store %arg6[%swap3A_162], %swap3A_165 {strides = array<i32>} : memref<640xf32, #tpu.memory_space<vmem>>, vector<16xf32>,
    %swap3A_166 = arith.constant 544 : index
    %swap3A_167 = tpu.vector_load %arg6[%swap3A_166] {strides = array<i32>} : memref<640xf32, #tpu.memory_space<vmem>>, vector<16xf32>,
    %swap3A_168 = vector.shape_cast %swap3A_167 : vector<16xf32> to vector<16xf32>
    %swap3A_169 = vector.shape_cast %broadcast_in_dim3A_8 : vector<16xf32> to vector<16xf32>
    tpu.vector_store %arg6[%swap3A_166], %swap3A_169 {strides = array<i32>} : memref<640xf32, #tpu.memory_space<vmem>>, vector<16xf32>,
    %swap3A_170 = arith.constant 560 : index
    %swap3A_171 = tpu.vector_load %arg6[%swap3A_170] {strides = array<i32>} : memref<640xf32, #tpu.memory_space<vmem>>, vector<16xf32>,
    %swap3A_172 = vector.shape_cast %swap3A_171 : vector<16xf32> to vector<16xf32>
    %swap3A_173 = vector.shape_cast %broadcast_in_dim3A_8 : vector<16xf32> to vector<16xf32>
    tpu.vector_store %arg6[%swap3A_170], %swap3A_173 {strides = array<i32>} : memref<640xf32, #tpu.memory_space<vmem>>, vector<16xf32>,
    %swap3A_174 = arith.constant 576 : index
    %swap3A_175 = tpu.vector_load %arg6[%swap3A_174] {strides = array<i32>} : memref<640xf32, #tpu.memory_space<vmem>>, vector<16xf32>,
    %swap3A_176 = vector.shape_cast %swap3A_175 : vector<16xf32> to vector<16xf32>
    %swap3A_177 = vector.shape_cast %broadcast_in_dim3A_8 : vector<16xf32> to vector<16xf32>
    tpu.vector_store %arg6[%swap3A_174], %swap3A_177 {strides = array<i32>} : memref<640xf32, #tpu.memory_space<vmem>>, vector<16xf32>,
    %swap3A_178 = arith.constant 592 : index
    %swap3A_179 = tpu.vector_load %arg6[%swap3A_178] {strides = array<i32>} : memref<640xf32, #tpu.memory_space<vmem>>, vector<16xf32>,
    %swap3A_180 = vector.shape_cast %swap3A_179 : vector<16xf32> to vector<16xf32>
    %swap3A_181 = vector.shape_cast %broadcast_in_dim3A_8 : vector<16xf32> to vector<16xf32>
    tpu.vector_store %arg6[%swap3A_178], %swap3A_181 {strides = array<i32>} : memref<640xf32, #tpu.memory_space<vmem>>, vector<16xf32>,
    %swap3A_182 = arith.constant 608 : index
    %swap3A_183 = tpu.vector_load %arg6[%swap3A_182] {strides = array<i32>} : memref<640xf32, #tpu.memory_space<vmem>>, vector<16xf32>,
    %swap3A_184 = vector.shape_cast %swap3A_183 : vector<16xf32> to vector<16xf32>
    %swap3A_185 = vector.shape_cast %broadcast_in_dim3A_8 : vector<16xf32> to vector<16xf32>
    tpu.vector_store %arg6[%swap3A_182], %swap3A_185 {strides = array<i32>} : memref<640xf32, #tpu.memory_space<vmem>>, vector<16xf32>,
    %swap3A_186 = arith.constant 624 : index
    %swap3A_187 = tpu.vector_load %arg6[%swap3A_186] {strides = array<i32>} : memref<640xf32, #tpu.memory_space<vmem>>, vector<16xf32>,
    %swap3A_188 = vector.shape_cast %swap3A_187 : vector<16xf32> to vector<16xf32>
    %swap3A_189 = vector.shape_cast %broadcast_in_dim3A_8 : vector<16xf32> to vector<16xf32>
    tpu.vector_store %arg6[%swap3A_186], %swap3A_189 {strides = array<i32>} : memref<640xf32, #tpu.memory_space<vmem>>, vector<16xf32>,
    %mul3A_190 = arith.constant 640 : i32
    %mul3A_191 = arith.muli %arg1, %mul3A_190 : i32
    "tpu.region"() ({
      %run_scoped3A = tpu.sem_alloc : memref<!tpu.dma_semaphore, #tpu.memory_space<semaphore_mem>>
      %dma_start3A_246 = tpu.memref_slice %arg7[%mul3A_191] : memref<10240xf32, #tpu.memory_space<vmem_shared>> -> memref<640xf32, #tpu.memory_space<vmem_shared>>
      %dma_start3A_247 = tpu.memref_slice %arg7[%mul3A_191] : memref<10240xf32, #tpu.memory_space<vmem_shared>> -> memref<640xf32, #tpu.memory_space<vmem_shared>>
      tpu.enqueue_dma source(%arg6 : memref<640xf32, #tpu.memory_space<vmem>>) target(%dma_start3A_247 : memref<640xf32, #tpu.memory_space<vmem_shared>>) target_semaphore(%run_scoped3A : memref<!tpu.dma_semaphore, #tpu.memory_space<semaphore_mem>>)
      %dma_wait3A_248 = tpu.memref_slice %arg7[%mul3A_191] : memref<10240xf32, #tpu.memory_space<vmem_shared>> -> memref<640xf32, #tpu.memory_space<vmem_shared>>
      %dma_wait3A_249 = tpu.memref_slice %arg7[%mul3A_191] : memref<10240xf32, #tpu.memory_space<vmem_shared>> -> memref<640xf32, #tpu.memory_space<vmem_shared>>
      tpu.wait_dma2 semaphore(%run_scoped3A : memref<!tpu.dma_semaphore, #tpu.memory_space<semaphore_mem>>) src(%arg6 : memref<640xf32, #tpu.memory_space<vmem>>) dst(%dma_wait3A_249 : memref<640xf32, #tpu.memory_space<vmem_shared>>)
      tpu.yield
    }) : () -> ()
    %dma_wait3A = arith.constant 0 : i32
    %dma_wait3A_192 = arith.constant 0 : i32
    %dma_wait3A_193 = arith.constant 0 : i32
    %dma_wait3A_194 = tpu.memref_slice %arg2[%dma_wait3A, %dma_wait3A_192, %dma_wait3A_193] : memref<32x125x80xi32, #tpu.memory_space<hbm>> -> memref<1x125x80xi32, #tpu.memory_space<hbm>>
    %dma_wait3A_195 = tpu.memref_squeeze %dma_wait3A_194 : memref<1x125x80xi32, #tpu.memory_space<hbm>> -> memref<125x80xi32, #tpu.memory_space<hbm>>
    %dma_wait3A_196 = arith.constant 0 : i32
    %dma_wait3A_197 = arith.constant 0 : i32
    %dma_wait3A_198 = tpu.memref_slice %arg2[%dma_wait3A, %dma_wait3A_196, %dma_wait3A_197] : memref<32x125x80xi32, #tpu.memory_space<hbm>> -> memref<1x125x80xi32, #tpu.memory_space<hbm>>
    %dma_wait3A_199 = tpu.memref_squeeze %dma_wait3A_198 : memref<1x125x80xi32, #tpu.memory_space<hbm>> -> memref<125x80xi32, #tpu.memory_space<hbm>>
    tpu.wait_dma2 semaphore(%arg8 : memref<!tpu.dma_semaphore, #tpu.memory_space<semaphore_mem>>) src(%dma_wait3A_199 : memref<125x80xi32, #tpu.memory_space<hbm>>) dst(%arg4 : memref<125x80xi32, #tpu.memory_space<vmem>>)
    %barrier3A = arith.constant 0 : index
    tpu.barrier barrier_id(%barrier3A)
    %dma_start3A_200 = arith.constant 0 : i32
    %dma_start3A_201 = arith.constant 0 : i32
    %dma_start3A_202 = tpu.memref_slice %arg4[%dma_start3A_200, %dma_start3A_201] : memref<125x80xi32, #tpu.memory_space<vmem>> -> memref<1x80xi32, #tpu.memory_space<vmem>>
    %dma_start3A_203 = tpu.memref_squeeze %dma_start3A_202 : memref<1x80xi32, #tpu.memory_space<vmem>> -> memref<80xi32, #tpu.memory_space<vmem>>
    %dma_start3A_204 = arith.constant 0 : i32
    %dma_start3A_205 = tpu.memref_slice %arg7[%dma_start3A_204] : memref<10240xf32, #tpu.memory_space<vmem_shared>> -> memref<10240xf32, #tpu.memory_space<vmem_shared>>
    tpu.enqueue_indirect_dma source(%arg5 : memref<80xf32, #tpu.memory_space<vmem>>) target(%dma_start3A_205 : memref<10240xf32, #tpu.memory_space<vmem_shared>>) offsets(%dma_start3A_203 : memref<80xi32, #tpu.memory_space<vmem>>) semaphore(%arg9 : memref<!tpu.dma_semaphore, #tpu.memory_space<semaphore_mem>>) {add = true}
    %dma_start3A_206 = arith.constant 1 : i32
    %dma_start3A_207 = arith.constant 0 : i32
    %dma_start3A_208 = tpu.memref_slice %arg4[%dma_start3A_206, %dma_start3A_207] : memref<125x80xi32, #tpu.memory_space<vmem>> -> memref<1x80xi32, #tpu.memory_space<vmem>>
    %dma_start3A_209 = tpu.memref_squeeze %dma_start3A_208 : memref<1x80xi32, #tpu.memory_space<vmem>> -> memref<80xi32, #tpu.memory_space<vmem>>
    %dma_start3A_210 = arith.constant 0 : i32
    %dma_start3A_211 = tpu.memref_slice %arg7[%dma_start3A_210] : memref<10240xf32, #tpu.memory_space<vmem_shared>> -> memref<10240xf32, #tpu.memory_space<vmem_shared>>
    tpu.enqueue_indirect_dma source(%arg5 : memref<80xf32, #tpu.memory_space<vmem>>) target(%dma_start3A_211 : memref<10240xf32, #tpu.memory_space<vmem_shared>>) offsets(%dma_start3A_209 : memref<80xi32, #tpu.memory_space<vmem>>) semaphore(%arg10 : memref<!tpu.dma_semaphore, #tpu.memory_space<semaphore_mem>>) {add = true}
    %scan3A = arith.constant 0 : i32
    %scan3A_212 = arith.constant 0 : i32
    %scan3A_213 = arith.constant 61 : i32
    %scan3A_214 = arith.addi %scan3A_212, %scan3A_213 : i32
    %scan3A_215 = arith.constant 1 : i32
    scf.for %scan3A_246 = %scan3A_212 to %scan3A_214 step %scan3A_215  : i32 {
      %mul3A_247 = arith.constant 2 : i32
      %mul3A_248 = arith.muli %mul3A_247, %scan3A_246 : i32
      %add3A_249 = arith.constant 2 : i32
      %add3A_250 = arith.addi %mul3A_248, %add3A_249 : i32
      %dma_wait3A_251 = arith.constant 0 : i32
      %dma_wait3A_252 = arith.constant 0 : i32
      %dma_wait3A_253 = tpu.memref_slice %arg4[%dma_wait3A_251, %dma_wait3A_252] : memref<125x80xi32, #tpu.memory_space<vmem>> -> memref<1x80xi32, #tpu.memory_space<vmem>>
      %dma_wait3A_254 = tpu.memref_squeeze %dma_wait3A_253 : memref<1x80xi32, #tpu.memory_space<vmem>> -> memref<80xi32, #tpu.memory_space<vmem>>
      %dma_wait3A_255 = arith.constant 0 : i32
      %dma_wait3A_256 = tpu.memref_slice %arg7[%dma_wait3A_255] : memref<10240xf32, #tpu.memory_space<vmem_shared>> -> memref<10240xf32, #tpu.memory_space<vmem_shared>>
      tpu.wait_indirect_dma semaphore(%arg9 : memref<!tpu.dma_semaphore, #tpu.memory_space<semaphore_mem>>) src(%arg5 : memref<80xf32, #tpu.memory_space<vmem>>) dst(%dma_wait3A_256 : memref<10240xf32, #tpu.memory_space<vmem_shared>>)
      %dma_start3A_257 = arith.constant 0 : i32
      %dma_start3A_258 = tpu.memref_slice %arg4[%add3A_250, %dma_start3A_257] : memref<125x80xi32, #tpu.memory_space<vmem>> -> memref<1x80xi32, #tpu.memory_space<vmem>>
      %dma_start3A_259 = tpu.memref_squeeze %dma_start3A_258 : memref<1x80xi32, #tpu.memory_space<vmem>> -> memref<80xi32, #tpu.memory_space<vmem>>
      %dma_start3A_260 = arith.constant 0 : i32
      %dma_start3A_261 = tpu.memref_slice %arg7[%dma_start3A_260] : memref<10240xf32, #tpu.memory_space<vmem_shared>> -> memref<10240xf32, #tpu.memory_space<vmem_shared>>
      tpu.enqueue_indirect_dma source(%arg5 : memref<80xf32, #tpu.memory_space<vmem>>) target(%dma_start3A_261 : memref<10240xf32, #tpu.memory_space<vmem_shared>>) offsets(%dma_start3A_259 : memref<80xi32, #tpu.memory_space<vmem>>) semaphore(%arg9 : memref<!tpu.dma_semaphore, #tpu.memory_space<semaphore_mem>>) {add = true}
      %dma_wait3A_262 = arith.constant 0 : i32
      %dma_wait3A_263 = arith.constant 0 : i32
      %dma_wait3A_264 = tpu.memref_slice %arg4[%dma_wait3A_262, %dma_wait3A_263] : memref<125x80xi32, #tpu.memory_space<vmem>> -> memref<1x80xi32, #tpu.memory_space<vmem>>
      %dma_wait3A_265 = tpu.memref_squeeze %dma_wait3A_264 : memref<1x80xi32, #tpu.memory_space<vmem>> -> memref<80xi32, #tpu.memory_space<vmem>>
      %dma_wait3A_266 = arith.constant 0 : i32
      %dma_wait3A_267 = tpu.memref_slice %arg7[%dma_wait3A_266] : memref<10240xf32, #tpu.memory_space<vmem_shared>> -> memref<10240xf32, #tpu.memory_space<vmem_shared>>
      tpu.wait_indirect_dma semaphore(%arg10 : memref<!tpu.dma_semaphore, #tpu.memory_space<semaphore_mem>>) src(%arg5 : memref<80xf32, #tpu.memory_space<vmem>>) dst(%dma_wait3A_267 : memref<10240xf32, #tpu.memory_space<vmem_shared>>)
      %add3A_268 = arith.constant 1 : i32
      %add3A_269 = arith.addi %add3A_250, %add3A_268 : i32
      %dma_start3A_270 = arith.constant 0 : i32
      %dma_start3A_271 = tpu.memref_slice %arg4[%add3A_269, %dma_start3A_270] : memref<125x80xi32, #tpu.memory_space<vmem>> -> memref<1x80xi32, #tpu.memory_space<vmem>>
      %dma_start3A_272 = tpu.memref_squeeze %dma_start3A_271 : memref<1x80xi32, #tpu.memory_space<vmem>> -> memref<80xi32, #tpu.memory_space<vmem>>
      %dma_start3A_273 = arith.constant 0 : i32
      %dma_start3A_274 = tpu.memref_slice %arg7[%dma_start3A_273] : memref<10240xf32, #tpu.memory_space<vmem_shared>> -> memref<10240xf32, #tpu.memory_space<vmem_shared>>
      tpu.enqueue_indirect_dma source(%arg5 : memref<80xf32, #tpu.memory_space<vmem>>) target(%dma_start3A_274 : memref<10240xf32, #tpu.memory_space<vmem_shared>>) offsets(%dma_start3A_272 : memref<80xi32, #tpu.memory_space<vmem>>) semaphore(%arg10 : memref<!tpu.dma_semaphore, #tpu.memory_space<semaphore_mem>>) {add = true}
    }
    %scan3A_216 = arith.constant 61 : i32
    %dma_wait3A_217 = arith.constant 0 : i32
    %dma_wait3A_218 = arith.constant 0 : i32
    %dma_wait3A_219 = tpu.memref_slice %arg4[%dma_wait3A_217, %dma_wait3A_218] : memref<125x80xi32, #tpu.memory_space<vmem>> -> memref<1x80xi32, #tpu.memory_space<vmem>>
    %dma_wait3A_220 = tpu.memref_squeeze %dma_wait3A_219 : memref<1x80xi32, #tpu.memory_space<vmem>> -> memref<80xi32, #tpu.memory_space<vmem>>
    %dma_wait3A_221 = arith.constant 0 : i32
    %dma_wait3A_222 = tpu.memref_slice %arg7[%dma_wait3A_221] : memref<10240xf32, #tpu.memory_space<vmem_shared>> -> memref<10240xf32, #tpu.memory_space<vmem_shared>>
    tpu.wait_indirect_dma semaphore(%arg9 : memref<!tpu.dma_semaphore, #tpu.memory_space<semaphore_mem>>) src(%arg5 : memref<80xf32, #tpu.memory_space<vmem>>) dst(%dma_wait3A_222 : memref<10240xf32, #tpu.memory_space<vmem_shared>>)
    %dma_start3A_223 = arith.constant 124 : i32
    %dma_start3A_224 = arith.constant 0 : i32
    %dma_start3A_225 = tpu.memref_slice %arg4[%dma_start3A_223, %dma_start3A_224] : memref<125x80xi32, #tpu.memory_space<vmem>> -> memref<1x80xi32, #tpu.memory_space<vmem>>
    %dma_start3A_226 = tpu.memref_squeeze %dma_start3A_225 : memref<1x80xi32, #tpu.memory_space<vmem>> -> memref<80xi32, #tpu.memory_space<vmem>>
    %dma_start3A_227 = arith.constant 0 : i32
    %dma_start3A_228 = tpu.memref_slice %arg7[%dma_start3A_227] : memref<10240xf32, #tpu.memory_space<vmem_shared>> -> memref<10240xf32, #tpu.memory_space<vmem_shared>>
    tpu.enqueue_indirect_dma source(%arg5 : memref<80xf32, #tpu.memory_space<vmem>>) target(%dma_start3A_228 : memref<10240xf32, #tpu.memory_space<vmem_shared>>) offsets(%dma_start3A_226 : memref<80xi32, #tpu.memory_space<vmem>>) semaphore(%arg9 : memref<!tpu.dma_semaphore, #tpu.memory_space<semaphore_mem>>) {add = true}
    %dma_wait3A_229 = arith.constant 0 : i32
    %dma_wait3A_230 = arith.constant 0 : i32
    %dma_wait3A_231 = tpu.memref_slice %arg4[%dma_wait3A_229, %dma_wait3A_230] : memref<125x80xi32, #tpu.memory_space<vmem>> -> memref<1x80xi32, #tpu.memory_space<vmem>>
    %dma_wait3A_232 = tpu.memref_squeeze %dma_wait3A_231 : memref<1x80xi32, #tpu.memory_space<vmem>> -> memref<80xi32, #tpu.memory_space<vmem>>
    %dma_wait3A_233 = arith.constant 0 : i32
    %dma_wait3A_234 = tpu.memref_slice %arg7[%dma_wait3A_233] : memref<10240xf32, #tpu.memory_space<vmem_shared>> -> memref<10240xf32, #tpu.memory_space<vmem_shared>>
    tpu.wait_indirect_dma semaphore(%arg10 : memref<!tpu.dma_semaphore, #tpu.memory_space<semaphore_mem>>) src(%arg5 : memref<80xf32, #tpu.memory_space<vmem>>) dst(%dma_wait3A_234 : memref<10240xf32, #tpu.memory_space<vmem_shared>>)
    %dma_wait3A_235 = arith.constant 0 : i32
    %dma_wait3A_236 = arith.constant 0 : i32
    %dma_wait3A_237 = tpu.memref_slice %arg4[%dma_wait3A_235, %dma_wait3A_236] : memref<125x80xi32, #tpu.memory_space<vmem>> -> memref<1x80xi32, #tpu.memory_space<vmem>>
    %dma_wait3A_238 = tpu.memref_squeeze %dma_wait3A_237 : memref<1x80xi32, #tpu.memory_space<vmem>> -> memref<80xi32, #tpu.memory_space<vmem>>
    %dma_wait3A_239 = arith.constant 0 : i32
    %dma_wait3A_240 = tpu.memref_slice %arg7[%dma_wait3A_239] : memref<10240xf32, #tpu.memory_space<vmem_shared>> -> memref<10240xf32, #tpu.memory_space<vmem_shared>>
    tpu.wait_indirect_dma semaphore(%arg9 : memref<!tpu.dma_semaphore, #tpu.memory_space<semaphore_mem>>) src(%arg5 : memref<80xf32, #tpu.memory_space<vmem>>) dst(%dma_wait3A_240 : memref<10240xf32, #tpu.memory_space<vmem_shared>>)
    %barrier3A_241 = arith.constant 0 : index
    tpu.barrier barrier_id(%barrier3A_241)
    %mul3A_242 = arith.constant 640 : i32
    %mul3A_243 = arith.muli %arg1, %mul3A_242 : i32
    %mul3A_244 = arith.constant 640 : i32
    %mul3A_245 = arith.muli %arg1, %mul3A_244 : i32
    "tpu.region"() ({
      %run_scoped3A = tpu.sem_alloc : memref<!tpu.dma_semaphore, #tpu.memory_space<semaphore_mem>>
      %dma_start3A_246 = tpu.memref_slice %arg3[%arg0, %mul3A_245] : memref<2x10240xf32, #tpu.memory_space<hbm>> -> memref<1x640xf32, #tpu.memory_space<hbm>>
      %dma_start3A_247 = tpu.memref_squeeze %dma_start3A_246 : memref<1x640xf32, #tpu.memory_space<hbm>> -> memref<640xf32, #tpu.memory_space<hbm>>
      %dma_start3A_248 = tpu.memref_slice %arg7[%mul3A_243] : memref<10240xf32, #tpu.memory_space<vmem_shared>> -> memref<640xf32, #tpu.memory_space<vmem_shared>>
      tpu.enqueue_dma source(%dma_start3A_248 : memref<640xf32, #tpu.memory_space<vmem_shared>>) target(%dma_start3A_247 : memref<640xf32, #tpu.memory_space<hbm>>) target_semaphore(%run_scoped3A : memref<!tpu.dma_semaphore, #tpu.memory_space<semaphore_mem>>)
      %dma_wait3A_249 = tpu.memref_slice %arg3[%arg0, %mul3A_245] : memref<2x10240xf32, #tpu.memory_space<hbm>> -> memref<1x640xf32, #tpu.memory_space<hbm>>
      %dma_wait3A_250 = tpu.memref_squeeze %dma_wait3A_249 : memref<1x640xf32, #tpu.memory_space<hbm>> -> memref<640xf32, #tpu.memory_space<hbm>>
      %dma_wait3A_251 = tpu.memref_slice %arg7[%mul3A_243] : memref<10240xf32, #tpu.memory_space<vmem_shared>> -> memref<640xf32, #tpu.memory_space<vmem_shared>>
      tpu.wait_dma2 semaphore(%run_scoped3A : memref<!tpu.dma_semaphore, #tpu.memory_space<semaphore_mem>>) src(%dma_wait3A_251 : memref<640xf32, #tpu.memory_space<vmem_shared>>) dst(%dma_wait3A_250 : memref<640xf32, #tpu.memory_space<hbm>>)
      tpu.yield
    }) : () -> ()
    return
  }
}

#map = affine_map<(d0, d1) -> (0, 0)>
#map1 = affine_map<(d0, d1) -> (0, 0, 0)>
module attributes {stable_mosaic.version = 14 : i64} {
  func.func @_sc_scatter_body(%arg0: i32, %arg1: i32, %arg2: memref<32x10000xi32, #tpu.memory_space<hbm>>, %arg3: memref<32x125x80xi32, #tpu.memory_space<hbm>>, %arg4: memref<10000x128xf32, #tpu.memory_space<hbm>>, %arg5: memref<2x10240x128xf32, #tpu.memory_space<hbm>>, %arg6: memref<10000xi32, #tpu.memory_space<vmem>>, %arg7: memref<125x80xi32, #tpu.memory_space<vmem>>, %arg8: memref<80x128xf32, #tpu.memory_space<vmem>>, %arg9: memref<80x128xf32, #tpu.memory_space<vmem>>, %arg10: memref<10240x128xf32, #tpu.memory_space<vmem_shared>>, %arg11: memref<!tpu.dma_semaphore, #tpu.memory_space<semaphore_mem>>, %arg12: memref<!tpu.dma_semaphore, #tpu.memory_space<semaphore_mem>>, %arg13: memref<!tpu.dma_semaphore, #tpu.memory_space<semaphore_mem>>, %arg14: memref<!tpu.dma_semaphore, #tpu.memory_space<semaphore_mem>>, %arg15: memref<!tpu.dma_semaphore, #tpu.memory_space<semaphore_mem>>) attributes {dimension_semantics = [#tpu.dimension_semantics<core_parallel>, #tpu.dimension_semantics<subcore_parallel>], iteration_bounds = array<i64: 2, 16>, scalar_prefetch = 0 : i64, scratch_operands = 10 : i64, tpu.core_type = #tpu.core_type<sc_vector_subcore>, window_params = [{transform_indices = #map}, {transform_indices = #map1}, {transform_indices = #map}, {transform_indices = #map1}]} {
    %mul3A = arith.constant 2 : i32
    %mul3A_0 = arith.muli %arg1, %mul3A : i32
    %add3A = arith.addi %mul3A_0, %arg0 : i32
    %dma_start3A = arith.constant 0 : i32
    %dma_start3A_1 = tpu.memref_slice %arg2[%add3A, %dma_start3A] : memref<32x10000xi32, #tpu.memory_space<hbm>> -> memref<1x10000xi32, #tpu.memory_space<hbm>>
    %dma_start3A_2 = tpu.memref_squeeze %dma_start3A_1 : memref<1x10000xi32, #tpu.memory_space<hbm>> -> memref<10000xi32, #tpu.memory_space<hbm>>
    %dma_start3A_3 = arith.constant 0 : i32
    %dma_start3A_4 = tpu.memref_slice %arg2[%add3A, %dma_start3A_3] : memref<32x10000xi32, #tpu.memory_space<hbm>> -> memref<1x10000xi32, #tpu.memory_space<hbm>>
    %dma_start3A_5 = tpu.memref_squeeze %dma_start3A_4 : memref<1x10000xi32, #tpu.memory_space<hbm>> -> memref<10000xi32, #tpu.memory_space<hbm>>
    tpu.enqueue_dma source(%dma_start3A_5 : memref<10000xi32, #tpu.memory_space<hbm>>) target(%arg6 : memref<10000xi32, #tpu.memory_space<vmem>>) target_semaphore(%arg11 : memref<!tpu.dma_semaphore, #tpu.memory_space<semaphore_mem>>)
    %dma_start3A_6 = arith.constant 0 : i32
    %dma_start3A_7 = arith.constant 0 : i32
    %dma_start3A_8 = tpu.memref_slice %arg3[%add3A, %dma_start3A_6, %dma_start3A_7] : memref<32x125x80xi32, #tpu.memory_space<hbm>> -> memref<1x125x80xi32, #tpu.memory_space<hbm>>
    %dma_start3A_9 = tpu.memref_squeeze %dma_start3A_8 : memref<1x125x80xi32, #tpu.memory_space<hbm>> -> memref<125x80xi32, #tpu.memory_space<hbm>>
    %dma_start3A_10 = arith.constant 0 : i32
    %dma_start3A_11 = arith.constant 0 : i32
    %dma_start3A_12 = tpu.memref_slice %arg3[%add3A, %dma_start3A_10, %dma_start3A_11] : memref<32x125x80xi32, #tpu.memory_space<hbm>> -> memref<1x125x80xi32, #tpu.memory_space<hbm>>
    %dma_start3A_13 = tpu.memref_squeeze %dma_start3A_12 : memref<1x125x80xi32, #tpu.memory_space<hbm>> -> memref<125x80xi32, #tpu.memory_space<hbm>>
    tpu.enqueue_dma source(%dma_start3A_13 : memref<125x80xi32, #tpu.memory_space<hbm>>) target(%arg7 : memref<125x80xi32, #tpu.memory_space<vmem>>) target_semaphore(%arg11 : memref<!tpu.dma_semaphore, #tpu.memory_space<semaphore_mem>>)
    %broadcast_in_dim3A = arith.constant 0.000000e+00 : f32
    %broadcast_in_dim3A_14 = vector.broadcast %broadcast_in_dim3A : f32 to vector<16xf32>
    %scan3A = arith.constant 0 : i32
    %scan3A_15 = arith.constant 0 : i32
    %scan3A_16 = arith.constant 80 : i32
    %scan3A_17 = arith.addi %scan3A_15, %scan3A_16 : i32
    %scan3A_18 = arith.constant 1 : i32
    scf.for %scan3A_296 = %scan3A_15 to %scan3A_17 step %scan3A_18  : i32 {
      %swap3A = arith.index_cast %scan3A_296 : i32 to index
      %swap3A_297 = arith.constant 0 : index
      %swap3A_298 = tpu.vector_load %arg8[%swap3A, %swap3A_297] {strides = array<i32>} : memref<80x128xf32, #tpu.memory_space<vmem>>, vector<1x16xf32>,
      %swap3A_299 = vector.shape_cast %swap3A_298 : vector<1x16xf32> to vector<16xf32>
      %swap3A_300 = vector.shape_cast %broadcast_in_dim3A_14 : vector<16xf32> to vector<1x16xf32>
      tpu.vector_store %arg8[%swap3A, %swap3A_297], %swap3A_300 {strides = array<i32>} : memref<80x128xf32, #tpu.memory_space<vmem>>, vector<1x16xf32>,
      %swap3A_301 = arith.index_cast %scan3A_296 : i32 to index
      %swap3A_302 = arith.constant 16 : index
      %swap3A_303 = tpu.vector_load %arg8[%swap3A_301, %swap3A_302] {strides = array<i32>} : memref<80x128xf32, #tpu.memory_space<vmem>>, vector<1x16xf32>,
      %swap3A_304 = vector.shape_cast %swap3A_303 : vector<1x16xf32> to vector<16xf32>
      %swap3A_305 = vector.shape_cast %broadcast_in_dim3A_14 : vector<16xf32> to vector<1x16xf32>
      tpu.vector_store %arg8[%swap3A_301, %swap3A_302], %swap3A_305 {strides = array<i32>} : memref<80x128xf32, #tpu.memory_space<vmem>>, vector<1x16xf32>,
      %swap3A_306 = arith.index_cast %scan3A_296 : i32 to index
      %swap3A_307 = arith.constant 32 : index
      %swap3A_308 = tpu.vector_load %arg8[%swap3A_306, %swap3A_307] {strides = array<i32>} : memref<80x128xf32, #tpu.memory_space<vmem>>, vector<1x16xf32>,
      %swap3A_309 = vector.shape_cast %swap3A_308 : vector<1x16xf32> to vector<16xf32>
      %swap3A_310 = vector.shape_cast %broadcast_in_dim3A_14 : vector<16xf32> to vector<1x16xf32>
      tpu.vector_store %arg8[%swap3A_306, %swap3A_307], %swap3A_310 {strides = array<i32>} : memref<80x128xf32, #tpu.memory_space<vmem>>, vector<1x16xf32>,
      %swap3A_311 = arith.index_cast %scan3A_296 : i32 to index
      %swap3A_312 = arith.constant 48 : index
      %swap3A_313 = tpu.vector_load %arg8[%swap3A_311, %swap3A_312] {strides = array<i32>} : memref<80x128xf32, #tpu.memory_space<vmem>>, vector<1x16xf32>,
      %swap3A_314 = vector.shape_cast %swap3A_313 : vector<1x16xf32> to vector<16xf32>
      %swap3A_315 = vector.shape_cast %broadcast_in_dim3A_14 : vector<16xf32> to vector<1x16xf32>
      tpu.vector_store %arg8[%swap3A_311, %swap3A_312], %swap3A_315 {strides = array<i32>} : memref<80x128xf32, #tpu.memory_space<vmem>>, vector<1x16xf32>,
      %swap3A_316 = arith.index_cast %scan3A_296 : i32 to index
      %swap3A_317 = arith.constant 64 : index
      %swap3A_318 = tpu.vector_load %arg8[%swap3A_316, %swap3A_317] {strides = array<i32>} : memref<80x128xf32, #tpu.memory_space<vmem>>, vector<1x16xf32>,
      %swap3A_319 = vector.shape_cast %swap3A_318 : vector<1x16xf32> to vector<16xf32>
      %swap3A_320 = vector.shape_cast %broadcast_in_dim3A_14 : vector<16xf32> to vector<1x16xf32>
      tpu.vector_store %arg8[%swap3A_316, %swap3A_317], %swap3A_320 {strides = array<i32>} : memref<80x128xf32, #tpu.memory_space<vmem>>, vector<1x16xf32>,
      %swap3A_321 = arith.index_cast %scan3A_296 : i32 to index
      %swap3A_322 = arith.constant 80 : index
      %swap3A_323 = tpu.vector_load %arg8[%swap3A_321, %swap3A_322] {strides = array<i32>} : memref<80x128xf32, #tpu.memory_space<vmem>>, vector<1x16xf32>,
      %swap3A_324 = vector.shape_cast %swap3A_323 : vector<1x16xf32> to vector<16xf32>
      %swap3A_325 = vector.shape_cast %broadcast_in_dim3A_14 : vector<16xf32> to vector<1x16xf32>
      tpu.vector_store %arg8[%swap3A_321, %swap3A_322], %swap3A_325 {strides = array<i32>} : memref<80x128xf32, #tpu.memory_space<vmem>>, vector<1x16xf32>,
      %swap3A_326 = arith.index_cast %scan3A_296 : i32 to index
      %swap3A_327 = arith.constant 96 : index
      %swap3A_328 = tpu.vector_load %arg8[%swap3A_326, %swap3A_327] {strides = array<i32>} : memref<80x128xf32, #tpu.memory_space<vmem>>, vector<1x16xf32>,
      %swap3A_329 = vector.shape_cast %swap3A_328 : vector<1x16xf32> to vector<16xf32>
      %swap3A_330 = vector.shape_cast %broadcast_in_dim3A_14 : vector<16xf32> to vector<1x16xf32>
      tpu.vector_store %arg8[%swap3A_326, %swap3A_327], %swap3A_330 {strides = array<i32>} : memref<80x128xf32, #tpu.memory_space<vmem>>, vector<1x16xf32>,
      %swap3A_331 = arith.index_cast %scan3A_296 : i32 to index
      %swap3A_332 = arith.constant 112 : index
      %swap3A_333 = tpu.vector_load %arg8[%swap3A_331, %swap3A_332] {strides = array<i32>} : memref<80x128xf32, #tpu.memory_space<vmem>>, vector<1x16xf32>,
      %swap3A_334 = vector.shape_cast %swap3A_333 : vector<1x16xf32> to vector<16xf32>
      %swap3A_335 = vector.shape_cast %broadcast_in_dim3A_14 : vector<16xf32> to vector<1x16xf32>
      tpu.vector_store %arg8[%swap3A_331, %swap3A_332], %swap3A_335 {strides = array<i32>} : memref<80x128xf32, #tpu.memory_space<vmem>>, vector<1x16xf32>,
    }
    %scan3A_19 = arith.constant 80 : i32
    %dma_wait3A = arith.constant 0 : i32
    %dma_wait3A_20 = arith.constant 0 : i32
    %dma_wait3A_21 = tpu.memref_slice %arg2[%dma_wait3A, %dma_wait3A_20] : memref<32x10000xi32, #tpu.memory_space<hbm>> -> memref<1x10000xi32, #tpu.memory_space<hbm>>
    %dma_wait3A_22 = tpu.memref_squeeze %dma_wait3A_21 : memref<1x10000xi32, #tpu.memory_space<hbm>> -> memref<10000xi32, #tpu.memory_space<hbm>>
    %dma_wait3A_23 = arith.constant 0 : i32
    %dma_wait3A_24 = tpu.memref_slice %arg2[%dma_wait3A, %dma_wait3A_23] : memref<32x10000xi32, #tpu.memory_space<hbm>> -> memref<1x10000xi32, #tpu.memory_space<hbm>>
    %dma_wait3A_25 = tpu.memref_squeeze %dma_wait3A_24 : memref<1x10000xi32, #tpu.memory_space<hbm>> -> memref<10000xi32, #tpu.memory_space<hbm>>
    tpu.wait_dma2 semaphore(%arg11 : memref<!tpu.dma_semaphore, #tpu.memory_space<semaphore_mem>>) src(%dma_wait3A_25 : memref<10000xi32, #tpu.memory_space<hbm>>) dst(%arg6 : memref<10000xi32, #tpu.memory_space<vmem>>)
    %dma_wait3A_26 = arith.constant 0 : i32
    %dma_wait3A_27 = arith.constant 0 : i32
    %dma_wait3A_28 = arith.constant 0 : i32
    %dma_wait3A_29 = tpu.memref_slice %arg3[%dma_wait3A_26, %dma_wait3A_27, %dma_wait3A_28] : memref<32x125x80xi32, #tpu.memory_space<hbm>> -> memref<1x125x80xi32, #tpu.memory_space<hbm>>
    %dma_wait3A_30 = tpu.memref_squeeze %dma_wait3A_29 : memref<1x125x80xi32, #tpu.memory_space<hbm>> -> memref<125x80xi32, #tpu.memory_space<hbm>>
    %dma_wait3A_31 = arith.constant 0 : i32
    %dma_wait3A_32 = arith.constant 0 : i32
    %dma_wait3A_33 = tpu.memref_slice %arg3[%dma_wait3A_26, %dma_wait3A_31, %dma_wait3A_32] : memref<32x125x80xi32, #tpu.memory_space<hbm>> -> memref<1x125x80xi32, #tpu.memory_space<hbm>>
    %dma_wait3A_34 = tpu.memref_squeeze %dma_wait3A_33 : memref<1x125x80xi32, #tpu.memory_space<hbm>> -> memref<125x80xi32, #tpu.memory_space<hbm>>
    tpu.wait_dma2 semaphore(%arg11 : memref<!tpu.dma_semaphore, #tpu.memory_space<semaphore_mem>>) src(%dma_wait3A_34 : memref<125x80xi32, #tpu.memory_space<hbm>>) dst(%arg7 : memref<125x80xi32, #tpu.memory_space<vmem>>)
    %dma_start3A_35 = arith.constant 0 : i32
    %dma_start3A_36 = arith.constant 0 : i32
    %dma_start3A_37 = tpu.memref_slice %arg9[%dma_start3A_35, %dma_start3A_36] : memref<80x128xf32, #tpu.memory_space<vmem>> -> memref<40x128xf32, #tpu.memory_space<vmem>>
    %dma_start3A_38 = arith.constant 0 : i32
    %dma_start3A_39 = tpu.memref_slice %arg6[%dma_start3A_38] : memref<10000xi32, #tpu.memory_space<vmem>> -> memref<40xi32, #tpu.memory_space<vmem>>
    %dma_start3A_40 = arith.constant 0 : i32
    %dma_start3A_41 = arith.constant 0 : i32
    %dma_start3A_42 = tpu.memref_slice %arg4[%dma_start3A_40, %dma_start3A_41] : memref<10000x128xf32, #tpu.memory_space<hbm>> -> memref<10000x128xf32, #tpu.memory_space<hbm>>
    tpu.enqueue_indirect_dma source(%dma_start3A_42 : memref<10000x128xf32, #tpu.memory_space<hbm>>) target(%dma_start3A_37 : memref<40x128xf32, #tpu.memory_space<vmem>>) offsets(%dma_start3A_39 : memref<40xi32, #tpu.memory_space<vmem>>) semaphore(%arg13 : memref<!tpu.dma_semaphore, #tpu.memory_space<semaphore_mem>>)
    %dma_start3A_43 = arith.constant 40 : i32
    %dma_start3A_44 = arith.constant 0 : i32
    %dma_start3A_45 = tpu.memref_slice %arg9[%dma_start3A_43, %dma_start3A_44] : memref<80x128xf32, #tpu.memory_space<vmem>> -> memref<40x128xf32, #tpu.memory_space<vmem>>
    %dma_start3A_46 = arith.constant 40 : i32
    %dma_start3A_47 = tpu.memref_slice %arg6[%dma_start3A_46] : memref<10000xi32, #tpu.memory_space<vmem>> -> memref<40xi32, #tpu.memory_space<vmem>>
    %dma_start3A_48 = arith.constant 0 : i32
    %dma_start3A_49 = arith.constant 0 : i32
    %dma_start3A_50 = tpu.memref_slice %arg4[%dma_start3A_48, %dma_start3A_49] : memref<10000x128xf32, #tpu.memory_space<hbm>> -> memref<10000x128xf32, #tpu.memory_space<hbm>>
    tpu.enqueue_indirect_dma source(%dma_start3A_50 : memref<10000x128xf32, #tpu.memory_space<hbm>>) target(%dma_start3A_45 : memref<40x128xf32, #tpu.memory_space<vmem>>) offsets(%dma_start3A_47 : memref<40xi32, #tpu.memory_space<vmem>>) semaphore(%arg13 : memref<!tpu.dma_semaphore, #tpu.memory_space<semaphore_mem>>)
    %mul3A_51 = arith.constant 640 : i32
    %mul3A_52 = arith.muli %arg1, %mul3A_51 : i32
    %add3A_53 = arith.constant 0 : i32
    %add3A_54 = arith.addi %mul3A_52, %add3A_53 : i32
    %dma_start3A_55 = arith.constant 0 : i32
    %dma_start3A_56 = tpu.memref_slice %arg10[%add3A_54, %dma_start3A_55] : memref<10240x128xf32, #tpu.memory_space<vmem_shared>> -> memref<80x128xf32, #tpu.memory_space<vmem_shared>>
    %dma_start3A_57 = arith.constant 0 : i32
    %dma_start3A_58 = tpu.memref_slice %arg10[%add3A_54, %dma_start3A_57] : memref<10240x128xf32, #tpu.memory_space<vmem_shared>> -> memref<80x128xf32, #tpu.memory_space<vmem_shared>>
    tpu.enqueue_dma source(%arg8 : memref<80x128xf32, #tpu.memory_space<vmem>>) target(%dma_start3A_58 : memref<80x128xf32, #tpu.memory_space<vmem_shared>>) target_semaphore(%arg11 : memref<!tpu.dma_semaphore, #tpu.memory_space<semaphore_mem>>)
    %mul3A_59 = arith.constant 640 : i32
    %mul3A_60 = arith.muli %arg1, %mul3A_59 : i32
    %add3A_61 = arith.constant 80 : i32
    %add3A_62 = arith.addi %mul3A_60, %add3A_61 : i32
    %dma_start3A_63 = arith.constant 0 : i32
    %dma_start3A_64 = tpu.memref_slice %arg10[%add3A_62, %dma_start3A_63] : memref<10240x128xf32, #tpu.memory_space<vmem_shared>> -> memref<80x128xf32, #tpu.memory_space<vmem_shared>>
    %dma_start3A_65 = arith.constant 0 : i32
    %dma_start3A_66 = tpu.memref_slice %arg10[%add3A_62, %dma_start3A_65] : memref<10240x128xf32, #tpu.memory_space<vmem_shared>> -> memref<80x128xf32, #tpu.memory_space<vmem_shared>>
    tpu.enqueue_dma source(%arg8 : memref<80x128xf32, #tpu.memory_space<vmem>>) target(%dma_start3A_66 : memref<80x128xf32, #tpu.memory_space<vmem_shared>>) target_semaphore(%arg11 : memref<!tpu.dma_semaphore, #tpu.memory_space<semaphore_mem>>)
    %mul3A_67 = arith.constant 640 : i32
    %mul3A_68 = arith.muli %arg1, %mul3A_67 : i32
    %add3A_69 = arith.constant 160 : i32
    %add3A_70 = arith.addi %mul3A_68, %add3A_69 : i32
    %dma_start3A_71 = arith.constant 0 : i32
    %dma_start3A_72 = tpu.memref_slice %arg10[%add3A_70, %dma_start3A_71] : memref<10240x128xf32, #tpu.memory_space<vmem_shared>> -> memref<80x128xf32, #tpu.memory_space<vmem_shared>>
    %dma_start3A_73 = arith.constant 0 : i32
    %dma_start3A_74 = tpu.memref_slice %arg10[%add3A_70, %dma_start3A_73] : memref<10240x128xf32, #tpu.memory_space<vmem_shared>> -> memref<80x128xf32, #tpu.memory_space<vmem_shared>>
    tpu.enqueue_dma source(%arg8 : memref<80x128xf32, #tpu.memory_space<vmem>>) target(%dma_start3A_74 : memref<80x128xf32, #tpu.memory_space<vmem_shared>>) target_semaphore(%arg11 : memref<!tpu.dma_semaphore, #tpu.memory_space<semaphore_mem>>)
    %mul3A_75 = arith.constant 640 : i32
    %mul3A_76 = arith.muli %arg1, %mul3A_75 : i32
    %add3A_77 = arith.constant 240 : i32
    %add3A_78 = arith.addi %mul3A_76, %add3A_77 : i32
    %dma_start3A_79 = arith.constant 0 : i32
    %dma_start3A_80 = tpu.memref_slice %arg10[%add3A_78, %dma_start3A_79] : memref<10240x128xf32, #tpu.memory_space<vmem_shared>> -> memref<80x128xf32, #tpu.memory_space<vmem_shared>>
    %dma_start3A_81 = arith.constant 0 : i32
    %dma_start3A_82 = tpu.memref_slice %arg10[%add3A_78, %dma_start3A_81] : memref<10240x128xf32, #tpu.memory_space<vmem_shared>> -> memref<80x128xf32, #tpu.memory_space<vmem_shared>>
    tpu.enqueue_dma source(%arg8 : memref<80x128xf32, #tpu.memory_space<vmem>>) target(%dma_start3A_82 : memref<80x128xf32, #tpu.memory_space<vmem_shared>>) target_semaphore(%arg11 : memref<!tpu.dma_semaphore, #tpu.memory_space<semaphore_mem>>)
    %mul3A_83 = arith.constant 640 : i32
    %mul3A_84 = arith.muli %arg1, %mul3A_83 : i32
    %add3A_85 = arith.constant 320 : i32
    %add3A_86 = arith.addi %mul3A_84, %add3A_85 : i32
    %dma_start3A_87 = arith.constant 0 : i32
    %dma_start3A_88 = tpu.memref_slice %arg10[%add3A_86, %dma_start3A_87] : memref<10240x128xf32, #tpu.memory_space<vmem_shared>> -> memref<80x128xf32, #tpu.memory_space<vmem_shared>>
    %dma_start3A_89 = arith.constant 0 : i32
    %dma_start3A_90 = tpu.memref_slice %arg10[%add3A_86, %dma_start3A_89] : memref<10240x128xf32, #tpu.memory_space<vmem_shared>> -> memref<80x128xf32, #tpu.memory_space<vmem_shared>>
    tpu.enqueue_dma source(%arg8 : memref<80x128xf32, #tpu.memory_space<vmem>>) target(%dma_start3A_90 : memref<80x128xf32, #tpu.memory_space<vmem_shared>>) target_semaphore(%arg11 : memref<!tpu.dma_semaphore, #tpu.memory_space<semaphore_mem>>)
    %mul3A_91 = arith.constant 640 : i32
    %mul3A_92 = arith.muli %arg1, %mul3A_91 : i32
    %add3A_93 = arith.constant 400 : i32
    %add3A_94 = arith.addi %mul3A_92, %add3A_93 : i32
    %dma_start3A_95 = arith.constant 0 : i32
    %dma_start3A_96 = tpu.memref_slice %arg10[%add3A_94, %dma_start3A_95] : memref<10240x128xf32, #tpu.memory_space<vmem_shared>> -> memref<80x128xf32, #tpu.memory_space<vmem_shared>>
    %dma_start3A_97 = arith.constant 0 : i32
    %dma_start3A_98 = tpu.memref_slice %arg10[%add3A_94, %dma_start3A_97] : memref<10240x128xf32, #tpu.memory_space<vmem_shared>> -> memref<80x128xf32, #tpu.memory_space<vmem_shared>>
    tpu.enqueue_dma source(%arg8 : memref<80x128xf32, #tpu.memory_space<vmem>>) target(%dma_start3A_98 : memref<80x128xf32, #tpu.memory_space<vmem_shared>>) target_semaphore(%arg11 : memref<!tpu.dma_semaphore, #tpu.memory_space<semaphore_mem>>)
    %mul3A_99 = arith.constant 640 : i32
    %mul3A_100 = arith.muli %arg1, %mul3A_99 : i32
    %add3A_101 = arith.constant 480 : i32
    %add3A_102 = arith.addi %mul3A_100, %add3A_101 : i32
    %dma_start3A_103 = arith.constant 0 : i32
    %dma_start3A_104 = tpu.memref_slice %arg10[%add3A_102, %dma_start3A_103] : memref<10240x128xf32, #tpu.memory_space<vmem_shared>> -> memref<80x128xf32, #tpu.memory_space<vmem_shared>>
    %dma_start3A_105 = arith.constant 0 : i32
    %dma_start3A_106 = tpu.memref_slice %arg10[%add3A_102, %dma_start3A_105] : memref<10240x128xf32, #tpu.memory_space<vmem_shared>> -> memref<80x128xf32, #tpu.memory_space<vmem_shared>>
    tpu.enqueue_dma source(%arg8 : memref<80x128xf32, #tpu.memory_space<vmem>>) target(%dma_start3A_106 : memref<80x128xf32, #tpu.memory_space<vmem_shared>>) target_semaphore(%arg11 : memref<!tpu.dma_semaphore, #tpu.memory_space<semaphore_mem>>)
    %mul3A_107 = arith.constant 640 : i32
    %mul3A_108 = arith.muli %arg1, %mul3A_107 : i32
    %add3A_109 = arith.constant 560 : i32
    %add3A_110 = arith.addi %mul3A_108, %add3A_109 : i32
    %dma_start3A_111 = arith.constant 0 : i32
    %dma_start3A_112 = tpu.memref_slice %arg10[%add3A_110, %dma_start3A_111] : memref<10240x128xf32, #tpu.memory_space<vmem_shared>> -> memref<80x128xf32, #tpu.memory_space<vmem_shared>>
    %dma_start3A_113 = arith.constant 0 : i32
    %dma_start3A_114 = tpu.memref_slice %arg10[%add3A_110, %dma_start3A_113] : memref<10240x128xf32, #tpu.memory_space<vmem_shared>> -> memref<80x128xf32, #tpu.memory_space<vmem_shared>>
    tpu.enqueue_dma source(%arg8 : memref<80x128xf32, #tpu.memory_space<vmem>>) target(%dma_start3A_114 : memref<80x128xf32, #tpu.memory_space<vmem_shared>>) target_semaphore(%arg11 : memref<!tpu.dma_semaphore, #tpu.memory_space<semaphore_mem>>)
    %dma_wait3A_115 = arith.constant 0 : i32
    %dma_wait3A_116 = arith.constant 0 : i32
    %dma_wait3A_117 = tpu.memref_slice %arg10[%dma_wait3A_115, %dma_wait3A_116] : memref<10240x128xf32, #tpu.memory_space<vmem_shared>> -> memref<80x128xf32, #tpu.memory_space<vmem_shared>>
    %dma_wait3A_118 = arith.constant 0 : i32
    %dma_wait3A_119 = arith.constant 0 : i32
    %dma_wait3A_120 = tpu.memref_slice %arg10[%dma_wait3A_118, %dma_wait3A_119] : memref<10240x128xf32, #tpu.memory_space<vmem_shared>> -> memref<80x128xf32, #tpu.memory_space<vmem_shared>>
    tpu.wait_dma2 semaphore(%arg11 : memref<!tpu.dma_semaphore, #tpu.memory_space<semaphore_mem>>) src(%arg8 : memref<80x128xf32, #tpu.memory_space<vmem>>) dst(%dma_wait3A_120 : memref<80x128xf32, #tpu.memory_space<vmem_shared>>)
    %dma_wait3A_121 = arith.constant 0 : i32
    %dma_wait3A_122 = arith.constant 0 : i32
    %dma_wait3A_123 = tpu.memref_slice %arg10[%dma_wait3A_121, %dma_wait3A_122] : memref<10240x128xf32, #tpu.memory_space<vmem_shared>> -> memref<80x128xf32, #tpu.memory_space<vmem_shared>>
    %dma_wait3A_124 = arith.constant 0 : i32
    %dma_wait3A_125 = arith.constant 0 : i32
    %dma_wait3A_126 = tpu.memref_slice %arg10[%dma_wait3A_124, %dma_wait3A_125] : memref<10240x128xf32, #tpu.memory_space<vmem_shared>> -> memref<80x128xf32, #tpu.memory_space<vmem_shared>>
    tpu.wait_dma2 semaphore(%arg11 : memref<!tpu.dma_semaphore, #tpu.memory_space<semaphore_mem>>) src(%arg8 : memref<80x128xf32, #tpu.memory_space<vmem>>) dst(%dma_wait3A_126 : memref<80x128xf32, #tpu.memory_space<vmem_shared>>)
    %dma_wait3A_127 = arith.constant 0 : i32
    %dma_wait3A_128 = arith.constant 0 : i32
    %dma_wait3A_129 = tpu.memref_slice %arg10[%dma_wait3A_127, %dma_wait3A_128] : memref<10240x128xf32, #tpu.memory_space<vmem_shared>> -> memref<80x128xf32, #tpu.memory_space<vmem_shared>>
    %dma_wait3A_130 = arith.constant 0 : i32
    %dma_wait3A_131 = arith.constant 0 : i32
    %dma_wait3A_132 = tpu.memref_slice %arg10[%dma_wait3A_130, %dma_wait3A_131] : memref<10240x128xf32, #tpu.memory_space<vmem_shared>> -> memref<80x128xf32, #tpu.memory_space<vmem_shared>>
    tpu.wait_dma2 semaphore(%arg11 : memref<!tpu.dma_semaphore, #tpu.memory_space<semaphore_mem>>) src(%arg8 : memref<80x128xf32, #tpu.memory_space<vmem>>) dst(%dma_wait3A_132 : memref<80x128xf32, #tpu.memory_space<vmem_shared>>)
    %dma_wait3A_133 = arith.constant 0 : i32
    %dma_wait3A_134 = arith.constant 0 : i32
    %dma_wait3A_135 = tpu.memref_slice %arg10[%dma_wait3A_133, %dma_wait3A_134] : memref<10240x128xf32, #tpu.memory_space<vmem_shared>> -> memref<80x128xf32, #tpu.memory_space<vmem_shared>>
    %dma_wait3A_136 = arith.constant 0 : i32
    %dma_wait3A_137 = arith.constant 0 : i32
    %dma_wait3A_138 = tpu.memref_slice %arg10[%dma_wait3A_136, %dma_wait3A_137] : memref<10240x128xf32, #tpu.memory_space<vmem_shared>> -> memref<80x128xf32, #tpu.memory_space<vmem_shared>>
    tpu.wait_dma2 semaphore(%arg11 : memref<!tpu.dma_semaphore, #tpu.memory_space<semaphore_mem>>) src(%arg8 : memref<80x128xf32, #tpu.memory_space<vmem>>) dst(%dma_wait3A_138 : memref<80x128xf32, #tpu.memory_space<vmem_shared>>)
    %dma_wait3A_139 = arith.constant 0 : i32
    %dma_wait3A_140 = arith.constant 0 : i32
    %dma_wait3A_141 = tpu.memref_slice %arg10[%dma_wait3A_139, %dma_wait3A_140] : memref<10240x128xf32, #tpu.memory_space<vmem_shared>> -> memref<80x128xf32, #tpu.memory_space<vmem_shared>>
    %dma_wait3A_142 = arith.constant 0 : i32
    %dma_wait3A_143 = arith.constant 0 : i32
    %dma_wait3A_144 = tpu.memref_slice %arg10[%dma_wait3A_142, %dma_wait3A_143] : memref<10240x128xf32, #tpu.memory_space<vmem_shared>> -> memref<80x128xf32, #tpu.memory_space<vmem_shared>>
    tpu.wait_dma2 semaphore(%arg11 : memref<!tpu.dma_semaphore, #tpu.memory_space<semaphore_mem>>) src(%arg8 : memref<80x128xf32, #tpu.memory_space<vmem>>) dst(%dma_wait3A_144 : memref<80x128xf32, #tpu.memory_space<vmem_shared>>)
    %dma_wait3A_145 = arith.constant 0 : i32
    %dma_wait3A_146 = arith.constant 0 : i32
    %dma_wait3A_147 = tpu.memref_slice %arg10[%dma_wait3A_145, %dma_wait3A_146] : memref<10240x128xf32, #tpu.memory_space<vmem_shared>> -> memref<80x128xf32, #tpu.memory_space<vmem_shared>>
    %dma_wait3A_148 = arith.constant 0 : i32
    %dma_wait3A_149 = arith.constant 0 : i32
    %dma_wait3A_150 = tpu.memref_slice %arg10[%dma_wait3A_148, %dma_wait3A_149] : memref<10240x128xf32, #tpu.memory_space<vmem_shared>> -> memref<80x128xf32, #tpu.memory_space<vmem_shared>>
    tpu.wait_dma2 semaphore(%arg11 : memref<!tpu.dma_semaphore, #tpu.memory_space<semaphore_mem>>) src(%arg8 : memref<80x128xf32, #tpu.memory_space<vmem>>) dst(%dma_wait3A_150 : memref<80x128xf32, #tpu.memory_space<vmem_shared>>)
    %dma_wait3A_151 = arith.constant 0 : i32
    %dma_wait3A_152 = arith.constant 0 : i32
    %dma_wait3A_153 = tpu.memref_slice %arg10[%dma_wait3A_151, %dma_wait3A_152] : memref<10240x128xf32, #tpu.memory_space<vmem_shared>> -> memref<80x128xf32, #tpu.memory_space<vmem_shared>>
    %dma_wait3A_154 = arith.constant 0 : i32
    %dma_wait3A_155 = arith.constant 0 : i32
    %dma_wait3A_156 = tpu.memref_slice %arg10[%dma_wait3A_154, %dma_wait3A_155] : memref<10240x128xf32, #tpu.memory_space<vmem_shared>> -> memref<80x128xf32, #tpu.memory_space<vmem_shared>>
    tpu.wait_dma2 semaphore(%arg11 : memref<!tpu.dma_semaphore, #tpu.memory_space<semaphore_mem>>) src(%arg8 : memref<80x128xf32, #tpu.memory_space<vmem>>) dst(%dma_wait3A_156 : memref<80x128xf32, #tpu.memory_space<vmem_shared>>)
    %dma_wait3A_157 = arith.constant 0 : i32
    %dma_wait3A_158 = arith.constant 0 : i32
    %dma_wait3A_159 = tpu.memref_slice %arg10[%dma_wait3A_157, %dma_wait3A_158] : memref<10240x128xf32, #tpu.memory_space<vmem_shared>> -> memref<80x128xf32, #tpu.memory_space<vmem_shared>>
    %dma_wait3A_160 = arith.constant 0 : i32
    %dma_wait3A_161 = arith.constant 0 : i32
    %dma_wait3A_162 = tpu.memref_slice %arg10[%dma_wait3A_160, %dma_wait3A_161] : memref<10240x128xf32, #tpu.memory_space<vmem_shared>> -> memref<80x128xf32, #tpu.memory_space<vmem_shared>>
    tpu.wait_dma2 semaphore(%arg11 : memref<!tpu.dma_semaphore, #tpu.memory_space<semaphore_mem>>) src(%arg8 : memref<80x128xf32, #tpu.memory_space<vmem>>) dst(%dma_wait3A_162 : memref<80x128xf32, #tpu.memory_space<vmem_shared>>)
    %barrier3A = arith.constant 0 : index
    tpu.barrier barrier_id(%barrier3A)
    %dma_start3A_163 = arith.constant 0 : i32
    %dma_start3A_164 = arith.constant 0 : i32
    %dma_start3A_165 = tpu.memref_slice %arg8[%dma_start3A_163, %dma_start3A_164] : memref<80x128xf32, #tpu.memory_space<vmem>> -> memref<40x128xf32, #tpu.memory_space<vmem>>
    %dma_start3A_166 = arith.constant 80 : i32
    %dma_start3A_167 = tpu.memref_slice %arg6[%dma_start3A_166] : memref<10000xi32, #tpu.memory_space<vmem>> -> memref<40xi32, #tpu.memory_space<vmem>>
    %dma_start3A_168 = arith.constant 0 : i32
    %dma_start3A_169 = arith.constant 0 : i32
    %dma_start3A_170 = tpu.memref_slice %arg4[%dma_start3A_168, %dma_start3A_169] : memref<10000x128xf32, #tpu.memory_space<hbm>> -> memref<10000x128xf32, #tpu.memory_space<hbm>>
    tpu.enqueue_indirect_dma source(%dma_start3A_170 : memref<10000x128xf32, #tpu.memory_space<hbm>>) target(%dma_start3A_165 : memref<40x128xf32, #tpu.memory_space<vmem>>) offsets(%dma_start3A_167 : memref<40xi32, #tpu.memory_space<vmem>>) semaphore(%arg12 : memref<!tpu.dma_semaphore, #tpu.memory_space<semaphore_mem>>)
    %dma_start3A_171 = arith.constant 40 : i32
    %dma_start3A_172 = arith.constant 0 : i32
    %dma_start3A_173 = tpu.memref_slice %arg8[%dma_start3A_171, %dma_start3A_172] : memref<80x128xf32, #tpu.memory_space<vmem>> -> memref<40x128xf32, #tpu.memory_space<vmem>>
    %dma_start3A_174 = arith.constant 120 : i32
    %dma_start3A_175 = tpu.memref_slice %arg6[%dma_start3A_174] : memref<10000xi32, #tpu.memory_space<vmem>> -> memref<40xi32, #tpu.memory_space<vmem>>
    %dma_start3A_176 = arith.constant 0 : i32
    %dma_start3A_177 = arith.constant 0 : i32
    %dma_start3A_178 = tpu.memref_slice %arg4[%dma_start3A_176, %dma_start3A_177] : memref<10000x128xf32, #tpu.memory_space<hbm>> -> memref<10000x128xf32, #tpu.memory_space<hbm>>
    tpu.enqueue_indirect_dma source(%dma_start3A_178 : memref<10000x128xf32, #tpu.memory_space<hbm>>) target(%dma_start3A_173 : memref<40x128xf32, #tpu.memory_space<vmem>>) offsets(%dma_start3A_175 : memref<40xi32, #tpu.memory_space<vmem>>) semaphore(%arg12 : memref<!tpu.dma_semaphore, #tpu.memory_space<semaphore_mem>>)
    %dma_wait3A_179 = arith.constant 0 : i32
    %dma_wait3A_180 = arith.constant 0 : i32
    %dma_wait3A_181 = tpu.memref_slice %arg9[%dma_wait3A_179, %dma_wait3A_180] : memref<80x128xf32, #tpu.memory_space<vmem>> -> memref<40x128xf32, #tpu.memory_space<vmem>>
    %dma_wait3A_182 = arith.constant 0 : i32
    %dma_wait3A_183 = tpu.memref_slice %arg6[%dma_wait3A_182] : memref<10000xi32, #tpu.memory_space<vmem>> -> memref<40xi32, #tpu.memory_space<vmem>>
    %dma_wait3A_184 = arith.constant 0 : i32
    %dma_wait3A_185 = arith.constant 0 : i32
    %dma_wait3A_186 = tpu.memref_slice %arg4[%dma_wait3A_184, %dma_wait3A_185] : memref<10000x128xf32, #tpu.memory_space<hbm>> -> memref<10000x128xf32, #tpu.memory_space<hbm>>
    tpu.wait_indirect_dma semaphore(%arg13 : memref<!tpu.dma_semaphore, #tpu.memory_space<semaphore_mem>>) src(%dma_wait3A_186 : memref<10000x128xf32, #tpu.memory_space<hbm>>) dst(%dma_wait3A_181 : memref<40x128xf32, #tpu.memory_space<vmem>>)
    %dma_wait3A_187 = arith.constant 0 : i32
    %dma_wait3A_188 = arith.constant 0 : i32
    %dma_wait3A_189 = tpu.memref_slice %arg9[%dma_wait3A_187, %dma_wait3A_188] : memref<80x128xf32, #tpu.memory_space<vmem>> -> memref<40x128xf32, #tpu.memory_space<vmem>>
    %dma_wait3A_190 = arith.constant 0 : i32
    %dma_wait3A_191 = tpu.memref_slice %arg6[%dma_wait3A_190] : memref<10000xi32, #tpu.memory_space<vmem>> -> memref<40xi32, #tpu.memory_space<vmem>>
    %dma_wait3A_192 = arith.constant 0 : i32
    %dma_wait3A_193 = arith.constant 0 : i32
    %dma_wait3A_194 = tpu.memref_slice %arg4[%dma_wait3A_192, %dma_wait3A_193] : memref<10000x128xf32, #tpu.memory_space<hbm>> -> memref<10000x128xf32, #tpu.memory_space<hbm>>
    tpu.wait_indirect_dma semaphore(%arg13 : memref<!tpu.dma_semaphore, #tpu.memory_space<semaphore_mem>>) src(%dma_wait3A_194 : memref<10000x128xf32, #tpu.memory_space<hbm>>) dst(%dma_wait3A_189 : memref<40x128xf32, #tpu.memory_space<vmem>>)
    %dma_start3A_195 = arith.constant 0 : i32
    %dma_start3A_196 = arith.constant 0 : i32
    %dma_start3A_197 = tpu.memref_slice %arg7[%dma_start3A_195, %dma_start3A_196] : memref<125x80xi32, #tpu.memory_space<vmem>> -> memref<1x80xi32, #tpu.memory_space<vmem>>
    %dma_start3A_198 = tpu.memref_squeeze %dma_start3A_197 : memref<1x80xi32, #tpu.memory_space<vmem>> -> memref<80xi32, #tpu.memory_space<vmem>>
    %dma_start3A_199 = arith.constant 0 : i32
    %dma_start3A_200 = arith.constant 0 : i32
    %dma_start3A_201 = tpu.memref_slice %arg10[%dma_start3A_199, %dma_start3A_200] : memref<10240x128xf32, #tpu.memory_space<vmem_shared>> -> memref<10240x128xf32, #tpu.memory_space<vmem_shared>>
    tpu.enqueue_indirect_dma source(%arg9 : memref<80x128xf32, #tpu.memory_space<vmem>>) target(%dma_start3A_201 : memref<10240x128xf32, #tpu.memory_space<vmem_shared>>) offsets(%dma_start3A_198 : memref<80xi32, #tpu.memory_space<vmem>>) semaphore(%arg15 : memref<!tpu.dma_semaphore, #tpu.memory_space<semaphore_mem>>) {add = true}
    %scan3A_202 = arith.constant 0 : i32
    %scan3A_203 = arith.constant 0 : i32
    %scan3A_204 = arith.constant 61 : i32
    %scan3A_205 = arith.addi %scan3A_203, %scan3A_204 : i32
    %scan3A_206 = arith.constant 1 : i32
    scf.for %scan3A_296 = %scan3A_203 to %scan3A_205 step %scan3A_206  : i32 {
      %mul3A_297 = arith.constant 2 : i32
      %mul3A_298 = arith.muli %mul3A_297, %scan3A_296 : i32
      %add3A_299 = arith.constant 1 : i32
      %add3A_300 = arith.addi %mul3A_298, %add3A_299 : i32
      %dma_wait3A_301 = arith.constant 0 : i32
      %dma_wait3A_302 = arith.constant 0 : i32
      %dma_wait3A_303 = tpu.memref_slice %arg7[%dma_wait3A_301, %dma_wait3A_302] : memref<125x80xi32, #tpu.memory_space<vmem>> -> memref<1x80xi32, #tpu.memory_space<vmem>>
      %dma_wait3A_304 = tpu.memref_squeeze %dma_wait3A_303 : memref<1x80xi32, #tpu.memory_space<vmem>> -> memref<80xi32, #tpu.memory_space<vmem>>
      %dma_wait3A_305 = arith.constant 0 : i32
      %dma_wait3A_306 = arith.constant 0 : i32
      %dma_wait3A_307 = tpu.memref_slice %arg10[%dma_wait3A_305, %dma_wait3A_306] : memref<10240x128xf32, #tpu.memory_space<vmem_shared>> -> memref<10240x128xf32, #tpu.memory_space<vmem_shared>>
      tpu.wait_indirect_dma semaphore(%arg15 : memref<!tpu.dma_semaphore, #tpu.memory_space<semaphore_mem>>) src(%arg8 : memref<80x128xf32, #tpu.memory_space<vmem>>) dst(%dma_wait3A_307 : memref<10240x128xf32, #tpu.memory_space<vmem_shared>>)
      %add3A_308 = arith.constant 1 : i32
      %add3A_309 = arith.addi %add3A_300, %add3A_308 : i32
      %mul3A_310 = arith.constant 80 : i32
      %mul3A_311 = arith.muli %add3A_309, %mul3A_310 : i32
      %dma_start3A_312 = arith.constant 0 : i32
      %dma_start3A_313 = arith.constant 0 : i32
      %dma_start3A_314 = tpu.memref_slice %arg9[%dma_start3A_312, %dma_start3A_313] : memref<80x128xf32, #tpu.memory_space<vmem>> -> memref<40x128xf32, #tpu.memory_space<vmem>>
      %dma_start3A_315 = tpu.memref_slice %arg6[%mul3A_311] : memref<10000xi32, #tpu.memory_space<vmem>> -> memref<40xi32, #tpu.memory_space<vmem>>
      %dma_start3A_316 = arith.constant 0 : i32
      %dma_start3A_317 = arith.constant 0 : i32
      %dma_start3A_318 = tpu.memref_slice %arg4[%dma_start3A_316, %dma_start3A_317] : memref<10000x128xf32, #tpu.memory_space<hbm>> -> memref<10000x128xf32, #tpu.memory_space<hbm>>
      tpu.enqueue_indirect_dma source(%dma_start3A_318 : memref<10000x128xf32, #tpu.memory_space<hbm>>) target(%dma_start3A_314 : memref<40x128xf32, #tpu.memory_space<vmem>>) offsets(%dma_start3A_315 : memref<40xi32, #tpu.memory_space<vmem>>) semaphore(%arg13 : memref<!tpu.dma_semaphore, #tpu.memory_space<semaphore_mem>>)
      %mul3A_319 = arith.constant 80 : i32
      %mul3A_320 = arith.muli %add3A_309, %mul3A_319 : i32
      %add3A_321 = arith.constant 40 : i32
      %add3A_322 = arith.addi %mul3A_320, %add3A_321 : i32
      %dma_start3A_323 = arith.constant 40 : i32
      %dma_start3A_324 = arith.constant 0 : i32
      %dma_start3A_325 = tpu.memref_slice %arg9[%dma_start3A_323, %dma_start3A_324] : memref<80x128xf32, #tpu.memory_space<vmem>> -> memref<40x128xf32, #tpu.memory_space<vmem>>
      %dma_start3A_326 = tpu.memref_slice %arg6[%add3A_322] : memref<10000xi32, #tpu.memory_space<vmem>> -> memref<40xi32, #tpu.memory_space<vmem>>
      %dma_start3A_327 = arith.constant 0 : i32
      %dma_start3A_328 = arith.constant 0 : i32
      %dma_start3A_329 = tpu.memref_slice %arg4[%dma_start3A_327, %dma_start3A_328] : memref<10000x128xf32, #tpu.memory_space<hbm>> -> memref<10000x128xf32, #tpu.memory_space<hbm>>
      tpu.enqueue_indirect_dma source(%dma_start3A_329 : memref<10000x128xf32, #tpu.memory_space<hbm>>) target(%dma_start3A_325 : memref<40x128xf32, #tpu.memory_space<vmem>>) offsets(%dma_start3A_326 : memref<40xi32, #tpu.memory_space<vmem>>) semaphore(%arg13 : memref<!tpu.dma_semaphore, #tpu.memory_space<semaphore_mem>>)
      %dma_wait3A_330 = arith.constant 0 : i32
      %dma_wait3A_331 = arith.constant 0 : i32
      %dma_wait3A_332 = tpu.memref_slice %arg8[%dma_wait3A_330, %dma_wait3A_331] : memref<80x128xf32, #tpu.memory_space<vmem>> -> memref<40x128xf32, #tpu.memory_space<vmem>>
      %dma_wait3A_333 = arith.constant 0 : i32
      %dma_wait3A_334 = tpu.memref_slice %arg6[%dma_wait3A_333] : memref<10000xi32, #tpu.memory_space<vmem>> -> memref<40xi32, #tpu.memory_space<vmem>>
      %dma_wait3A_335 = arith.constant 0 : i32
      %dma_wait3A_336 = arith.constant 0 : i32
      %dma_wait3A_337 = tpu.memref_slice %arg4[%dma_wait3A_335, %dma_wait3A_336] : memref<10000x128xf32, #tpu.memory_space<hbm>> -> memref<10000x128xf32, #tpu.memory_space<hbm>>
      tpu.wait_indirect_dma semaphore(%arg12 : memref<!tpu.dma_semaphore, #tpu.memory_space<semaphore_mem>>) src(%dma_wait3A_337 : memref<10000x128xf32, #tpu.memory_space<hbm>>) dst(%dma_wait3A_332 : memref<40x128xf32, #tpu.memory_space<vmem>>)
      %dma_wait3A_338 = arith.constant 0 : i32
      %dma_wait3A_339 = arith.constant 0 : i32
      %dma_wait3A_340 = tpu.memref_slice %arg8[%dma_wait3A_338, %dma_wait3A_339] : memref<80x128xf32, #tpu.memory_space<vmem>> -> memref<40x128xf32, #tpu.memory_space<vmem>>
      %dma_wait3A_341 = arith.constant 0 : i32
      %dma_wait3A_342 = tpu.memref_slice %arg6[%dma_wait3A_341] : memref<10000xi32, #tpu.memory_space<vmem>> -> memref<40xi32, #tpu.memory_space<vmem>>
      %dma_wait3A_343 = arith.constant 0 : i32
      %dma_wait3A_344 = arith.constant 0 : i32
      %dma_wait3A_345 = tpu.memref_slice %arg4[%dma_wait3A_343, %dma_wait3A_344] : memref<10000x128xf32, #tpu.memory_space<hbm>> -> memref<10000x128xf32, #tpu.memory_space<hbm>>
      tpu.wait_indirect_dma semaphore(%arg12 : memref<!tpu.dma_semaphore, #tpu.memory_space<semaphore_mem>>) src(%dma_wait3A_345 : memref<10000x128xf32, #tpu.memory_space<hbm>>) dst(%dma_wait3A_340 : memref<40x128xf32, #tpu.memory_space<vmem>>)
      %dma_start3A_346 = arith.constant 0 : i32
      %dma_start3A_347 = tpu.memref_slice %arg7[%add3A_300, %dma_start3A_346] : memref<125x80xi32, #tpu.memory_space<vmem>> -> memref<1x80xi32, #tpu.memory_space<vmem>>
      %dma_start3A_348 = tpu.memref_squeeze %dma_start3A_347 : memref<1x80xi32, #tpu.memory_space<vmem>> -> memref<80xi32, #tpu.memory_space<vmem>>
      %dma_start3A_349 = arith.constant 0 : i32
      %dma_start3A_350 = arith.constant 0 : i32
      %dma_start3A_351 = tpu.memref_slice %arg10[%dma_start3A_349, %dma_start3A_350] : memref<10240x128xf32, #tpu.memory_space<vmem_shared>> -> memref<10240x128xf32, #tpu.memory_space<vmem_shared>>
      tpu.enqueue_indirect_dma source(%arg8 : memref<80x128xf32, #tpu.memory_space<vmem>>) target(%dma_start3A_351 : memref<10240x128xf32, #tpu.memory_space<vmem_shared>>) offsets(%dma_start3A_348 : memref<80xi32, #tpu.memory_space<vmem>>) semaphore(%arg14 : memref<!tpu.dma_semaphore, #tpu.memory_space<semaphore_mem>>) {add = true}
      %add3A_352 = arith.constant 1 : i32
      %add3A_353 = arith.addi %add3A_300, %add3A_352 : i32
      %dma_wait3A_354 = arith.constant 0 : i32
      %dma_wait3A_355 = arith.constant 0 : i32
      %dma_wait3A_356 = tpu.memref_slice %arg7[%dma_wait3A_354, %dma_wait3A_355] : memref<125x80xi32, #tpu.memory_space<vmem>> -> memref<1x80xi32, #tpu.memory_space<vmem>>
      %dma_wait3A_357 = tpu.memref_squeeze %dma_wait3A_356 : memref<1x80xi32, #tpu.memory_space<vmem>> -> memref<80xi32, #tpu.memory_space<vmem>>
      %dma_wait3A_358 = arith.constant 0 : i32
      %dma_wait3A_359 = arith.constant 0 : i32
      %dma_wait3A_360 = tpu.memref_slice %arg10[%dma_wait3A_358, %dma_wait3A_359] : memref<10240x128xf32, #tpu.memory_space<vmem_shared>> -> memref<10240x128xf32, #tpu.memory_space<vmem_shared>>
      tpu.wait_indirect_dma semaphore(%arg14 : memref<!tpu.dma_semaphore, #tpu.memory_space<semaphore_mem>>) src(%arg8 : memref<80x128xf32, #tpu.memory_space<vmem>>) dst(%dma_wait3A_360 : memref<10240x128xf32, #tpu.memory_space<vmem_shared>>)
      %add3A_361 = arith.constant 1 : i32
      %add3A_362 = arith.addi %add3A_353, %add3A_361 : i32
      %mul3A_363 = arith.constant 80 : i32
      %mul3A_364 = arith.muli %add3A_362, %mul3A_363 : i32
      %dma_start3A_365 = arith.constant 0 : i32
      %dma_start3A_366 = arith.constant 0 : i32
      %dma_start3A_367 = tpu.memref_slice %arg8[%dma_start3A_365, %dma_start3A_366] : memref<80x128xf32, #tpu.memory_space<vmem>> -> memref<40x128xf32, #tpu.memory_space<vmem>>
      %dma_start3A_368 = tpu.memref_slice %arg6[%mul3A_364] : memref<10000xi32, #tpu.memory_space<vmem>> -> memref<40xi32, #tpu.memory_space<vmem>>
      %dma_start3A_369 = arith.constant 0 : i32
      %dma_start3A_370 = arith.constant 0 : i32
      %dma_start3A_371 = tpu.memref_slice %arg4[%dma_start3A_369, %dma_start3A_370] : memref<10000x128xf32, #tpu.memory_space<hbm>> -> memref<10000x128xf32, #tpu.memory_space<hbm>>
      tpu.enqueue_indirect_dma source(%dma_start3A_371 : memref<10000x128xf32, #tpu.memory_space<hbm>>) target(%dma_start3A_367 : memref<40x128xf32, #tpu.memory_space<vmem>>) offsets(%dma_start3A_368 : memref<40xi32, #tpu.memory_space<vmem>>) semaphore(%arg12 : memref<!tpu.dma_semaphore, #tpu.memory_space<semaphore_mem>>)
      %mul3A_372 = arith.constant 80 : i32
      %mul3A_373 = arith.muli %add3A_362, %mul3A_372 : i32
      %add3A_374 = arith.constant 40 : i32
      %add3A_375 = arith.addi %mul3A_373, %add3A_374 : i32
      %dma_start3A_376 = arith.constant 40 : i32
      %dma_start3A_377 = arith.constant 0 : i32
      %dma_start3A_378 = tpu.memref_slice %arg8[%dma_start3A_376, %dma_start3A_377] : memref<80x128xf32, #tpu.memory_space<vmem>> -> memref<40x128xf32, #tpu.memory_space<vmem>>
      %dma_start3A_379 = tpu.memref_slice %arg6[%add3A_375] : memref<10000xi32, #tpu.memory_space<vmem>> -> memref<40xi32, #tpu.memory_space<vmem>>
      %dma_start3A_380 = arith.constant 0 : i32
      %dma_start3A_381 = arith.constant 0 : i32
      %dma_start3A_382 = tpu.memref_slice %arg4[%dma_start3A_380, %dma_start3A_381] : memref<10000x128xf32, #tpu.memory_space<hbm>> -> memref<10000x128xf32, #tpu.memory_space<hbm>>
      tpu.enqueue_indirect_dma source(%dma_start3A_382 : memref<10000x128xf32, #tpu.memory_space<hbm>>) target(%dma_start3A_378 : memref<40x128xf32, #tpu.memory_space<vmem>>) offsets(%dma_start3A_379 : memref<40xi32, #tpu.memory_space<vmem>>) semaphore(%arg12 : memref<!tpu.dma_semaphore, #tpu.memory_space<semaphore_mem>>)
      %dma_wait3A_383 = arith.constant 0 : i32
      %dma_wait3A_384 = arith.constant 0 : i32
      %dma_wait3A_385 = tpu.memref_slice %arg9[%dma_wait3A_383, %dma_wait3A_384] : memref<80x128xf32, #tpu.memory_space<vmem>> -> memref<40x128xf32, #tpu.memory_space<vmem>>
      %dma_wait3A_386 = arith.constant 0 : i32
      %dma_wait3A_387 = tpu.memref_slice %arg6[%dma_wait3A_386] : memref<10000xi32, #tpu.memory_space<vmem>> -> memref<40xi32, #tpu.memory_space<vmem>>
      %dma_wait3A_388 = arith.constant 0 : i32
      %dma_wait3A_389 = arith.constant 0 : i32
      %dma_wait3A_390 = tpu.memref_slice %arg4[%dma_wait3A_388, %dma_wait3A_389] : memref<10000x128xf32, #tpu.memory_space<hbm>> -> memref<10000x128xf32, #tpu.memory_space<hbm>>
      tpu.wait_indirect_dma semaphore(%arg13 : memref<!tpu.dma_semaphore, #tpu.memory_space<semaphore_mem>>) src(%dma_wait3A_390 : memref<10000x128xf32, #tpu.memory_space<hbm>>) dst(%dma_wait3A_385 : memref<40x128xf32, #tpu.memory_space<vmem>>)
      %dma_wait3A_391 = arith.constant 0 : i32
      %dma_wait3A_392 = arith.constant 0 : i32
      %dma_wait3A_393 = tpu.memref_slice %arg9[%dma_wait3A_391, %dma_wait3A_392] : memref<80x128xf32, #tpu.memory_space<vmem>> -> memref<40x128xf32, #tpu.memory_space<vmem>>
      %dma_wait3A_394 = arith.constant 0 : i32
      %dma_wait3A_395 = tpu.memref_slice %arg6[%dma_wait3A_394] : memref<10000xi32, #tpu.memory_space<vmem>> -> memref<40xi32, #tpu.memory_space<vmem>>
      %dma_wait3A_396 = arith.constant 0 : i32
      %dma_wait3A_397 = arith.constant 0 : i32
      %dma_wait3A_398 = tpu.memref_slice %arg4[%dma_wait3A_396, %dma_wait3A_397] : memref<10000x128xf32, #tpu.memory_space<hbm>> -> memref<10000x128xf32, #tpu.memory_space<hbm>>
      tpu.wait_indirect_dma semaphore(%arg13 : memref<!tpu.dma_semaphore, #tpu.memory_space<semaphore_mem>>) src(%dma_wait3A_398 : memref<10000x128xf32, #tpu.memory_space<hbm>>) dst(%dma_wait3A_393 : memref<40x128xf32, #tpu.memory_space<vmem>>)
      %dma_start3A_399 = arith.constant 0 : i32
      %dma_start3A_400 = tpu.memref_slice %arg7[%add3A_353, %dma_start3A_399] : memref<125x80xi32, #tpu.memory_space<vmem>> -> memref<1x80xi32, #tpu.memory_space<vmem>>
      %dma_start3A_401 = tpu.memref_squeeze %dma_start3A_400 : memref<1x80xi32, #tpu.memory_space<vmem>> -> memref<80xi32, #tpu.memory_space<vmem>>
      %dma_start3A_402 = arith.constant 0 : i32
      %dma_start3A_403 = arith.constant 0 : i32
      %dma_start3A_404 = tpu.memref_slice %arg10[%dma_start3A_402, %dma_start3A_403] : memref<10240x128xf32, #tpu.memory_space<vmem_shared>> -> memref<10240x128xf32, #tpu.memory_space<vmem_shared>>
      tpu.enqueue_indirect_dma source(%arg9 : memref<80x128xf32, #tpu.memory_space<vmem>>) target(%dma_start3A_404 : memref<10240x128xf32, #tpu.memory_space<vmem_shared>>) offsets(%dma_start3A_401 : memref<80xi32, #tpu.memory_space<vmem>>) semaphore(%arg15 : memref<!tpu.dma_semaphore, #tpu.memory_space<semaphore_mem>>) {add = true}
    }
    %scan3A_207 = arith.constant 61 : i32
    %dma_wait3A_208 = arith.constant 0 : i32
    %dma_wait3A_209 = arith.constant 0 : i32
    %dma_wait3A_210 = tpu.memref_slice %arg7[%dma_wait3A_208, %dma_wait3A_209] : memref<125x80xi32, #tpu.memory_space<vmem>> -> memref<1x80xi32, #tpu.memory_space<vmem>>
    %dma_wait3A_211 = tpu.memref_squeeze %dma_wait3A_210 : memref<1x80xi32, #tpu.memory_space<vmem>> -> memref<80xi32, #tpu.memory_space<vmem>>
    %dma_wait3A_212 = arith.constant 0 : i32
    %dma_wait3A_213 = arith.constant 0 : i32
    %dma_wait3A_214 = tpu.memref_slice %arg10[%dma_wait3A_212, %dma_wait3A_213] : memref<10240x128xf32, #tpu.memory_space<vmem_shared>> -> memref<10240x128xf32, #tpu.memory_space<vmem_shared>>
    tpu.wait_indirect_dma semaphore(%arg15 : memref<!tpu.dma_semaphore, #tpu.memory_space<semaphore_mem>>) src(%arg8 : memref<80x128xf32, #tpu.memory_space<vmem>>) dst(%dma_wait3A_214 : memref<10240x128xf32, #tpu.memory_space<vmem_shared>>)
    %dma_start3A_215 = arith.constant 0 : i32
    %dma_start3A_216 = arith.constant 0 : i32
    %dma_start3A_217 = tpu.memref_slice %arg9[%dma_start3A_215, %dma_start3A_216] : memref<80x128xf32, #tpu.memory_space<vmem>> -> memref<40x128xf32, #tpu.memory_space<vmem>>
    %dma_start3A_218 = arith.constant 9920 : i32
    %dma_start3A_219 = tpu.memref_slice %arg6[%dma_start3A_218] : memref<10000xi32, #tpu.memory_space<vmem>> -> memref<40xi32, #tpu.memory_space<vmem>>
    %dma_start3A_220 = arith.constant 0 : i32
    %dma_start3A_221 = arith.constant 0 : i32
    %dma_start3A_222 = tpu.memref_slice %arg4[%dma_start3A_220, %dma_start3A_221] : memref<10000x128xf32, #tpu.memory_space<hbm>> -> memref<10000x128xf32, #tpu.memory_space<hbm>>
    tpu.enqueue_indirect_dma source(%dma_start3A_222 : memref<10000x128xf32, #tpu.memory_space<hbm>>) target(%dma_start3A_217 : memref<40x128xf32, #tpu.memory_space<vmem>>) offsets(%dma_start3A_219 : memref<40xi32, #tpu.memory_space<vmem>>) semaphore(%arg13 : memref<!tpu.dma_semaphore, #tpu.memory_space<semaphore_mem>>)
    %dma_start3A_223 = arith.constant 40 : i32
    %dma_start3A_224 = arith.constant 0 : i32
    %dma_start3A_225 = tpu.memref_slice %arg9[%dma_start3A_223, %dma_start3A_224] : memref<80x128xf32, #tpu.memory_space<vmem>> -> memref<40x128xf32, #tpu.memory_space<vmem>>
    %dma_start3A_226 = arith.constant 9960 : i32
    %dma_start3A_227 = tpu.memref_slice %arg6[%dma_start3A_226] : memref<10000xi32, #tpu.memory_space<vmem>> -> memref<40xi32, #tpu.memory_space<vmem>>
    %dma_start3A_228 = arith.constant 0 : i32
    %dma_start3A_229 = arith.constant 0 : i32
    %dma_start3A_230 = tpu.memref_slice %arg4[%dma_start3A_228, %dma_start3A_229] : memref<10000x128xf32, #tpu.memory_space<hbm>> -> memref<10000x128xf32, #tpu.memory_space<hbm>>
    tpu.enqueue_indirect_dma source(%dma_start3A_230 : memref<10000x128xf32, #tpu.memory_space<hbm>>) target(%dma_start3A_225 : memref<40x128xf32, #tpu.memory_space<vmem>>) offsets(%dma_start3A_227 : memref<40xi32, #tpu.memory_space<vmem>>) semaphore(%arg13 : memref<!tpu.dma_semaphore, #tpu.memory_space<semaphore_mem>>)
    %dma_wait3A_231 = arith.constant 0 : i32
    %dma_wait3A_232 = arith.constant 0 : i32
    %dma_wait3A_233 = tpu.memref_slice %arg8[%dma_wait3A_231, %dma_wait3A_232] : memref<80x128xf32, #tpu.memory_space<vmem>> -> memref<40x128xf32, #tpu.memory_space<vmem>>
    %dma_wait3A_234 = arith.constant 0 : i32
    %dma_wait3A_235 = tpu.memref_slice %arg6[%dma_wait3A_234] : memref<10000xi32, #tpu.memory_space<vmem>> -> memref<40xi32, #tpu.memory_space<vmem>>
    %dma_wait3A_236 = arith.constant 0 : i32
    %dma_wait3A_237 = arith.constant 0 : i32
    %dma_wait3A_238 = tpu.memref_slice %arg4[%dma_wait3A_236, %dma_wait3A_237] : memref<10000x128xf32, #tpu.memory_space<hbm>> -> memref<10000x128xf32, #tpu.memory_space<hbm>>
    tpu.wait_indirect_dma semaphore(%arg12 : memref<!tpu.dma_semaphore, #tpu.memory_space<semaphore_mem>>) src(%dma_wait3A_238 : memref<10000x128xf32, #tpu.memory_space<hbm>>) dst(%dma_wait3A_233 : memref<40x128xf32, #tpu.memory_space<vmem>>)
    %dma_wait3A_239 = arith.constant 0 : i32
    %dma_wait3A_240 = arith.constant 0 : i32
    %dma_wait3A_241 = tpu.memref_slice %arg8[%dma_wait3A_239, %dma_wait3A_240] : memref<80x128xf32, #tpu.memory_space<vmem>> -> memref<40x128xf32, #tpu.memory_space<vmem>>
    %dma_wait3A_242 = arith.constant 0 : i32
    %dma_wait3A_243 = tpu.memref_slice %arg6[%dma_wait3A_242] : memref<10000xi32, #tpu.memory_space<vmem>> -> memref<40xi32, #tpu.memory_space<vmem>>
    %dma_wait3A_244 = arith.constant 0 : i32
    %dma_wait3A_245 = arith.constant 0 : i32
    %dma_wait3A_246 = tpu.memref_slice %arg4[%dma_wait3A_244, %dma_wait3A_245] : memref<10000x128xf32, #tpu.memory_space<hbm>> -> memref<10000x128xf32, #tpu.memory_space<hbm>>
    tpu.wait_indirect_dma semaphore(%arg12 : memref<!tpu.dma_semaphore, #tpu.memory_space<semaphore_mem>>) src(%dma_wait3A_246 : memref<10000x128xf32, #tpu.memory_space<hbm>>) dst(%dma_wait3A_241 : memref<40x128xf32, #tpu.memory_space<vmem>>)
    %dma_start3A_247 = arith.constant 123 : i32
    %dma_start3A_248 = arith.constant 0 : i32
    %dma_start3A_249 = tpu.memref_slice %arg7[%dma_start3A_247, %dma_start3A_248] : memref<125x80xi32, #tpu.memory_space<vmem>> -> memref<1x80xi32, #tpu.memory_space<vmem>>
    %dma_start3A_250 = tpu.memref_squeeze %dma_start3A_249 : memref<1x80xi32, #tpu.memory_space<vmem>> -> memref<80xi32, #tpu.memory_space<vmem>>
    %dma_start3A_251 = arith.constant 0 : i32
    %dma_start3A_252 = arith.constant 0 : i32
    %dma_start3A_253 = tpu.memref_slice %arg10[%dma_start3A_251, %dma_start3A_252] : memref<10240x128xf32, #tpu.memory_space<vmem_shared>> -> memref<10240x128xf32, #tpu.memory_space<vmem_shared>>
    tpu.enqueue_indirect_dma source(%arg8 : memref<80x128xf32, #tpu.memory_space<vmem>>) target(%dma_start3A_253 : memref<10240x128xf32, #tpu.memory_space<vmem_shared>>) offsets(%dma_start3A_250 : memref<80xi32, #tpu.memory_space<vmem>>) semaphore(%arg14 : memref<!tpu.dma_semaphore, #tpu.memory_space<semaphore_mem>>) {add = true}
    %dma_wait3A_254 = arith.constant 0 : i32
    %dma_wait3A_255 = arith.constant 0 : i32
    %dma_wait3A_256 = tpu.memref_slice %arg7[%dma_wait3A_254, %dma_wait3A_255] : memref<125x80xi32, #tpu.memory_space<vmem>> -> memref<1x80xi32, #tpu.memory_space<vmem>>
    %dma_wait3A_257 = tpu.memref_squeeze %dma_wait3A_256 : memref<1x80xi32, #tpu.memory_space<vmem>> -> memref<80xi32, #tpu.memory_space<vmem>>
    %dma_wait3A_258 = arith.constant 0 : i32
    %dma_wait3A_259 = arith.constant 0 : i32
    %dma_wait3A_260 = tpu.memref_slice %arg10[%dma_wait3A_258, %dma_wait3A_259] : memref<10240x128xf32, #tpu.memory_space<vmem_shared>> -> memref<10240x128xf32, #tpu.memory_space<vmem_shared>>
    tpu.wait_indirect_dma semaphore(%arg14 : memref<!tpu.dma_semaphore, #tpu.memory_space<semaphore_mem>>) src(%arg8 : memref<80x128xf32, #tpu.memory_space<vmem>>) dst(%dma_wait3A_260 : memref<10240x128xf32, #tpu.memory_space<vmem_shared>>)
    %dma_wait3A_261 = arith.constant 0 : i32
    %dma_wait3A_262 = arith.constant 0 : i32
    %dma_wait3A_263 = tpu.memref_slice %arg9[%dma_wait3A_261, %dma_wait3A_262] : memref<80x128xf32, #tpu.memory_space<vmem>> -> memref<40x128xf32, #tpu.memory_space<vmem>>
    %dma_wait3A_264 = arith.constant 0 : i32
    %dma_wait3A_265 = tpu.memref_slice %arg6[%dma_wait3A_264] : memref<10000xi32, #tpu.memory_space<vmem>> -> memref<40xi32, #tpu.memory_space<vmem>>
    %dma_wait3A_266 = arith.constant 0 : i32
    %dma_wait3A_267 = arith.constant 0 : i32
    %dma_wait3A_268 = tpu.memref_slice %arg4[%dma_wait3A_266, %dma_wait3A_267] : memref<10000x128xf32, #tpu.memory_space<hbm>> -> memref<10000x128xf32, #tpu.memory_space<hbm>>
    tpu.wait_indirect_dma semaphore(%arg13 : memref<!tpu.dma_semaphore, #tpu.memory_space<semaphore_mem>>) src(%dma_wait3A_268 : memref<10000x128xf32, #tpu.memory_space<hbm>>) dst(%dma_wait3A_263 : memref<40x128xf32, #tpu.memory_space<vmem>>)
    %dma_wait3A_269 = arith.constant 0 : i32
    %dma_wait3A_270 = arith.constant 0 : i32
    %dma_wait3A_271 = tpu.memref_slice %arg9[%dma_wait3A_269, %dma_wait3A_270] : memref<80x128xf32, #tpu.memory_space<vmem>> -> memref<40x128xf32, #tpu.memory_space<vmem>>
    %dma_wait3A_272 = arith.constant 0 : i32
    %dma_wait3A_273 = tpu.memref_slice %arg6[%dma_wait3A_272] : memref<10000xi32, #tpu.memory_space<vmem>> -> memref<40xi32, #tpu.memory_space<vmem>>
    %dma_wait3A_274 = arith.constant 0 : i32
    %dma_wait3A_275 = arith.constant 0 : i32
    %dma_wait3A_276 = tpu.memref_slice %arg4[%dma_wait3A_274, %dma_wait3A_275] : memref<10000x128xf32, #tpu.memory_space<hbm>> -> memref<10000x128xf32, #tpu.memory_space<hbm>>
    tpu.wait_indirect_dma semaphore(%arg13 : memref<!tpu.dma_semaphore, #tpu.memory_space<semaphore_mem>>) src(%dma_wait3A_276 : memref<10000x128xf32, #tpu.memory_space<hbm>>) dst(%dma_wait3A_271 : memref<40x128xf32, #tpu.memory_space<vmem>>)
    %dma_start3A_277 = arith.constant 124 : i32
    %dma_start3A_278 = arith.constant 0 : i32
    %dma_start3A_279 = tpu.memref_slice %arg7[%dma_start3A_277, %dma_start3A_278] : memref<125x80xi32, #tpu.memory_space<vmem>> -> memref<1x80xi32, #tpu.memory_space<vmem>>
    %dma_start3A_280 = tpu.memref_squeeze %dma_start3A_279 : memref<1x80xi32, #tpu.memory_space<vmem>> -> memref<80xi32, #tpu.memory_space<vmem>>
    %dma_start3A_281 = arith.constant 0 : i32
    %dma_start3A_282 = arith.constant 0 : i32
    %dma_start3A_283 = tpu.memref_slice %arg10[%dma_start3A_281, %dma_start3A_282] : memref<10240x128xf32, #tpu.memory_space<vmem_shared>> -> memref<10240x128xf32, #tpu.memory_space<vmem_shared>>
    tpu.enqueue_indirect_dma source(%arg9 : memref<80x128xf32, #tpu.memory_space<vmem>>) target(%dma_start3A_283 : memref<10240x128xf32, #tpu.memory_space<vmem_shared>>) offsets(%dma_start3A_280 : memref<80xi32, #tpu.memory_space<vmem>>) semaphore(%arg15 : memref<!tpu.dma_semaphore, #tpu.memory_space<semaphore_mem>>) {add = true}
    %dma_wait3A_284 = arith.constant 0 : i32
    %dma_wait3A_285 = arith.constant 0 : i32
    %dma_wait3A_286 = tpu.memref_slice %arg7[%dma_wait3A_284, %dma_wait3A_285] : memref<125x80xi32, #tpu.memory_space<vmem>> -> memref<1x80xi32, #tpu.memory_space<vmem>>
    %dma_wait3A_287 = tpu.memref_squeeze %dma_wait3A_286 : memref<1x80xi32, #tpu.memory_space<vmem>> -> memref<80xi32, #tpu.memory_space<vmem>>
    %dma_wait3A_288 = arith.constant 0 : i32
    %dma_wait3A_289 = arith.constant 0 : i32
    %dma_wait3A_290 = tpu.memref_slice %arg10[%dma_wait3A_288, %dma_wait3A_289] : memref<10240x128xf32, #tpu.memory_space<vmem_shared>> -> memref<10240x128xf32, #tpu.memory_space<vmem_shared>>
    tpu.wait_indirect_dma semaphore(%arg15 : memref<!tpu.dma_semaphore, #tpu.memory_space<semaphore_mem>>) src(%arg8 : memref<80x128xf32, #tpu.memory_space<vmem>>) dst(%dma_wait3A_290 : memref<10240x128xf32, #tpu.memory_space<vmem_shared>>)
    %barrier3A_291 = arith.constant 0 : index
    tpu.barrier barrier_id(%barrier3A_291)
    %mul3A_292 = arith.constant 640 : i32
    %mul3A_293 = arith.muli %arg1, %mul3A_292 : i32
    %mul3A_294 = arith.constant 640 : i32
    %mul3A_295 = arith.muli %arg1, %mul3A_294 : i32
    "tpu.region"() ({
      %run_scoped3A = tpu.sem_alloc : memref<!tpu.dma_semaphore, #tpu.memory_space<semaphore_mem>>
      %dma_start3A_296 = arith.constant 0 : i32
      %dma_start3A_297 = tpu.memref_slice %arg5[%arg0, %mul3A_295, %dma_start3A_296] : memref<2x10240x128xf32, #tpu.memory_space<hbm>> -> memref<1x640x128xf32, #tpu.memory_space<hbm>>
      %dma_start3A_298 = tpu.memref_squeeze %dma_start3A_297 : memref<1x640x128xf32, #tpu.memory_space<hbm>> -> memref<640x128xf32, #tpu.memory_space<hbm>>
      %dma_start3A_299 = arith.constant 0 : i32
      %dma_start3A_300 = tpu.memref_slice %arg10[%mul3A_293, %dma_start3A_299] : memref<10240x128xf32, #tpu.memory_space<vmem_shared>> -> memref<640x128xf32, #tpu.memory_space<vmem_shared>>
      tpu.enqueue_dma source(%dma_start3A_300 : memref<640x128xf32, #tpu.memory_space<vmem_shared>>) target(%dma_start3A_298 : memref<640x128xf32, #tpu.memory_space<hbm>>) target_semaphore(%run_scoped3A : memref<!tpu.dma_semaphore, #tpu.memory_space<semaphore_mem>>)
      %dma_wait3A_301 = arith.constant 0 : i32
      %dma_wait3A_302 = tpu.memref_slice %arg5[%arg0, %mul3A_295, %dma_wait3A_301] : memref<2x10240x128xf32, #tpu.memory_space<hbm>> -> memref<1x640x128xf32, #tpu.memory_space<hbm>>
      %dma_wait3A_303 = tpu.memref_squeeze %dma_wait3A_302 : memref<1x640x128xf32, #tpu.memory_space<hbm>> -> memref<640x128xf32, #tpu.memory_space<hbm>>
      %dma_wait3A_304 = arith.constant 0 : i32
      %dma_wait3A_305 = tpu.memref_slice %arg10[%mul3A_293, %dma_wait3A_304] : memref<10240x128xf32, #tpu.memory_space<vmem_shared>> -> memref<640x128xf32, #tpu.memory_space<vmem_shared>>
      tpu.wait_dma2 semaphore(%run_scoped3A : memref<!tpu.dma_semaphore, #tpu.memory_space<semaphore_mem>>) src(%dma_wait3A_305 : memref<640x128xf32, #tpu.memory_space<vmem_shared>>) dst(%dma_wait3A_303 : memref<640x128xf32, #tpu.memory_space<hbm>>)
      tpu.yield
    }) : () -> ()
    return
  }
}

#map = affine_map<(d0, d1) -> (0, 0)>
#map1 = affine_map<(d0, d1) -> (0, 0, 0)>
module attributes {stable_mosaic.version = 14 : i64} {
  func.func @_sc_scatter_body(%arg0: i32, %arg1: i32, %arg2: memref<32x10000xi32, #tpu.memory_space<hbm>>, %arg3: memref<32x125x80xi32, #tpu.memory_space<hbm>>, %arg4: memref<10000x128xf32, #tpu.memory_space<hbm>>, %arg5: memref<2x10240x128xf32, #tpu.memory_space<hbm>>, %arg6: memref<10000xi32, #tpu.memory_space<vmem>>, %arg7: memref<125x80xi32, #tpu.memory_space<vmem>>, %arg8: memref<80x128xf32, #tpu.memory_space<vmem>>, %arg9: memref<80x128xf32, #tpu.memory_space<vmem>>, %arg10: memref<10240x128xf32, #tpu.memory_space<vmem_shared>>, %arg11: memref<!tpu.dma_semaphore, #tpu.memory_space<semaphore_mem>>, %arg12: memref<!tpu.dma_semaphore, #tpu.memory_space<semaphore_mem>>, %arg13: memref<!tpu.dma_semaphore, #tpu.memory_space<semaphore_mem>>, %arg14: memref<!tpu.dma_semaphore, #tpu.memory_space<semaphore_mem>>, %arg15: memref<!tpu.dma_semaphore, #tpu.memory_space<semaphore_mem>>) attributes {dimension_semantics = [#tpu.dimension_semantics<core_parallel>, #tpu.dimension_semantics<subcore_parallel>], iteration_bounds = array<i64: 2, 16>, scalar_prefetch = 0 : i64, scratch_operands = 10 : i64, tpu.core_type = #tpu.core_type<sc_vector_subcore>, window_params = [{transform_indices = #map}, {transform_indices = #map1}, {transform_indices = #map}, {transform_indices = #map1}]} {
    %mul3A = arith.constant 2 : i32
    %mul3A_0 = arith.muli %arg1, %mul3A : i32
    %add3A = arith.addi %mul3A_0, %arg0 : i32
    %dma_start3A = arith.constant 0 : i32
    %dma_start3A_1 = tpu.memref_slice %arg2[%add3A, %dma_start3A] : memref<32x10000xi32, #tpu.memory_space<hbm>> -> memref<1x10000xi32, #tpu.memory_space<hbm>>
    %dma_start3A_2 = tpu.memref_squeeze %dma_start3A_1 : memref<1x10000xi32, #tpu.memory_space<hbm>> -> memref<10000xi32, #tpu.memory_space<hbm>>
    %dma_start3A_3 = arith.constant 0 : i32
    %dma_start3A_4 = tpu.memref_slice %arg2[%add3A, %dma_start3A_3] : memref<32x10000xi32, #tpu.memory_space<hbm>> -> memref<1x10000xi32, #tpu.memory_space<hbm>>
    %dma_start3A_5 = tpu.memref_squeeze %dma_start3A_4 : memref<1x10000xi32, #tpu.memory_space<hbm>> -> memref<10000xi32, #tpu.memory_space<hbm>>
    tpu.enqueue_dma source(%dma_start3A_5 : memref<10000xi32, #tpu.memory_space<hbm>>) target(%arg6 : memref<10000xi32, #tpu.memory_space<vmem>>) target_semaphore(%arg11 : memref<!tpu.dma_semaphore, #tpu.memory_space<semaphore_mem>>)
    %dma_start3A_6 = arith.constant 0 : i32
    %dma_start3A_7 = arith.constant 0 : i32
    %dma_start3A_8 = tpu.memref_slice %arg3[%add3A, %dma_start3A_6, %dma_start3A_7] : memref<32x125x80xi32, #tpu.memory_space<hbm>> -> memref<1x125x80xi32, #tpu.memory_space<hbm>>
    %dma_start3A_9 = tpu.memref_squeeze %dma_start3A_8 : memref<1x125x80xi32, #tpu.memory_space<hbm>> -> memref<125x80xi32, #tpu.memory_space<hbm>>
    %dma_start3A_10 = arith.constant 0 : i32
    %dma_start3A_11 = arith.constant 0 : i32
    %dma_start3A_12 = tpu.memref_slice %arg3[%add3A, %dma_start3A_10, %dma_start3A_11] : memref<32x125x80xi32, #tpu.memory_space<hbm>> -> memref<1x125x80xi32, #tpu.memory_space<hbm>>
    %dma_start3A_13 = tpu.memref_squeeze %dma_start3A_12 : memref<1x125x80xi32, #tpu.memory_space<hbm>> -> memref<125x80xi32, #tpu.memory_space<hbm>>
    tpu.enqueue_dma source(%dma_start3A_13 : memref<125x80xi32, #tpu.memory_space<hbm>>) target(%arg7 : memref<125x80xi32, #tpu.memory_space<vmem>>) target_semaphore(%arg11 : memref<!tpu.dma_semaphore, #tpu.memory_space<semaphore_mem>>)
    %broadcast_in_dim3A = arith.constant 0.000000e+00 : f32
    %broadcast_in_dim3A_14 = vector.broadcast %broadcast_in_dim3A : f32 to vector<16xf32>
    %scan3A = arith.constant 0 : i32
    %scan3A_15 = arith.constant 0 : i32
    %scan3A_16 = arith.constant 80 : i32
    %scan3A_17 = arith.addi %scan3A_15, %scan3A_16 : i32
    %scan3A_18 = arith.constant 1 : i32
    scf.for %scan3A_296 = %scan3A_15 to %scan3A_17 step %scan3A_18  : i32 {
      %swap3A = arith.index_cast %scan3A_296 : i32 to index
      %swap3A_297 = arith.constant 0 : index
      %swap3A_298 = tpu.vector_load %arg8[%swap3A, %swap3A_297] {strides = array<i32>} : memref<80x128xf32, #tpu.memory_space<vmem>>, vector<1x16xf32>,
      %swap3A_299 = vector.shape_cast %swap3A_298 : vector<1x16xf32> to vector<16xf32>
      %swap3A_300 = vector.shape_cast %broadcast_in_dim3A_14 : vector<16xf32> to vector<1x16xf32>
      tpu.vector_store %arg8[%swap3A, %swap3A_297], %swap3A_300 {strides = array<i32>} : memref<80x128xf32, #tpu.memory_space<vmem>>, vector<1x16xf32>,
      %swap3A_301 = arith.index_cast %scan3A_296 : i32 to index
      %swap3A_302 = arith.constant 16 : index
      %swap3A_303 = tpu.vector_load %arg8[%swap3A_301, %swap3A_302] {strides = array<i32>} : memref<80x128xf32, #tpu.memory_space<vmem>>, vector<1x16xf32>,
      %swap3A_304 = vector.shape_cast %swap3A_303 : vector<1x16xf32> to vector<16xf32>
      %swap3A_305 = vector.shape_cast %broadcast_in_dim3A_14 : vector<16xf32> to vector<1x16xf32>
      tpu.vector_store %arg8[%swap3A_301, %swap3A_302], %swap3A_305 {strides = array<i32>} : memref<80x128xf32, #tpu.memory_space<vmem>>, vector<1x16xf32>,
      %swap3A_306 = arith.index_cast %scan3A_296 : i32 to index
      %swap3A_307 = arith.constant 32 : index
      %swap3A_308 = tpu.vector_load %arg8[%swap3A_306, %swap3A_307] {strides = array<i32>} : memref<80x128xf32, #tpu.memory_space<vmem>>, vector<1x16xf32>,
      %swap3A_309 = vector.shape_cast %swap3A_308 : vector<1x16xf32> to vector<16xf32>
      %swap3A_310 = vector.shape_cast %broadcast_in_dim3A_14 : vector<16xf32> to vector<1x16xf32>
      tpu.vector_store %arg8[%swap3A_306, %swap3A_307], %swap3A_310 {strides = array<i32>} : memref<80x128xf32, #tpu.memory_space<vmem>>, vector<1x16xf32>,
      %swap3A_311 = arith.index_cast %scan3A_296 : i32 to index
      %swap3A_312 = arith.constant 48 : index
      %swap3A_313 = tpu.vector_load %arg8[%swap3A_311, %swap3A_312] {strides = array<i32>} : memref<80x128xf32, #tpu.memory_space<vmem>>, vector<1x16xf32>,
      %swap3A_314 = vector.shape_cast %swap3A_313 : vector<1x16xf32> to vector<16xf32>
      %swap3A_315 = vector.shape_cast %broadcast_in_dim3A_14 : vector<16xf32> to vector<1x16xf32>
      tpu.vector_store %arg8[%swap3A_311, %swap3A_312], %swap3A_315 {strides = array<i32>} : memref<80x128xf32, #tpu.memory_space<vmem>>, vector<1x16xf32>,
      %swap3A_316 = arith.index_cast %scan3A_296 : i32 to index
      %swap3A_317 = arith.constant 64 : index
      %swap3A_318 = tpu.vector_load %arg8[%swap3A_316, %swap3A_317] {strides = array<i32>} : memref<80x128xf32, #tpu.memory_space<vmem>>, vector<1x16xf32>,
      %swap3A_319 = vector.shape_cast %swap3A_318 : vector<1x16xf32> to vector<16xf32>
      %swap3A_320 = vector.shape_cast %broadcast_in_dim3A_14 : vector<16xf32> to vector<1x16xf32>
      tpu.vector_store %arg8[%swap3A_316, %swap3A_317], %swap3A_320 {strides = array<i32>} : memref<80x128xf32, #tpu.memory_space<vmem>>, vector<1x16xf32>,
      %swap3A_321 = arith.index_cast %scan3A_296 : i32 to index
      %swap3A_322 = arith.constant 80 : index
      %swap3A_323 = tpu.vector_load %arg8[%swap3A_321, %swap3A_322] {strides = array<i32>} : memref<80x128xf32, #tpu.memory_space<vmem>>, vector<1x16xf32>,
      %swap3A_324 = vector.shape_cast %swap3A_323 : vector<1x16xf32> to vector<16xf32>
      %swap3A_325 = vector.shape_cast %broadcast_in_dim3A_14 : vector<16xf32> to vector<1x16xf32>
      tpu.vector_store %arg8[%swap3A_321, %swap3A_322], %swap3A_325 {strides = array<i32>} : memref<80x128xf32, #tpu.memory_space<vmem>>, vector<1x16xf32>,
      %swap3A_326 = arith.index_cast %scan3A_296 : i32 to index
      %swap3A_327 = arith.constant 96 : index
      %swap3A_328 = tpu.vector_load %arg8[%swap3A_326, %swap3A_327] {strides = array<i32>} : memref<80x128xf32, #tpu.memory_space<vmem>>, vector<1x16xf32>,
      %swap3A_329 = vector.shape_cast %swap3A_328 : vector<1x16xf32> to vector<16xf32>
      %swap3A_330 = vector.shape_cast %broadcast_in_dim3A_14 : vector<16xf32> to vector<1x16xf32>
      tpu.vector_store %arg8[%swap3A_326, %swap3A_327], %swap3A_330 {strides = array<i32>} : memref<80x128xf32, #tpu.memory_space<vmem>>, vector<1x16xf32>,
      %swap3A_331 = arith.index_cast %scan3A_296 : i32 to index
      %swap3A_332 = arith.constant 112 : index
      %swap3A_333 = tpu.vector_load %arg8[%swap3A_331, %swap3A_332] {strides = array<i32>} : memref<80x128xf32, #tpu.memory_space<vmem>>, vector<1x16xf32>,
      %swap3A_334 = vector.shape_cast %swap3A_333 : vector<1x16xf32> to vector<16xf32>
      %swap3A_335 = vector.shape_cast %broadcast_in_dim3A_14 : vector<16xf32> to vector<1x16xf32>
      tpu.vector_store %arg8[%swap3A_331, %swap3A_332], %swap3A_335 {strides = array<i32>} : memref<80x128xf32, #tpu.memory_space<vmem>>, vector<1x16xf32>,
    }
    %scan3A_19 = arith.constant 80 : i32
    %dma_wait3A = arith.constant 0 : i32
    %dma_wait3A_20 = arith.constant 0 : i32
    %dma_wait3A_21 = tpu.memref_slice %arg2[%dma_wait3A, %dma_wait3A_20] : memref<32x10000xi32, #tpu.memory_space<hbm>> -> memref<1x10000xi32, #tpu.memory_space<hbm>>
    %dma_wait3A_22 = tpu.memref_squeeze %dma_wait3A_21 : memref<1x10000xi32, #tpu.memory_space<hbm>> -> memref<10000xi32, #tpu.memory_space<hbm>>
    %dma_wait3A_23 = arith.constant 0 : i32
    %dma_wait3A_24 = tpu.memref_slice %arg2[%dma_wait3A, %dma_wait3A_23] : memref<32x10000xi32, #tpu.memory_space<hbm>> -> memref<1x10000xi32, #tpu.memory_space<hbm>>
    %dma_wait3A_25 = tpu.memref_squeeze %dma_wait3A_24 : memref<1x10000xi32, #tpu.memory_space<hbm>> -> memref<10000xi32, #tpu.memory_space<hbm>>
    tpu.wait_dma2 semaphore(%arg11 : memref<!tpu.dma_semaphore, #tpu.memory_space<semaphore_mem>>) src(%dma_wait3A_25 : memref<10000xi32, #tpu.memory_space<hbm>>) dst(%arg6 : memref<10000xi32, #tpu.memory_space<vmem>>)
    %dma_wait3A_26 = arith.constant 0 : i32
    %dma_wait3A_27 = arith.constant 0 : i32
    %dma_wait3A_28 = arith.constant 0 : i32
    %dma_wait3A_29 = tpu.memref_slice %arg3[%dma_wait3A_26, %dma_wait3A_27, %dma_wait3A_28] : memref<32x125x80xi32, #tpu.memory_space<hbm>> -> memref<1x125x80xi32, #tpu.memory_space<hbm>>
    %dma_wait3A_30 = tpu.memref_squeeze %dma_wait3A_29 : memref<1x125x80xi32, #tpu.memory_space<hbm>> -> memref<125x80xi32, #tpu.memory_space<hbm>>
    %dma_wait3A_31 = arith.constant 0 : i32
    %dma_wait3A_32 = arith.constant 0 : i32
    %dma_wait3A_33 = tpu.memref_slice %arg3[%dma_wait3A_26, %dma_wait3A_31, %dma_wait3A_32] : memref<32x125x80xi32, #tpu.memory_space<hbm>> -> memref<1x125x80xi32, #tpu.memory_space<hbm>>
    %dma_wait3A_34 = tpu.memref_squeeze %dma_wait3A_33 : memref<1x125x80xi32, #tpu.memory_space<hbm>> -> memref<125x80xi32, #tpu.memory_space<hbm>>
    tpu.wait_dma2 semaphore(%arg11 : memref<!tpu.dma_semaphore, #tpu.memory_space<semaphore_mem>>) src(%dma_wait3A_34 : memref<125x80xi32, #tpu.memory_space<hbm>>) dst(%arg7 : memref<125x80xi32, #tpu.memory_space<vmem>>)
    %dma_start3A_35 = arith.constant 0 : i32
    %dma_start3A_36 = arith.constant 0 : i32
    %dma_start3A_37 = tpu.memref_slice %arg9[%dma_start3A_35, %dma_start3A_36] : memref<80x128xf32, #tpu.memory_space<vmem>> -> memref<40x128xf32, #tpu.memory_space<vmem>>
    %dma_start3A_38 = arith.constant 0 : i32
    %dma_start3A_39 = tpu.memref_slice %arg6[%dma_start3A_38] : memref<10000xi32, #tpu.memory_space<vmem>> -> memref<40xi32, #tpu.memory_space<vmem>>
    %dma_start3A_40 = arith.constant 0 : i32
    %dma_start3A_41 = arith.constant 0 : i32
    %dma_start3A_42 = tpu.memref_slice %arg4[%dma_start3A_40, %dma_start3A_41] : memref<10000x128xf32, #tpu.memory_space<hbm>> -> memref<10000x128xf32, #tpu.memory_space<hbm>>
    tpu.enqueue_indirect_dma source(%dma_start3A_42 : memref<10000x128xf32, #tpu.memory_space<hbm>>) target(%dma_start3A_37 : memref<40x128xf32, #tpu.memory_space<vmem>>) offsets(%dma_start3A_39 : memref<40xi32, #tpu.memory_space<vmem>>) semaphore(%arg13 : memref<!tpu.dma_semaphore, #tpu.memory_space<semaphore_mem>>)
    %dma_start3A_43 = arith.constant 40 : i32
    %dma_start3A_44 = arith.constant 0 : i32
    %dma_start3A_45 = tpu.memref_slice %arg9[%dma_start3A_43, %dma_start3A_44] : memref<80x128xf32, #tpu.memory_space<vmem>> -> memref<40x128xf32, #tpu.memory_space<vmem>>
    %dma_start3A_46 = arith.constant 40 : i32
    %dma_start3A_47 = tpu.memref_slice %arg6[%dma_start3A_46] : memref<10000xi32, #tpu.memory_space<vmem>> -> memref<40xi32, #tpu.memory_space<vmem>>
    %dma_start3A_48 = arith.constant 0 : i32
    %dma_start3A_49 = arith.constant 0 : i32
    %dma_start3A_50 = tpu.memref_slice %arg4[%dma_start3A_48, %dma_start3A_49] : memref<10000x128xf32, #tpu.memory_space<hbm>> -> memref<10000x128xf32, #tpu.memory_space<hbm>>
    tpu.enqueue_indirect_dma source(%dma_start3A_50 : memref<10000x128xf32, #tpu.memory_space<hbm>>) target(%dma_start3A_45 : memref<40x128xf32, #tpu.memory_space<vmem>>) offsets(%dma_start3A_47 : memref<40xi32, #tpu.memory_space<vmem>>) semaphore(%arg13 : memref<!tpu.dma_semaphore, #tpu.memory_space<semaphore_mem>>)
    %mul3A_51 = arith.constant 640 : i32
    %mul3A_52 = arith.muli %arg1, %mul3A_51 : i32
    %add3A_53 = arith.constant 0 : i32
    %add3A_54 = arith.addi %mul3A_52, %add3A_53 : i32
    %dma_start3A_55 = arith.constant 0 : i32
    %dma_start3A_56 = tpu.memref_slice %arg10[%add3A_54, %dma_start3A_55] : memref<10240x128xf32, #tpu.memory_space<vmem_shared>> -> memref<80x128xf32, #tpu.memory_space<vmem_shared>>
    %dma_start3A_57 = arith.constant 0 : i32
    %dma_start3A_58 = tpu.memref_slice %arg10[%add3A_54, %dma_start3A_57] : memref<10240x128xf32, #tpu.memory_space<vmem_shared>> -> memref<80x128xf32, #tpu.memory_space<vmem_shared>>
    tpu.enqueue_dma source(%arg8 : memref<80x128xf32, #tpu.memory_space<vmem>>) target(%dma_start3A_58 : memref<80x128xf32, #tpu.memory_space<vmem_shared>>) target_semaphore(%arg11 : memref<!tpu.dma_semaphore, #tpu.memory_space<semaphore_mem>>)
    %mul3A_59 = arith.constant 640 : i32
    %mul3A_60 = arith.muli %arg1, %mul3A_59 : i32
    %add3A_61 = arith.constant 80 : i32
    %add3A_62 = arith.addi %mul3A_60, %add3A_61 : i32
    %dma_start3A_63 = arith.constant 0 : i32
    %dma_start3A_64 = tpu.memref_slice %arg10[%add3A_62, %dma_start3A_63] : memref<10240x128xf32, #tpu.memory_space<vmem_shared>> -> memref<80x128xf32, #tpu.memory_space<vmem_shared>>
    %dma_start3A_65 = arith.constant 0 : i32
    %dma_start3A_66 = tpu.memref_slice %arg10[%add3A_62, %dma_start3A_65] : memref<10240x128xf32, #tpu.memory_space<vmem_shared>> -> memref<80x128xf32, #tpu.memory_space<vmem_shared>>
    tpu.enqueue_dma source(%arg8 : memref<80x128xf32, #tpu.memory_space<vmem>>) target(%dma_start3A_66 : memref<80x128xf32, #tpu.memory_space<vmem_shared>>) target_semaphore(%arg11 : memref<!tpu.dma_semaphore, #tpu.memory_space<semaphore_mem>>)
    %mul3A_67 = arith.constant 640 : i32
    %mul3A_68 = arith.muli %arg1, %mul3A_67 : i32
    %add3A_69 = arith.constant 160 : i32
    %add3A_70 = arith.addi %mul3A_68, %add3A_69 : i32
    %dma_start3A_71 = arith.constant 0 : i32
    %dma_start3A_72 = tpu.memref_slice %arg10[%add3A_70, %dma_start3A_71] : memref<10240x128xf32, #tpu.memory_space<vmem_shared>> -> memref<80x128xf32, #tpu.memory_space<vmem_shared>>
    %dma_start3A_73 = arith.constant 0 : i32
    %dma_start3A_74 = tpu.memref_slice %arg10[%add3A_70, %dma_start3A_73] : memref<10240x128xf32, #tpu.memory_space<vmem_shared>> -> memref<80x128xf32, #tpu.memory_space<vmem_shared>>
    tpu.enqueue_dma source(%arg8 : memref<80x128xf32, #tpu.memory_space<vmem>>) target(%dma_start3A_74 : memref<80x128xf32, #tpu.memory_space<vmem_shared>>) target_semaphore(%arg11 : memref<!tpu.dma_semaphore, #tpu.memory_space<semaphore_mem>>)
    %mul3A_75 = arith.constant 640 : i32
    %mul3A_76 = arith.muli %arg1, %mul3A_75 : i32
    %add3A_77 = arith.constant 240 : i32
    %add3A_78 = arith.addi %mul3A_76, %add3A_77 : i32
    %dma_start3A_79 = arith.constant 0 : i32
    %dma_start3A_80 = tpu.memref_slice %arg10[%add3A_78, %dma_start3A_79] : memref<10240x128xf32, #tpu.memory_space<vmem_shared>> -> memref<80x128xf32, #tpu.memory_space<vmem_shared>>
    %dma_start3A_81 = arith.constant 0 : i32
    %dma_start3A_82 = tpu.memref_slice %arg10[%add3A_78, %dma_start3A_81] : memref<10240x128xf32, #tpu.memory_space<vmem_shared>> -> memref<80x128xf32, #tpu.memory_space<vmem_shared>>
    tpu.enqueue_dma source(%arg8 : memref<80x128xf32, #tpu.memory_space<vmem>>) target(%dma_start3A_82 : memref<80x128xf32, #tpu.memory_space<vmem_shared>>) target_semaphore(%arg11 : memref<!tpu.dma_semaphore, #tpu.memory_space<semaphore_mem>>)
    %mul3A_83 = arith.constant 640 : i32
    %mul3A_84 = arith.muli %arg1, %mul3A_83 : i32
    %add3A_85 = arith.constant 320 : i32
    %add3A_86 = arith.addi %mul3A_84, %add3A_85 : i32
    %dma_start3A_87 = arith.constant 0 : i32
    %dma_start3A_88 = tpu.memref_slice %arg10[%add3A_86, %dma_start3A_87] : memref<10240x128xf32, #tpu.memory_space<vmem_shared>> -> memref<80x128xf32, #tpu.memory_space<vmem_shared>>
    %dma_start3A_89 = arith.constant 0 : i32
    %dma_start3A_90 = tpu.memref_slice %arg10[%add3A_86, %dma_start3A_89] : memref<10240x128xf32, #tpu.memory_space<vmem_shared>> -> memref<80x128xf32, #tpu.memory_space<vmem_shared>>
    tpu.enqueue_dma source(%arg8 : memref<80x128xf32, #tpu.memory_space<vmem>>) target(%dma_start3A_90 : memref<80x128xf32, #tpu.memory_space<vmem_shared>>) target_semaphore(%arg11 : memref<!tpu.dma_semaphore, #tpu.memory_space<semaphore_mem>>)
    %mul3A_91 = arith.constant 640 : i32
    %mul3A_92 = arith.muli %arg1, %mul3A_91 : i32
    %add3A_93 = arith.constant 400 : i32
    %add3A_94 = arith.addi %mul3A_92, %add3A_93 : i32
    %dma_start3A_95 = arith.constant 0 : i32
    %dma_start3A_96 = tpu.memref_slice %arg10[%add3A_94, %dma_start3A_95] : memref<10240x128xf32, #tpu.memory_space<vmem_shared>> -> memref<80x128xf32, #tpu.memory_space<vmem_shared>>
    %dma_start3A_97 = arith.constant 0 : i32
    %dma_start3A_98 = tpu.memref_slice %arg10[%add3A_94, %dma_start3A_97] : memref<10240x128xf32, #tpu.memory_space<vmem_shared>> -> memref<80x128xf32, #tpu.memory_space<vmem_shared>>
    tpu.enqueue_dma source(%arg8 : memref<80x128xf32, #tpu.memory_space<vmem>>) target(%dma_start3A_98 : memref<80x128xf32, #tpu.memory_space<vmem_shared>>) target_semaphore(%arg11 : memref<!tpu.dma_semaphore, #tpu.memory_space<semaphore_mem>>)
    %mul3A_99 = arith.constant 640 : i32
    %mul3A_100 = arith.muli %arg1, %mul3A_99 : i32
    %add3A_101 = arith.constant 480 : i32
    %add3A_102 = arith.addi %mul3A_100, %add3A_101 : i32
    %dma_start3A_103 = arith.constant 0 : i32
    %dma_start3A_104 = tpu.memref_slice %arg10[%add3A_102, %dma_start3A_103] : memref<10240x128xf32, #tpu.memory_space<vmem_shared>> -> memref<80x128xf32, #tpu.memory_space<vmem_shared>>
    %dma_start3A_105 = arith.constant 0 : i32
    %dma_start3A_106 = tpu.memref_slice %arg10[%add3A_102, %dma_start3A_105] : memref<10240x128xf32, #tpu.memory_space<vmem_shared>> -> memref<80x128xf32, #tpu.memory_space<vmem_shared>>
    tpu.enqueue_dma source(%arg8 : memref<80x128xf32, #tpu.memory_space<vmem>>) target(%dma_start3A_106 : memref<80x128xf32, #tpu.memory_space<vmem_shared>>) target_semaphore(%arg11 : memref<!tpu.dma_semaphore, #tpu.memory_space<semaphore_mem>>)
    %mul3A_107 = arith.constant 640 : i32
    %mul3A_108 = arith.muli %arg1, %mul3A_107 : i32
    %add3A_109 = arith.constant 560 : i32
    %add3A_110 = arith.addi %mul3A_108, %add3A_109 : i32
    %dma_start3A_111 = arith.constant 0 : i32
    %dma_start3A_112 = tpu.memref_slice %arg10[%add3A_110, %dma_start3A_111] : memref<10240x128xf32, #tpu.memory_space<vmem_shared>> -> memref<80x128xf32, #tpu.memory_space<vmem_shared>>
    %dma_start3A_113 = arith.constant 0 : i32
    %dma_start3A_114 = tpu.memref_slice %arg10[%add3A_110, %dma_start3A_113] : memref<10240x128xf32, #tpu.memory_space<vmem_shared>> -> memref<80x128xf32, #tpu.memory_space<vmem_shared>>
    tpu.enqueue_dma source(%arg8 : memref<80x128xf32, #tpu.memory_space<vmem>>) target(%dma_start3A_114 : memref<80x128xf32, #tpu.memory_space<vmem_shared>>) target_semaphore(%arg11 : memref<!tpu.dma_semaphore, #tpu.memory_space<semaphore_mem>>)
    %dma_wait3A_115 = arith.constant 0 : i32
    %dma_wait3A_116 = arith.constant 0 : i32
    %dma_wait3A_117 = tpu.memref_slice %arg10[%dma_wait3A_115, %dma_wait3A_116] : memref<10240x128xf32, #tpu.memory_space<vmem_shared>> -> memref<80x128xf32, #tpu.memory_space<vmem_shared>>
    %dma_wait3A_118 = arith.constant 0 : i32
    %dma_wait3A_119 = arith.constant 0 : i32
    %dma_wait3A_120 = tpu.memref_slice %arg10[%dma_wait3A_118, %dma_wait3A_119] : memref<10240x128xf32, #tpu.memory_space<vmem_shared>> -> memref<80x128xf32, #tpu.memory_space<vmem_shared>>
    tpu.wait_dma2 semaphore(%arg11 : memref<!tpu.dma_semaphore, #tpu.memory_space<semaphore_mem>>) src(%arg8 : memref<80x128xf32, #tpu.memory_space<vmem>>) dst(%dma_wait3A_120 : memref<80x128xf32, #tpu.memory_space<vmem_shared>>)
    %dma_wait3A_121 = arith.constant 0 : i32
    %dma_wait3A_122 = arith.constant 0 : i32
    %dma_wait3A_123 = tpu.memref_slice %arg10[%dma_wait3A_121, %dma_wait3A_122] : memref<10240x128xf32, #tpu.memory_space<vmem_shared>> -> memref<80x128xf32, #tpu.memory_space<vmem_shared>>
    %dma_wait3A_124 = arith.constant 0 : i32
    %dma_wait3A_125 = arith.constant 0 : i32
    %dma_wait3A_126 = tpu.memref_slice %arg10[%dma_wait3A_124, %dma_wait3A_125] : memref<10240x128xf32, #tpu.memory_space<vmem_shared>> -> memref<80x128xf32, #tpu.memory_space<vmem_shared>>
    tpu.wait_dma2 semaphore(%arg11 : memref<!tpu.dma_semaphore, #tpu.memory_space<semaphore_mem>>) src(%arg8 : memref<80x128xf32, #tpu.memory_space<vmem>>) dst(%dma_wait3A_126 : memref<80x128xf32, #tpu.memory_space<vmem_shared>>)
    %dma_wait3A_127 = arith.constant 0 : i32
    %dma_wait3A_128 = arith.constant 0 : i32
    %dma_wait3A_129 = tpu.memref_slice %arg10[%dma_wait3A_127, %dma_wait3A_128] : memref<10240x128xf32, #tpu.memory_space<vmem_shared>> -> memref<80x128xf32, #tpu.memory_space<vmem_shared>>
    %dma_wait3A_130 = arith.constant 0 : i32
    %dma_wait3A_131 = arith.constant 0 : i32
    %dma_wait3A_132 = tpu.memref_slice %arg10[%dma_wait3A_130, %dma_wait3A_131] : memref<10240x128xf32, #tpu.memory_space<vmem_shared>> -> memref<80x128xf32, #tpu.memory_space<vmem_shared>>
    tpu.wait_dma2 semaphore(%arg11 : memref<!tpu.dma_semaphore, #tpu.memory_space<semaphore_mem>>) src(%arg8 : memref<80x128xf32, #tpu.memory_space<vmem>>) dst(%dma_wait3A_132 : memref<80x128xf32, #tpu.memory_space<vmem_shared>>)
    %dma_wait3A_133 = arith.constant 0 : i32
    %dma_wait3A_134 = arith.constant 0 : i32
    %dma_wait3A_135 = tpu.memref_slice %arg10[%dma_wait3A_133, %dma_wait3A_134] : memref<10240x128xf32, #tpu.memory_space<vmem_shared>> -> memref<80x128xf32, #tpu.memory_space<vmem_shared>>
    %dma_wait3A_136 = arith.constant 0 : i32
    %dma_wait3A_137 = arith.constant 0 : i32
    %dma_wait3A_138 = tpu.memref_slice %arg10[%dma_wait3A_136, %dma_wait3A_137] : memref<10240x128xf32, #tpu.memory_space<vmem_shared>> -> memref<80x128xf32, #tpu.memory_space<vmem_shared>>
    tpu.wait_dma2 semaphore(%arg11 : memref<!tpu.dma_semaphore, #tpu.memory_space<semaphore_mem>>) src(%arg8 : memref<80x128xf32, #tpu.memory_space<vmem>>) dst(%dma_wait3A_138 : memref<80x128xf32, #tpu.memory_space<vmem_shared>>)
    %dma_wait3A_139 = arith.constant 0 : i32
    %dma_wait3A_140 = arith.constant 0 : i32
    %dma_wait3A_141 = tpu.memref_slice %arg10[%dma_wait3A_139, %dma_wait3A_140] : memref<10240x128xf32, #tpu.memory_space<vmem_shared>> -> memref<80x128xf32, #tpu.memory_space<vmem_shared>>
    %dma_wait3A_142 = arith.constant 0 : i32
    %dma_wait3A_143 = arith.constant 0 : i32
    %dma_wait3A_144 = tpu.memref_slice %arg10[%dma_wait3A_142, %dma_wait3A_143] : memref<10240x128xf32, #tpu.memory_space<vmem_shared>> -> memref<80x128xf32, #tpu.memory_space<vmem_shared>>
    tpu.wait_dma2 semaphore(%arg11 : memref<!tpu.dma_semaphore, #tpu.memory_space<semaphore_mem>>) src(%arg8 : memref<80x128xf32, #tpu.memory_space<vmem>>) dst(%dma_wait3A_144 : memref<80x128xf32, #tpu.memory_space<vmem_shared>>)
    %dma_wait3A_145 = arith.constant 0 : i32
    %dma_wait3A_146 = arith.constant 0 : i32
    %dma_wait3A_147 = tpu.memref_slice %arg10[%dma_wait3A_145, %dma_wait3A_146] : memref<10240x128xf32, #tpu.memory_space<vmem_shared>> -> memref<80x128xf32, #tpu.memory_space<vmem_shared>>
    %dma_wait3A_148 = arith.constant 0 : i32
    %dma_wait3A_149 = arith.constant 0 : i32
    %dma_wait3A_150 = tpu.memref_slice %arg10[%dma_wait3A_148, %dma_wait3A_149] : memref<10240x128xf32, #tpu.memory_space<vmem_shared>> -> memref<80x128xf32, #tpu.memory_space<vmem_shared>>
    tpu.wait_dma2 semaphore(%arg11 : memref<!tpu.dma_semaphore, #tpu.memory_space<semaphore_mem>>) src(%arg8 : memref<80x128xf32, #tpu.memory_space<vmem>>) dst(%dma_wait3A_150 : memref<80x128xf32, #tpu.memory_space<vmem_shared>>)
    %dma_wait3A_151 = arith.constant 0 : i32
    %dma_wait3A_152 = arith.constant 0 : i32
    %dma_wait3A_153 = tpu.memref_slice %arg10[%dma_wait3A_151, %dma_wait3A_152] : memref<10240x128xf32, #tpu.memory_space<vmem_shared>> -> memref<80x128xf32, #tpu.memory_space<vmem_shared>>
    %dma_wait3A_154 = arith.constant 0 : i32
    %dma_wait3A_155 = arith.constant 0 : i32
    %dma_wait3A_156 = tpu.memref_slice %arg10[%dma_wait3A_154, %dma_wait3A_155] : memref<10240x128xf32, #tpu.memory_space<vmem_shared>> -> memref<80x128xf32, #tpu.memory_space<vmem_shared>>
    tpu.wait_dma2 semaphore(%arg11 : memref<!tpu.dma_semaphore, #tpu.memory_space<semaphore_mem>>) src(%arg8 : memref<80x128xf32, #tpu.memory_space<vmem>>) dst(%dma_wait3A_156 : memref<80x128xf32, #tpu.memory_space<vmem_shared>>)
    %dma_wait3A_157 = arith.constant 0 : i32
    %dma_wait3A_158 = arith.constant 0 : i32
    %dma_wait3A_159 = tpu.memref_slice %arg10[%dma_wait3A_157, %dma_wait3A_158] : memref<10240x128xf32, #tpu.memory_space<vmem_shared>> -> memref<80x128xf32, #tpu.memory_space<vmem_shared>>
    %dma_wait3A_160 = arith.constant 0 : i32
    %dma_wait3A_161 = arith.constant 0 : i32
    %dma_wait3A_162 = tpu.memref_slice %arg10[%dma_wait3A_160, %dma_wait3A_161] : memref<10240x128xf32, #tpu.memory_space<vmem_shared>> -> memref<80x128xf32, #tpu.memory_space<vmem_shared>>
    tpu.wait_dma2 semaphore(%arg11 : memref<!tpu.dma_semaphore, #tpu.memory_space<semaphore_mem>>) src(%arg8 : memref<80x128xf32, #tpu.memory_space<vmem>>) dst(%dma_wait3A_162 : memref<80x128xf32, #tpu.memory_space<vmem_shared>>)
    %barrier3A = arith.constant 0 : index
    tpu.barrier barrier_id(%barrier3A)
    %dma_start3A_163 = arith.constant 0 : i32
    %dma_start3A_164 = arith.constant 0 : i32
    %dma_start3A_165 = tpu.memref_slice %arg8[%dma_start3A_163, %dma_start3A_164] : memref<80x128xf32, #tpu.memory_space<vmem>> -> memref<40x128xf32, #tpu.memory_space<vmem>>
    %dma_start3A_166 = arith.constant 80 : i32
    %dma_start3A_167 = tpu.memref_slice %arg6[%dma_start3A_166] : memref<10000xi32, #tpu.memory_space<vmem>> -> memref<40xi32, #tpu.memory_space<vmem>>
    %dma_start3A_168 = arith.constant 0 : i32
    %dma_start3A_169 = arith.constant 0 : i32
    %dma_start3A_170 = tpu.memref_slice %arg4[%dma_start3A_168, %dma_start3A_169] : memref<10000x128xf32, #tpu.memory_space<hbm>> -> memref<10000x128xf32, #tpu.memory_space<hbm>>
    tpu.enqueue_indirect_dma source(%dma_start3A_170 : memref<10000x128xf32, #tpu.memory_space<hbm>>) target(%dma_start3A_165 : memref<40x128xf32, #tpu.memory_space<vmem>>) offsets(%dma_start3A_167 : memref<40xi32, #tpu.memory_space<vmem>>) semaphore(%arg12 : memref<!tpu.dma_semaphore, #tpu.memory_space<semaphore_mem>>)
    %dma_start3A_171 = arith.constant 40 : i32
    %dma_start3A_172 = arith.constant 0 : i32
    %dma_start3A_173 = tpu.memref_slice %arg8[%dma_start3A_171, %dma_start3A_172] : memref<80x128xf32, #tpu.memory_space<vmem>> -> memref<40x128xf32, #tpu.memory_space<vmem>>
    %dma_start3A_174 = arith.constant 120 : i32
    %dma_start3A_175 = tpu.memref_slice %arg6[%dma_start3A_174] : memref<10000xi32, #tpu.memory_space<vmem>> -> memref<40xi32, #tpu.memory_space<vmem>>
    %dma_start3A_176 = arith.constant 0 : i32
    %dma_start3A_177 = arith.constant 0 : i32
    %dma_start3A_178 = tpu.memref_slice %arg4[%dma_start3A_176, %dma_start3A_177] : memref<10000x128xf32, #tpu.memory_space<hbm>> -> memref<10000x128xf32, #tpu.memory_space<hbm>>
    tpu.enqueue_indirect_dma source(%dma_start3A_178 : memref<10000x128xf32, #tpu.memory_space<hbm>>) target(%dma_start3A_173 : memref<40x128xf32, #tpu.memory_space<vmem>>) offsets(%dma_start3A_175 : memref<40xi32, #tpu.memory_space<vmem>>) semaphore(%arg12 : memref<!tpu.dma_semaphore, #tpu.memory_space<semaphore_mem>>)
    %dma_wait3A_179 = arith.constant 0 : i32
    %dma_wait3A_180 = arith.constant 0 : i32
    %dma_wait3A_181 = tpu.memref_slice %arg9[%dma_wait3A_179, %dma_wait3A_180] : memref<80x128xf32, #tpu.memory_space<vmem>> -> memref<40x128xf32, #tpu.memory_space<vmem>>
    %dma_wait3A_182 = arith.constant 0 : i32
    %dma_wait3A_183 = tpu.memref_slice %arg6[%dma_wait3A_182] : memref<10000xi32, #tpu.memory_space<vmem>> -> memref<40xi32, #tpu.memory_space<vmem>>
    %dma_wait3A_184 = arith.constant 0 : i32
    %dma_wait3A_185 = arith.constant 0 : i32
    %dma_wait3A_186 = tpu.memref_slice %arg4[%dma_wait3A_184, %dma_wait3A_185] : memref<10000x128xf32, #tpu.memory_space<hbm>> -> memref<10000x128xf32, #tpu.memory_space<hbm>>
    tpu.wait_indirect_dma semaphore(%arg13 : memref<!tpu.dma_semaphore, #tpu.memory_space<semaphore_mem>>) src(%dma_wait3A_186 : memref<10000x128xf32, #tpu.memory_space<hbm>>) dst(%dma_wait3A_181 : memref<40x128xf32, #tpu.memory_space<vmem>>)
    %dma_wait3A_187 = arith.constant 0 : i32
    %dma_wait3A_188 = arith.constant 0 : i32
    %dma_wait3A_189 = tpu.memref_slice %arg9[%dma_wait3A_187, %dma_wait3A_188] : memref<80x128xf32, #tpu.memory_space<vmem>> -> memref<40x128xf32, #tpu.memory_space<vmem>>
    %dma_wait3A_190 = arith.constant 0 : i32
    %dma_wait3A_191 = tpu.memref_slice %arg6[%dma_wait3A_190] : memref<10000xi32, #tpu.memory_space<vmem>> -> memref<40xi32, #tpu.memory_space<vmem>>
    %dma_wait3A_192 = arith.constant 0 : i32
    %dma_wait3A_193 = arith.constant 0 : i32
    %dma_wait3A_194 = tpu.memref_slice %arg4[%dma_wait3A_192, %dma_wait3A_193] : memref<10000x128xf32, #tpu.memory_space<hbm>> -> memref<10000x128xf32, #tpu.memory_space<hbm>>
    tpu.wait_indirect_dma semaphore(%arg13 : memref<!tpu.dma_semaphore, #tpu.memory_space<semaphore_mem>>) src(%dma_wait3A_194 : memref<10000x128xf32, #tpu.memory_space<hbm>>) dst(%dma_wait3A_189 : memref<40x128xf32, #tpu.memory_space<vmem>>)
    %dma_start3A_195 = arith.constant 0 : i32
    %dma_start3A_196 = arith.constant 0 : i32
    %dma_start3A_197 = tpu.memref_slice %arg7[%dma_start3A_195, %dma_start3A_196] : memref<125x80xi32, #tpu.memory_space<vmem>> -> memref<1x80xi32, #tpu.memory_space<vmem>>
    %dma_start3A_198 = tpu.memref_squeeze %dma_start3A_197 : memref<1x80xi32, #tpu.memory_space<vmem>> -> memref<80xi32, #tpu.memory_space<vmem>>
    %dma_start3A_199 = arith.constant 0 : i32
    %dma_start3A_200 = arith.constant 0 : i32
    %dma_start3A_201 = tpu.memref_slice %arg10[%dma_start3A_199, %dma_start3A_200] : memref<10240x128xf32, #tpu.memory_space<vmem_shared>> -> memref<10240x128xf32, #tpu.memory_space<vmem_shared>>
    tpu.enqueue_indirect_dma source(%arg9 : memref<80x128xf32, #tpu.memory_space<vmem>>) target(%dma_start3A_201 : memref<10240x128xf32, #tpu.memory_space<vmem_shared>>) offsets(%dma_start3A_198 : memref<80xi32, #tpu.memory_space<vmem>>) semaphore(%arg15 : memref<!tpu.dma_semaphore, #tpu.memory_space<semaphore_mem>>) {add = true}
    %scan3A_202 = arith.constant 0 : i32
    %scan3A_203 = arith.constant 0 : i32
    %scan3A_204 = arith.constant 61 : i32
    %scan3A_205 = arith.addi %scan3A_203, %scan3A_204 : i32
    %scan3A_206 = arith.constant 1 : i32
    scf.for %scan3A_296 = %scan3A_203 to %scan3A_205 step %scan3A_206  : i32 {
      %mul3A_297 = arith.constant 2 : i32
      %mul3A_298 = arith.muli %mul3A_297, %scan3A_296 : i32
      %add3A_299 = arith.constant 1 : i32
      %add3A_300 = arith.addi %mul3A_298, %add3A_299 : i32
      %dma_wait3A_301 = arith.constant 0 : i32
      %dma_wait3A_302 = arith.constant 0 : i32
      %dma_wait3A_303 = tpu.memref_slice %arg7[%dma_wait3A_301, %dma_wait3A_302] : memref<125x80xi32, #tpu.memory_space<vmem>> -> memref<1x80xi32, #tpu.memory_space<vmem>>
      %dma_wait3A_304 = tpu.memref_squeeze %dma_wait3A_303 : memref<1x80xi32, #tpu.memory_space<vmem>> -> memref<80xi32, #tpu.memory_space<vmem>>
      %dma_wait3A_305 = arith.constant 0 : i32
      %dma_wait3A_306 = arith.constant 0 : i32
      %dma_wait3A_307 = tpu.memref_slice %arg10[%dma_wait3A_305, %dma_wait3A_306] : memref<10240x128xf32, #tpu.memory_space<vmem_shared>> -> memref<10240x128xf32, #tpu.memory_space<vmem_shared>>
      tpu.wait_indirect_dma semaphore(%arg15 : memref<!tpu.dma_semaphore, #tpu.memory_space<semaphore_mem>>) src(%arg8 : memref<80x128xf32, #tpu.memory_space<vmem>>) dst(%dma_wait3A_307 : memref<10240x128xf32, #tpu.memory_space<vmem_shared>>)
      %add3A_308 = arith.constant 1 : i32
      %add3A_309 = arith.addi %add3A_300, %add3A_308 : i32
      %mul3A_310 = arith.constant 80 : i32
      %mul3A_311 = arith.muli %add3A_309, %mul3A_310 : i32
      %dma_start3A_312 = arith.constant 0 : i32
      %dma_start3A_313 = arith.constant 0 : i32
      %dma_start3A_314 = tpu.memref_slice %arg9[%dma_start3A_312, %dma_start3A_313] : memref<80x128xf32, #tpu.memory_space<vmem>> -> memref<40x128xf32, #tpu.memory_space<vmem>>
      %dma_start3A_315 = tpu.memref_slice %arg6[%mul3A_311] : memref<10000xi32, #tpu.memory_space<vmem>> -> memref<40xi32, #tpu.memory_space<vmem>>
      %dma_start3A_316 = arith.constant 0 : i32
      %dma_start3A_317 = arith.constant 0 : i32
      %dma_start3A_318 = tpu.memref_slice %arg4[%dma_start3A_316, %dma_start3A_317] : memref<10000x128xf32, #tpu.memory_space<hbm>> -> memref<10000x128xf32, #tpu.memory_space<hbm>>
      tpu.enqueue_indirect_dma source(%dma_start3A_318 : memref<10000x128xf32, #tpu.memory_space<hbm>>) target(%dma_start3A_314 : memref<40x128xf32, #tpu.memory_space<vmem>>) offsets(%dma_start3A_315 : memref<40xi32, #tpu.memory_space<vmem>>) semaphore(%arg13 : memref<!tpu.dma_semaphore, #tpu.memory_space<semaphore_mem>>)
      %mul3A_319 = arith.constant 80 : i32
      %mul3A_320 = arith.muli %add3A_309, %mul3A_319 : i32
      %add3A_321 = arith.constant 40 : i32
      %add3A_322 = arith.addi %mul3A_320, %add3A_321 : i32
      %dma_start3A_323 = arith.constant 40 : i32
      %dma_start3A_324 = arith.constant 0 : i32
      %dma_start3A_325 = tpu.memref_slice %arg9[%dma_start3A_323, %dma_start3A_324] : memref<80x128xf32, #tpu.memory_space<vmem>> -> memref<40x128xf32, #tpu.memory_space<vmem>>
      %dma_start3A_326 = tpu.memref_slice %arg6[%add3A_322] : memref<10000xi32, #tpu.memory_space<vmem>> -> memref<40xi32, #tpu.memory_space<vmem>>
      %dma_start3A_327 = arith.constant 0 : i32
      %dma_start3A_328 = arith.constant 0 : i32
      %dma_start3A_329 = tpu.memref_slice %arg4[%dma_start3A_327, %dma_start3A_328] : memref<10000x128xf32, #tpu.memory_space<hbm>> -> memref<10000x128xf32, #tpu.memory_space<hbm>>
      tpu.enqueue_indirect_dma source(%dma_start3A_329 : memref<10000x128xf32, #tpu.memory_space<hbm>>) target(%dma_start3A_325 : memref<40x128xf32, #tpu.memory_space<vmem>>) offsets(%dma_start3A_326 : memref<40xi32, #tpu.memory_space<vmem>>) semaphore(%arg13 : memref<!tpu.dma_semaphore, #tpu.memory_space<semaphore_mem>>)
      %dma_wait3A_330 = arith.constant 0 : i32
      %dma_wait3A_331 = arith.constant 0 : i32
      %dma_wait3A_332 = tpu.memref_slice %arg8[%dma_wait3A_330, %dma_wait3A_331] : memref<80x128xf32, #tpu.memory_space<vmem>> -> memref<40x128xf32, #tpu.memory_space<vmem>>
      %dma_wait3A_333 = arith.constant 0 : i32
      %dma_wait3A_334 = tpu.memref_slice %arg6[%dma_wait3A_333] : memref<10000xi32, #tpu.memory_space<vmem>> -> memref<40xi32, #tpu.memory_space<vmem>>
      %dma_wait3A_335 = arith.constant 0 : i32
      %dma_wait3A_336 = arith.constant 0 : i32
      %dma_wait3A_337 = tpu.memref_slice %arg4[%dma_wait3A_335, %dma_wait3A_336] : memref<10000x128xf32, #tpu.memory_space<hbm>> -> memref<10000x128xf32, #tpu.memory_space<hbm>>
      tpu.wait_indirect_dma semaphore(%arg12 : memref<!tpu.dma_semaphore, #tpu.memory_space<semaphore_mem>>) src(%dma_wait3A_337 : memref<10000x128xf32, #tpu.memory_space<hbm>>) dst(%dma_wait3A_332 : memref<40x128xf32, #tpu.memory_space<vmem>>)
      %dma_wait3A_338 = arith.constant 0 : i32
      %dma_wait3A_339 = arith.constant 0 : i32
      %dma_wait3A_340 = tpu.memref_slice %arg8[%dma_wait3A_338, %dma_wait3A_339] : memref<80x128xf32, #tpu.memory_space<vmem>> -> memref<40x128xf32, #tpu.memory_space<vmem>>
      %dma_wait3A_341 = arith.constant 0 : i32
      %dma_wait3A_342 = tpu.memref_slice %arg6[%dma_wait3A_341] : memref<10000xi32, #tpu.memory_space<vmem>> -> memref<40xi32, #tpu.memory_space<vmem>>
      %dma_wait3A_343 = arith.constant 0 : i32
      %dma_wait3A_344 = arith.constant 0 : i32
      %dma_wait3A_345 = tpu.memref_slice %arg4[%dma_wait3A_343, %dma_wait3A_344] : memref<10000x128xf32, #tpu.memory_space<hbm>> -> memref<10000x128xf32, #tpu.memory_space<hbm>>
      tpu.wait_indirect_dma semaphore(%arg12 : memref<!tpu.dma_semaphore, #tpu.memory_space<semaphore_mem>>) src(%dma_wait3A_345 : memref<10000x128xf32, #tpu.memory_space<hbm>>) dst(%dma_wait3A_340 : memref<40x128xf32, #tpu.memory_space<vmem>>)
      %dma_start3A_346 = arith.constant 0 : i32
      %dma_start3A_347 = tpu.memref_slice %arg7[%add3A_300, %dma_start3A_346] : memref<125x80xi32, #tpu.memory_space<vmem>> -> memref<1x80xi32, #tpu.memory_space<vmem>>
      %dma_start3A_348 = tpu.memref_squeeze %dma_start3A_347 : memref<1x80xi32, #tpu.memory_space<vmem>> -> memref<80xi32, #tpu.memory_space<vmem>>
      %dma_start3A_349 = arith.constant 0 : i32
      %dma_start3A_350 = arith.constant 0 : i32
      %dma_start3A_351 = tpu.memref_slice %arg10[%dma_start3A_349, %dma_start3A_350] : memref<10240x128xf32, #tpu.memory_space<vmem_shared>> -> memref<10240x128xf32, #tpu.memory_space<vmem_shared>>
      tpu.enqueue_indirect_dma source(%arg8 : memref<80x128xf32, #tpu.memory_space<vmem>>) target(%dma_start3A_351 : memref<10240x128xf32, #tpu.memory_space<vmem_shared>>) offsets(%dma_start3A_348 : memref<80xi32, #tpu.memory_space<vmem>>) semaphore(%arg14 : memref<!tpu.dma_semaphore, #tpu.memory_space<semaphore_mem>>) {add = true}
      %add3A_352 = arith.constant 1 : i32
      %add3A_353 = arith.addi %add3A_300, %add3A_352 : i32
      %dma_wait3A_354 = arith.constant 0 : i32
      %dma_wait3A_355 = arith.constant 0 : i32
      %dma_wait3A_356 = tpu.memref_slice %arg7[%dma_wait3A_354, %dma_wait3A_355] : memref<125x80xi32, #tpu.memory_space<vmem>> -> memref<1x80xi32, #tpu.memory_space<vmem>>
      %dma_wait3A_357 = tpu.memref_squeeze %dma_wait3A_356 : memref<1x80xi32, #tpu.memory_space<vmem>> -> memref<80xi32, #tpu.memory_space<vmem>>
      %dma_wait3A_358 = arith.constant 0 : i32
      %dma_wait3A_359 = arith.constant 0 : i32
      %dma_wait3A_360 = tpu.memref_slice %arg10[%dma_wait3A_358, %dma_wait3A_359] : memref<10240x128xf32, #tpu.memory_space<vmem_shared>> -> memref<10240x128xf32, #tpu.memory_space<vmem_shared>>
      tpu.wait_indirect_dma semaphore(%arg14 : memref<!tpu.dma_semaphore, #tpu.memory_space<semaphore_mem>>) src(%arg8 : memref<80x128xf32, #tpu.memory_space<vmem>>) dst(%dma_wait3A_360 : memref<10240x128xf32, #tpu.memory_space<vmem_shared>>)
      %add3A_361 = arith.constant 1 : i32
      %add3A_362 = arith.addi %add3A_353, %add3A_361 : i32
      %mul3A_363 = arith.constant 80 : i32
      %mul3A_364 = arith.muli %add3A_362, %mul3A_363 : i32
      %dma_start3A_365 = arith.constant 0 : i32
      %dma_start3A_366 = arith.constant 0 : i32
      %dma_start3A_367 = tpu.memref_slice %arg8[%dma_start3A_365, %dma_start3A_366] : memref<80x128xf32, #tpu.memory_space<vmem>> -> memref<40x128xf32, #tpu.memory_space<vmem>>
      %dma_start3A_368 = tpu.memref_slice %arg6[%mul3A_364] : memref<10000xi32, #tpu.memory_space<vmem>> -> memref<40xi32, #tpu.memory_space<vmem>>
      %dma_start3A_369 = arith.constant 0 : i32
      %dma_start3A_370 = arith.constant 0 : i32
      %dma_start3A_371 = tpu.memref_slice %arg4[%dma_start3A_369, %dma_start3A_370] : memref<10000x128xf32, #tpu.memory_space<hbm>> -> memref<10000x128xf32, #tpu.memory_space<hbm>>
      tpu.enqueue_indirect_dma source(%dma_start3A_371 : memref<10000x128xf32, #tpu.memory_space<hbm>>) target(%dma_start3A_367 : memref<40x128xf32, #tpu.memory_space<vmem>>) offsets(%dma_start3A_368 : memref<40xi32, #tpu.memory_space<vmem>>) semaphore(%arg12 : memref<!tpu.dma_semaphore, #tpu.memory_space<semaphore_mem>>)
      %mul3A_372 = arith.constant 80 : i32
      %mul3A_373 = arith.muli %add3A_362, %mul3A_372 : i32
      %add3A_374 = arith.constant 40 : i32
      %add3A_375 = arith.addi %mul3A_373, %add3A_374 : i32
      %dma_start3A_376 = arith.constant 40 : i32
      %dma_start3A_377 = arith.constant 0 : i32
      %dma_start3A_378 = tpu.memref_slice %arg8[%dma_start3A_376, %dma_start3A_377] : memref<80x128xf32, #tpu.memory_space<vmem>> -> memref<40x128xf32, #tpu.memory_space<vmem>>
      %dma_start3A_379 = tpu.memref_slice %arg6[%add3A_375] : memref<10000xi32, #tpu.memory_space<vmem>> -> memref<40xi32, #tpu.memory_space<vmem>>
      %dma_start3A_380 = arith.constant 0 : i32
      %dma_start3A_381 = arith.constant 0 : i32
      %dma_start3A_382 = tpu.memref_slice %arg4[%dma_start3A_380, %dma_start3A_381] : memref<10000x128xf32, #tpu.memory_space<hbm>> -> memref<10000x128xf32, #tpu.memory_space<hbm>>
      tpu.enqueue_indirect_dma source(%dma_start3A_382 : memref<10000x128xf32, #tpu.memory_space<hbm>>) target(%dma_start3A_378 : memref<40x128xf32, #tpu.memory_space<vmem>>) offsets(%dma_start3A_379 : memref<40xi32, #tpu.memory_space<vmem>>) semaphore(%arg12 : memref<!tpu.dma_semaphore, #tpu.memory_space<semaphore_mem>>)
      %dma_wait3A_383 = arith.constant 0 : i32
      %dma_wait3A_384 = arith.constant 0 : i32
      %dma_wait3A_385 = tpu.memref_slice %arg9[%dma_wait3A_383, %dma_wait3A_384] : memref<80x128xf32, #tpu.memory_space<vmem>> -> memref<40x128xf32, #tpu.memory_space<vmem>>
      %dma_wait3A_386 = arith.constant 0 : i32
      %dma_wait3A_387 = tpu.memref_slice %arg6[%dma_wait3A_386] : memref<10000xi32, #tpu.memory_space<vmem>> -> memref<40xi32, #tpu.memory_space<vmem>>
      %dma_wait3A_388 = arith.constant 0 : i32
      %dma_wait3A_389 = arith.constant 0 : i32
      %dma_wait3A_390 = tpu.memref_slice %arg4[%dma_wait3A_388, %dma_wait3A_389] : memref<10000x128xf32, #tpu.memory_space<hbm>> -> memref<10000x128xf32, #tpu.memory_space<hbm>>
      tpu.wait_indirect_dma semaphore(%arg13 : memref<!tpu.dma_semaphore, #tpu.memory_space<semaphore_mem>>) src(%dma_wait3A_390 : memref<10000x128xf32, #tpu.memory_space<hbm>>) dst(%dma_wait3A_385 : memref<40x128xf32, #tpu.memory_space<vmem>>)
      %dma_wait3A_391 = arith.constant 0 : i32
      %dma_wait3A_392 = arith.constant 0 : i32
      %dma_wait3A_393 = tpu.memref_slice %arg9[%dma_wait3A_391, %dma_wait3A_392] : memref<80x128xf32, #tpu.memory_space<vmem>> -> memref<40x128xf32, #tpu.memory_space<vmem>>
      %dma_wait3A_394 = arith.constant 0 : i32
      %dma_wait3A_395 = tpu.memref_slice %arg6[%dma_wait3A_394] : memref<10000xi32, #tpu.memory_space<vmem>> -> memref<40xi32, #tpu.memory_space<vmem>>
      %dma_wait3A_396 = arith.constant 0 : i32
      %dma_wait3A_397 = arith.constant 0 : i32
      %dma_wait3A_398 = tpu.memref_slice %arg4[%dma_wait3A_396, %dma_wait3A_397] : memref<10000x128xf32, #tpu.memory_space<hbm>> -> memref<10000x128xf32, #tpu.memory_space<hbm>>
      tpu.wait_indirect_dma semaphore(%arg13 : memref<!tpu.dma_semaphore, #tpu.memory_space<semaphore_mem>>) src(%dma_wait3A_398 : memref<10000x128xf32, #tpu.memory_space<hbm>>) dst(%dma_wait3A_393 : memref<40x128xf32, #tpu.memory_space<vmem>>)
      %dma_start3A_399 = arith.constant 0 : i32
      %dma_start3A_400 = tpu.memref_slice %arg7[%add3A_353, %dma_start3A_399] : memref<125x80xi32, #tpu.memory_space<vmem>> -> memref<1x80xi32, #tpu.memory_space<vmem>>
      %dma_start3A_401 = tpu.memref_squeeze %dma_start3A_400 : memref<1x80xi32, #tpu.memory_space<vmem>> -> memref<80xi32, #tpu.memory_space<vmem>>
      %dma_start3A_402 = arith.constant 0 : i32
      %dma_start3A_403 = arith.constant 0 : i32
      %dma_start3A_404 = tpu.memref_slice %arg10[%dma_start3A_402, %dma_start3A_403] : memref<10240x128xf32, #tpu.memory_space<vmem_shared>> -> memref<10240x128xf32, #tpu.memory_space<vmem_shared>>
      tpu.enqueue_indirect_dma source(%arg9 : memref<80x128xf32, #tpu.memory_space<vmem>>) target(%dma_start3A_404 : memref<10240x128xf32, #tpu.memory_space<vmem_shared>>) offsets(%dma_start3A_401 : memref<80xi32, #tpu.memory_space<vmem>>) semaphore(%arg15 : memref<!tpu.dma_semaphore, #tpu.memory_space<semaphore_mem>>) {add = true}
    }
    %scan3A_207 = arith.constant 61 : i32
    %dma_wait3A_208 = arith.constant 0 : i32
    %dma_wait3A_209 = arith.constant 0 : i32
    %dma_wait3A_210 = tpu.memref_slice %arg7[%dma_wait3A_208, %dma_wait3A_209] : memref<125x80xi32, #tpu.memory_space<vmem>> -> memref<1x80xi32, #tpu.memory_space<vmem>>
    %dma_wait3A_211 = tpu.memref_squeeze %dma_wait3A_210 : memref<1x80xi32, #tpu.memory_space<vmem>> -> memref<80xi32, #tpu.memory_space<vmem>>
    %dma_wait3A_212 = arith.constant 0 : i32
    %dma_wait3A_213 = arith.constant 0 : i32
    %dma_wait3A_214 = tpu.memref_slice %arg10[%dma_wait3A_212, %dma_wait3A_213] : memref<10240x128xf32, #tpu.memory_space<vmem_shared>> -> memref<10240x128xf32, #tpu.memory_space<vmem_shared>>
    tpu.wait_indirect_dma semaphore(%arg15 : memref<!tpu.dma_semaphore, #tpu.memory_space<semaphore_mem>>) src(%arg8 : memref<80x128xf32, #tpu.memory_space<vmem>>) dst(%dma_wait3A_214 : memref<10240x128xf32, #tpu.memory_space<vmem_shared>>)
    %dma_start3A_215 = arith.constant 0 : i32
    %dma_start3A_216 = arith.constant 0 : i32
    %dma_start3A_217 = tpu.memref_slice %arg9[%dma_start3A_215, %dma_start3A_216] : memref<80x128xf32, #tpu.memory_space<vmem>> -> memref<40x128xf32, #tpu.memory_space<vmem>>
    %dma_start3A_218 = arith.constant 9920 : i32
    %dma_start3A_219 = tpu.memref_slice %arg6[%dma_start3A_218] : memref<10000xi32, #tpu.memory_space<vmem>> -> memref<40xi32, #tpu.memory_space<vmem>>
    %dma_start3A_220 = arith.constant 0 : i32
    %dma_start3A_221 = arith.constant 0 : i32
    %dma_start3A_222 = tpu.memref_slice %arg4[%dma_start3A_220, %dma_start3A_221] : memref<10000x128xf32, #tpu.memory_space<hbm>> -> memref<10000x128xf32, #tpu.memory_space<hbm>>
    tpu.enqueue_indirect_dma source(%dma_start3A_222 : memref<10000x128xf32, #tpu.memory_space<hbm>>) target(%dma_start3A_217 : memref<40x128xf32, #tpu.memory_space<vmem>>) offsets(%dma_start3A_219 : memref<40xi32, #tpu.memory_space<vmem>>) semaphore(%arg13 : memref<!tpu.dma_semaphore, #tpu.memory_space<semaphore_mem>>)
    %dma_start3A_223 = arith.constant 40 : i32
    %dma_start3A_224 = arith.constant 0 : i32
    %dma_start3A_225 = tpu.memref_slice %arg9[%dma_start3A_223, %dma_start3A_224] : memref<80x128xf32, #tpu.memory_space<vmem>> -> memref<40x128xf32, #tpu.memory_space<vmem>>
    %dma_start3A_226 = arith.constant 9960 : i32
    %dma_start3A_227 = tpu.memref_slice %arg6[%dma_start3A_226] : memref<10000xi32, #tpu.memory_space<vmem>> -> memref<40xi32, #tpu.memory_space<vmem>>
    %dma_start3A_228 = arith.constant 0 : i32
    %dma_start3A_229 = arith.constant 0 : i32
    %dma_start3A_230 = tpu.memref_slice %arg4[%dma_start3A_228, %dma_start3A_229] : memref<10000x128xf32, #tpu.memory_space<hbm>> -> memref<10000x128xf32, #tpu.memory_space<hbm>>
    tpu.enqueue_indirect_dma source(%dma_start3A_230 : memref<10000x128xf32, #tpu.memory_space<hbm>>) target(%dma_start3A_225 : memref<40x128xf32, #tpu.memory_space<vmem>>) offsets(%dma_start3A_227 : memref<40xi32, #tpu.memory_space<vmem>>) semaphore(%arg13 : memref<!tpu.dma_semaphore, #tpu.memory_space<semaphore_mem>>)
    %dma_wait3A_231 = arith.constant 0 : i32
    %dma_wait3A_232 = arith.constant 0 : i32
    %dma_wait3A_233 = tpu.memref_slice %arg8[%dma_wait3A_231, %dma_wait3A_232] : memref<80x128xf32, #tpu.memory_space<vmem>> -> memref<40x128xf32, #tpu.memory_space<vmem>>
    %dma_wait3A_234 = arith.constant 0 : i32
    %dma_wait3A_235 = tpu.memref_slice %arg6[%dma_wait3A_234] : memref<10000xi32, #tpu.memory_space<vmem>> -> memref<40xi32, #tpu.memory_space<vmem>>
    %dma_wait3A_236 = arith.constant 0 : i32
    %dma_wait3A_237 = arith.constant 0 : i32
    %dma_wait3A_238 = tpu.memref_slice %arg4[%dma_wait3A_236, %dma_wait3A_237] : memref<10000x128xf32, #tpu.memory_space<hbm>> -> memref<10000x128xf32, #tpu.memory_space<hbm>>
    tpu.wait_indirect_dma semaphore(%arg12 : memref<!tpu.dma_semaphore, #tpu.memory_space<semaphore_mem>>) src(%dma_wait3A_238 : memref<10000x128xf32, #tpu.memory_space<hbm>>) dst(%dma_wait3A_233 : memref<40x128xf32, #tpu.memory_space<vmem>>)
    %dma_wait3A_239 = arith.constant 0 : i32
    %dma_wait3A_240 = arith.constant 0 : i32
    %dma_wait3A_241 = tpu.memref_slice %arg8[%dma_wait3A_239, %dma_wait3A_240] : memref<80x128xf32, #tpu.memory_space<vmem>> -> memref<40x128xf32, #tpu.memory_space<vmem>>
    %dma_wait3A_242 = arith.constant 0 : i32
    %dma_wait3A_243 = tpu.memref_slice %arg6[%dma_wait3A_242] : memref<10000xi32, #tpu.memory_space<vmem>> -> memref<40xi32, #tpu.memory_space<vmem>>
    %dma_wait3A_244 = arith.constant 0 : i32
    %dma_wait3A_245 = arith.constant 0 : i32
    %dma_wait3A_246 = tpu.memref_slice %arg4[%dma_wait3A_244, %dma_wait3A_245] : memref<10000x128xf32, #tpu.memory_space<hbm>> -> memref<10000x128xf32, #tpu.memory_space<hbm>>
    tpu.wait_indirect_dma semaphore(%arg12 : memref<!tpu.dma_semaphore, #tpu.memory_space<semaphore_mem>>) src(%dma_wait3A_246 : memref<10000x128xf32, #tpu.memory_space<hbm>>) dst(%dma_wait3A_241 : memref<40x128xf32, #tpu.memory_space<vmem>>)
    %dma_start3A_247 = arith.constant 123 : i32
    %dma_start3A_248 = arith.constant 0 : i32
    %dma_start3A_249 = tpu.memref_slice %arg7[%dma_start3A_247, %dma_start3A_248] : memref<125x80xi32, #tpu.memory_space<vmem>> -> memref<1x80xi32, #tpu.memory_space<vmem>>
    %dma_start3A_250 = tpu.memref_squeeze %dma_start3A_249 : memref<1x80xi32, #tpu.memory_space<vmem>> -> memref<80xi32, #tpu.memory_space<vmem>>
    %dma_start3A_251 = arith.constant 0 : i32
    %dma_start3A_252 = arith.constant 0 : i32
    %dma_start3A_253 = tpu.memref_slice %arg10[%dma_start3A_251, %dma_start3A_252] : memref<10240x128xf32, #tpu.memory_space<vmem_shared>> -> memref<10240x128xf32, #tpu.memory_space<vmem_shared>>
    tpu.enqueue_indirect_dma source(%arg8 : memref<80x128xf32, #tpu.memory_space<vmem>>) target(%dma_start3A_253 : memref<10240x128xf32, #tpu.memory_space<vmem_shared>>) offsets(%dma_start3A_250 : memref<80xi32, #tpu.memory_space<vmem>>) semaphore(%arg14 : memref<!tpu.dma_semaphore, #tpu.memory_space<semaphore_mem>>) {add = true}
    %dma_wait3A_254 = arith.constant 0 : i32
    %dma_wait3A_255 = arith.constant 0 : i32
    %dma_wait3A_256 = tpu.memref_slice %arg7[%dma_wait3A_254, %dma_wait3A_255] : memref<125x80xi32, #tpu.memory_space<vmem>> -> memref<1x80xi32, #tpu.memory_space<vmem>>
    %dma_wait3A_257 = tpu.memref_squeeze %dma_wait3A_256 : memref<1x80xi32, #tpu.memory_space<vmem>> -> memref<80xi32, #tpu.memory_space<vmem>>
    %dma_wait3A_258 = arith.constant 0 : i32
    %dma_wait3A_259 = arith.constant 0 : i32
    %dma_wait3A_260 = tpu.memref_slice %arg10[%dma_wait3A_258, %dma_wait3A_259] : memref<10240x128xf32, #tpu.memory_space<vmem_shared>> -> memref<10240x128xf32, #tpu.memory_space<vmem_shared>>
    tpu.wait_indirect_dma semaphore(%arg14 : memref<!tpu.dma_semaphore, #tpu.memory_space<semaphore_mem>>) src(%arg8 : memref<80x128xf32, #tpu.memory_space<vmem>>) dst(%dma_wait3A_260 : memref<10240x128xf32, #tpu.memory_space<vmem_shared>>)
    %dma_wait3A_261 = arith.constant 0 : i32
    %dma_wait3A_262 = arith.constant 0 : i32
    %dma_wait3A_263 = tpu.memref_slice %arg9[%dma_wait3A_261, %dma_wait3A_262] : memref<80x128xf32, #tpu.memory_space<vmem>> -> memref<40x128xf32, #tpu.memory_space<vmem>>
    %dma_wait3A_264 = arith.constant 0 : i32
    %dma_wait3A_265 = tpu.memref_slice %arg6[%dma_wait3A_264] : memref<10000xi32, #tpu.memory_space<vmem>> -> memref<40xi32, #tpu.memory_space<vmem>>
    %dma_wait3A_266 = arith.constant 0 : i32
    %dma_wait3A_267 = arith.constant 0 : i32
    %dma_wait3A_268 = tpu.memref_slice %arg4[%dma_wait3A_266, %dma_wait3A_267] : memref<10000x128xf32, #tpu.memory_space<hbm>> -> memref<10000x128xf32, #tpu.memory_space<hbm>>
    tpu.wait_indirect_dma semaphore(%arg13 : memref<!tpu.dma_semaphore, #tpu.memory_space<semaphore_mem>>) src(%dma_wait3A_268 : memref<10000x128xf32, #tpu.memory_space<hbm>>) dst(%dma_wait3A_263 : memref<40x128xf32, #tpu.memory_space<vmem>>)
    %dma_wait3A_269 = arith.constant 0 : i32
    %dma_wait3A_270 = arith.constant 0 : i32
    %dma_wait3A_271 = tpu.memref_slice %arg9[%dma_wait3A_269, %dma_wait3A_270] : memref<80x128xf32, #tpu.memory_space<vmem>> -> memref<40x128xf32, #tpu.memory_space<vmem>>
    %dma_wait3A_272 = arith.constant 0 : i32
    %dma_wait3A_273 = tpu.memref_slice %arg6[%dma_wait3A_272] : memref<10000xi32, #tpu.memory_space<vmem>> -> memref<40xi32, #tpu.memory_space<vmem>>
    %dma_wait3A_274 = arith.constant 0 : i32
    %dma_wait3A_275 = arith.constant 0 : i32
    %dma_wait3A_276 = tpu.memref_slice %arg4[%dma_wait3A_274, %dma_wait3A_275] : memref<10000x128xf32, #tpu.memory_space<hbm>> -> memref<10000x128xf32, #tpu.memory_space<hbm>>
    tpu.wait_indirect_dma semaphore(%arg13 : memref<!tpu.dma_semaphore, #tpu.memory_space<semaphore_mem>>) src(%dma_wait3A_276 : memref<10000x128xf32, #tpu.memory_space<hbm>>) dst(%dma_wait3A_271 : memref<40x128xf32, #tpu.memory_space<vmem>>)
    %dma_start3A_277 = arith.constant 124 : i32
    %dma_start3A_278 = arith.constant 0 : i32
    %dma_start3A_279 = tpu.memref_slice %arg7[%dma_start3A_277, %dma_start3A_278] : memref<125x80xi32, #tpu.memory_space<vmem>> -> memref<1x80xi32, #tpu.memory_space<vmem>>
    %dma_start3A_280 = tpu.memref_squeeze %dma_start3A_279 : memref<1x80xi32, #tpu.memory_space<vmem>> -> memref<80xi32, #tpu.memory_space<vmem>>
    %dma_start3A_281 = arith.constant 0 : i32
    %dma_start3A_282 = arith.constant 0 : i32
    %dma_start3A_283 = tpu.memref_slice %arg10[%dma_start3A_281, %dma_start3A_282] : memref<10240x128xf32, #tpu.memory_space<vmem_shared>> -> memref<10240x128xf32, #tpu.memory_space<vmem_shared>>
    tpu.enqueue_indirect_dma source(%arg9 : memref<80x128xf32, #tpu.memory_space<vmem>>) target(%dma_start3A_283 : memref<10240x128xf32, #tpu.memory_space<vmem_shared>>) offsets(%dma_start3A_280 : memref<80xi32, #tpu.memory_space<vmem>>) semaphore(%arg15 : memref<!tpu.dma_semaphore, #tpu.memory_space<semaphore_mem>>) {add = true}
    %dma_wait3A_284 = arith.constant 0 : i32
    %dma_wait3A_285 = arith.constant 0 : i32
    %dma_wait3A_286 = tpu.memref_slice %arg7[%dma_wait3A_284, %dma_wait3A_285] : memref<125x80xi32, #tpu.memory_space<vmem>> -> memref<1x80xi32, #tpu.memory_space<vmem>>
    %dma_wait3A_287 = tpu.memref_squeeze %dma_wait3A_286 : memref<1x80xi32, #tpu.memory_space<vmem>> -> memref<80xi32, #tpu.memory_space<vmem>>
    %dma_wait3A_288 = arith.constant 0 : i32
    %dma_wait3A_289 = arith.constant 0 : i32
    %dma_wait3A_290 = tpu.memref_slice %arg10[%dma_wait3A_288, %dma_wait3A_289] : memref<10240x128xf32, #tpu.memory_space<vmem_shared>> -> memref<10240x128xf32, #tpu.memory_space<vmem_shared>>
    tpu.wait_indirect_dma semaphore(%arg15 : memref<!tpu.dma_semaphore, #tpu.memory_space<semaphore_mem>>) src(%arg8 : memref<80x128xf32, #tpu.memory_space<vmem>>) dst(%dma_wait3A_290 : memref<10240x128xf32, #tpu.memory_space<vmem_shared>>)
    %barrier3A_291 = arith.constant 0 : index
    tpu.barrier barrier_id(%barrier3A_291)
    %mul3A_292 = arith.constant 640 : i32
    %mul3A_293 = arith.muli %arg1, %mul3A_292 : i32
    %mul3A_294 = arith.constant 640 : i32
    %mul3A_295 = arith.muli %arg1, %mul3A_294 : i32
    "tpu.region"() ({
      %run_scoped3A = tpu.sem_alloc : memref<!tpu.dma_semaphore, #tpu.memory_space<semaphore_mem>>
      %dma_start3A_296 = arith.constant 0 : i32
      %dma_start3A_297 = tpu.memref_slice %arg5[%arg0, %mul3A_295, %dma_start3A_296] : memref<2x10240x128xf32, #tpu.memory_space<hbm>> -> memref<1x640x128xf32, #tpu.memory_space<hbm>>
      %dma_start3A_298 = tpu.memref_squeeze %dma_start3A_297 : memref<1x640x128xf32, #tpu.memory_space<hbm>> -> memref<640x128xf32, #tpu.memory_space<hbm>>
      %dma_start3A_299 = arith.constant 0 : i32
      %dma_start3A_300 = tpu.memref_slice %arg10[%mul3A_293, %dma_start3A_299] : memref<10240x128xf32, #tpu.memory_space<vmem_shared>> -> memref<640x128xf32, #tpu.memory_space<vmem_shared>>
      tpu.enqueue_dma source(%dma_start3A_300 : memref<640x128xf32, #tpu.memory_space<vmem_shared>>) target(%dma_start3A_298 : memref<640x128xf32, #tpu.memory_space<hbm>>) target_semaphore(%run_scoped3A : memref<!tpu.dma_semaphore, #tpu.memory_space<semaphore_mem>>)
      %dma_wait3A_301 = arith.constant 0 : i32
      %dma_wait3A_302 = tpu.memref_slice %arg5[%arg0, %mul3A_295, %dma_wait3A_301] : memref<2x10240x128xf32, #tpu.memory_space<hbm>> -> memref<1x640x128xf32, #tpu.memory_space<hbm>>
      %dma_wait3A_303 = tpu.memref_squeeze %dma_wait3A_302 : memref<1x640x128xf32, #tpu.memory_space<hbm>> -> memref<640x128xf32, #tpu.memory_space<hbm>>
      %dma_wait3A_304 = arith.constant 0 : i32
      %dma_wait3A_305 = tpu.memref_slice %arg10[%mul3A_293, %dma_wait3A_304] : memref<10240x128xf32, #tpu.memory_space<vmem_shared>> -> memref<640x128xf32, #tpu.memory_space<vmem_shared>>
      tpu.wait_dma2 semaphore(%run_scoped3A : memref<!tpu.dma_semaphore, #tpu.memory_space<semaphore_mem>>) src(%dma_wait3A_305 : memref<640x128xf32, #tpu.memory_space<vmem_shared>>) dst(%dma_wait3A_303 : memref<640x128xf32, #tpu.memory_space<hbm>>)
      tpu.yield
    }) : () -> ()
    return
  }
}

module attributes {stable_mosaic.version = 14 : i64} {
  func.func @_tc1_body(%arg0: i32, %arg1: memref<1000x128xf32, #tpu.memory_space<vmem>>, %arg2: memref<128x128xf32, #tpu.memory_space<vmem>>, %arg3: memref<1000x2xf32, #tpu.memory_space<vmem>>, %arg4: memref<1000x128xf32, #tpu.memory_space<vmem>>) attributes {dimension_semantics = [#tpu.dimension_semantics<arbitrary>], iteration_bounds = array<i64: 10>, scalar_prefetch = 0 : i64, scratch_operands = 0 : i64, tpu.core_type = #tpu.core_type<tc>, window_params = [{transform_indices = @transform_0, window_bounds = array<i64: 1000, 128>}, {pipeline_mode = #tpu.pipeline_mode<synchronous>, transform_indices = @transform_1, window_bounds = array<i64: 128, 128>}, {transform_indices = @transform_2, window_bounds = array<i64: 1000, 2>}, {transform_indices = @transform_3, window_bounds = array<i64: 1000, 128>}]} {
    %get3A = arith.constant 0 : index
    %get3A_0 = arith.constant 0 : index
    %get3A_1 = vector.load %arg3[%get3A, %get3A_0] : memref<1000x2xf32, #tpu.memory_space<vmem>>, vector<1000x2xf32>
    %slice3A = vector.extract_strided_slice %get3A_1 {offsets = [0, 0], sizes = [1000, 1], strides = [1, 1]} : vector<1000x2xf32> to vector<1000x1xf32>
    %squeeze3A = vector.shape_cast %slice3A : vector<1000x1xf32> to vector<1000xf32>
    %slice3A_2 = vector.extract_strided_slice %get3A_1 {offsets = [0, 1], sizes = [1000, 1], strides = [1, 1]} : vector<1000x2xf32> to vector<1000x1xf32>
    %squeeze3A_3 = vector.shape_cast %slice3A_2 : vector<1000x1xf32> to vector<1000xf32>
    %add3A = arith.addf %squeeze3A, %squeeze3A_3 : vector<1000xf32>
    %add3A_4 = arith.constant 1.000000e+00 : f32
    %add3A_5 = vector.broadcast %add3A_4 : f32 to vector<1000xf32>
    %add3A_6 = arith.addf %add3A, %add3A_5 : vector<1000xf32>
    %rsqrt3A = math.rsqrt %add3A_6 : vector<1000xf32>
    %get3A_7 = arith.constant 0 : index
    %get3A_8 = arith.constant 0 : index
    %get3A_9 = vector.load %arg1[%get3A_7, %get3A_8] : memref<1000x128xf32, #tpu.memory_space<vmem>>, vector<1000x128xf32>
    %get3A_10 = arith.constant 0 : index
    %get3A_11 = arith.constant 0 : index
    %get3A_12 = vector.load %arg2[%get3A_10, %get3A_11] : memref<128x128xf32, #tpu.memory_space<vmem>>, vector<128x128xf32>
    %dot_general3A = arith.constant dense<0.000000e+00> : vector<1000x128xf32>
    %dot_general3A_13 = tpu.matmul %get3A_9, %get3A_12, %dot_general3A {dimension_numbers = #tpu.dot_dimension_numbers<[1], [0], [0], [1], [0, 0, 1, 1], [], []>, transpose_lhs_hint = false} : vector<1000x128xf32>, vector<128x128xf32>, vector<1000x128xf32> -> vector<1000x128xf32>
    %broadcast_in_dim3A = vector.shape_cast %rsqrt3A : vector<1000xf32> to vector<1000x1xf32>
    %mul3A = vector.broadcast %broadcast_in_dim3A : vector<1000x1xf32> to vector<1000x128xf32>
    %mul3A_14 = arith.mulf %dot_general3A_13, %mul3A : vector<1000x128xf32>
    %swap3A = arith.constant 0 : index
    %swap3A_15 = arith.constant 0 : index
    %swap3A_16 = vector.load %arg4[%swap3A, %swap3A_15] : memref<1000x128xf32, #tpu.memory_space<vmem>>, vector<1000x128xf32>
    tpu.vector_store %arg4[%swap3A, %swap3A_15], %mul3A_14 {strides = array<i32>} : memref<1000x128xf32, #tpu.memory_space<vmem>>, vector<1000x128xf32>,
    return
  }
  func.func @transform_0(%arg0: i32) -> (i32, i32) {
    %c0_i32 = arith.constant 0 : i32
    %c0_i32_0 = arith.constant 0 : i32
    return %arg0, %c0_i32 : i32, i32
  }
  func.func @transform_1(%arg0: i32) -> (i32, i32) {
    %c0_i32 = arith.constant 0 : i32
    %c0_i32_0 = arith.constant 0 : i32
    %c0_i32_1 = arith.constant 0 : i32
    return %c0_i32, %c0_i32_0 : i32, i32
  }
  func.func @transform_2(%arg0: i32) -> (i32, i32) {
    %c0_i32 = arith.constant 0 : i32
    %c0_i32_0 = arith.constant 0 : i32
    return %arg0, %c0_i32 : i32, i32
  }
  func.func @transform_3(%arg0: i32) -> (i32, i32) {
    %c0_i32 = arith.constant 0 : i32
    %c0_i32_0 = arith.constant 0 : i32
    return %arg0, %c0_i32 : i32, i32
  }
}

module attributes {stable_mosaic.version = 14 : i64} {
  func.func @_tc2_body(%arg0: i32, %arg1: memref<1000x128xf32, #tpu.memory_space<vmem>>, %arg2: memref<2x1000x128xf32, #tpu.memory_space<vmem>>, %arg3: memref<1000x2xf32, #tpu.memory_space<vmem>>, %arg4: memref<1x128xf32, #tpu.memory_space<vmem>>, %arg5: memref<1x128xf32, #tpu.memory_space<vmem>>, %arg6: memref<1x128xf32, #tpu.memory_space<vmem>>, %arg7: memref<128x128xf32, #tpu.memory_space<vmem>>, %arg8: memref<1000x128xf32, #tpu.memory_space<vmem>>) attributes {dimension_semantics = [#tpu.dimension_semantics<arbitrary>], iteration_bounds = array<i64: 10>, scalar_prefetch = 0 : i64, scratch_operands = 0 : i64, tpu.core_type = #tpu.core_type<tc>, window_params = [{transform_indices = @transform_0, window_bounds = array<i64: 1000, 128>}, {transform_indices = @transform_1, window_bounds = array<i64: 2, 1000, 128>}, {transform_indices = @transform_2, window_bounds = array<i64: 1000, 2>}, {pipeline_mode = #tpu.pipeline_mode<synchronous>, transform_indices = @transform_3, window_bounds = array<i64: 1, 128>}, {pipeline_mode = #tpu.pipeline_mode<synchronous>, transform_indices = @transform_4, window_bounds = array<i64: 1, 128>}, {pipeline_mode = #tpu.pipeline_mode<synchronous>, transform_indices = @transform_5, window_bounds = array<i64: 1, 128>}, {pipeline_mode = #tpu.pipeline_mode<synchronous>, transform_indices = @transform_6, window_bounds = array<i64: 128, 128>}, {transform_indices = @transform_7, window_bounds = array<i64: 1000, 128>}]} {
    %get3A = arith.constant 0 : index
    %get3A_0 = arith.constant 0 : index
    %get3A_1 = vector.load %arg3[%get3A, %get3A_0] : memref<1000x2xf32, #tpu.memory_space<vmem>>, vector<1000x2xf32>
    %slice3A = vector.extract_strided_slice %get3A_1 {offsets = [0, 0], sizes = [1000, 1], strides = [1, 1]} : vector<1000x2xf32> to vector<1000x1xf32>
    %squeeze3A = vector.shape_cast %slice3A : vector<1000x1xf32> to vector<1000xf32>
    %slice3A_2 = vector.extract_strided_slice %get3A_1 {offsets = [0, 1], sizes = [1000, 1], strides = [1, 1]} : vector<1000x2xf32> to vector<1000x1xf32>
    %squeeze3A_3 = vector.shape_cast %slice3A_2 : vector<1000x1xf32> to vector<1000xf32>
    %add3A = arith.addf %squeeze3A, %squeeze3A_3 : vector<1000xf32>
    %add3A_4 = arith.constant 1.000000e+00 : f32
    %add3A_5 = vector.broadcast %add3A_4 : f32 to vector<1000xf32>
    %add3A_6 = arith.addf %add3A, %add3A_5 : vector<1000xf32>
    %rsqrt3A = math.rsqrt %add3A_6 : vector<1000xf32>
    %get3A_7 = arith.constant 0 : index
    %get3A_8 = arith.constant 0 : index
    %get3A_9 = arith.constant 0 : index
    %get3A_10 = vector.load %arg2[%get3A_7, %get3A_8, %get3A_9] : memref<2x1000x128xf32, #tpu.memory_space<vmem>>, vector<1x1000x128xf32>
    %get3A_11 = vector.shape_cast %get3A_10 : vector<1x1000x128xf32> to vector<1000x128xf32>
    %get3A_12 = arith.constant 1 : index
    %get3A_13 = arith.constant 0 : index
    %get3A_14 = arith.constant 0 : index
    %get3A_15 = vector.load %arg2[%get3A_12, %get3A_13, %get3A_14] : memref<2x1000x128xf32, #tpu.memory_space<vmem>>, vector<1x1000x128xf32>
    %get3A_16 = vector.shape_cast %get3A_15 : vector<1x1000x128xf32> to vector<1000x128xf32>
    %add3A_17 = arith.addf %get3A_11, %get3A_16 : vector<1000x128xf32>
    %get3A_18 = arith.constant 0 : index
    %get3A_19 = arith.constant 0 : index
    %get3A_20 = vector.load %arg1[%get3A_18, %get3A_19] : memref<1000x128xf32, #tpu.memory_space<vmem>>, vector<1000x128xf32>
    %add3A_21 = arith.addf %get3A_20, %add3A_17 : vector<1000x128xf32>
    %broadcast_in_dim3A = vector.shape_cast %rsqrt3A : vector<1000xf32> to vector<1000x1xf32>
    %mul3A = vector.broadcast %broadcast_in_dim3A : vector<1000x1xf32> to vector<1000x128xf32>
    %mul3A_22 = arith.mulf %add3A_21, %mul3A : vector<1000x128xf32>
    %get3A_23 = arith.constant 0 : index
    %get3A_24 = arith.constant 0 : index
    %get3A_25 = vector.load %arg4[%get3A_23, %get3A_24] : memref<1x128xf32, #tpu.memory_space<vmem>>, vector<1x128xf32>
    %add3A_26 = vector.broadcast %get3A_25 : vector<1x128xf32> to vector<1000x128xf32>
    %add3A_27 = arith.addf %mul3A_22, %add3A_26 : vector<1000x128xf32>
    %get3A_28 = arith.constant 0 : index
    %get3A_29 = arith.constant 0 : index
    %get3A_30 = vector.load %arg5[%get3A_28, %get3A_29] : memref<1x128xf32, #tpu.memory_space<vmem>>, vector<1x128xf32>
    %get3A_31 = arith.constant 0 : index
    %get3A_32 = arith.constant 0 : index
    %get3A_33 = vector.load %arg6[%get3A_31, %get3A_32] : memref<1x128xf32, #tpu.memory_space<vmem>>, vector<1x128xf32>
    %reduce_sum3A = arith.constant dense<0.000000e+00> : vector<1000xf32>
    %reduce_sum3A_34 = vector.multi_reduction <add>, %add3A_27, %reduce_sum3A [1] : vector<1000x128xf32> to vector<1000xf32>
    %broadcast_in_dim3A_35 = vector.shape_cast %reduce_sum3A_34 : vector<1000xf32> to vector<1000x1xf32>
    %div3A = arith.constant 1.280000e+02 : f32
    %div3A_36 = vector.broadcast %div3A : f32 to vector<1000x1xf32>
    %div3A_37 = arith.divf %broadcast_in_dim3A_35, %div3A_36 : vector<1000x1xf32>
    %sub3A = vector.broadcast %div3A_37 : vector<1000x1xf32> to vector<1000x128xf32>
    %sub3A_38 = arith.subf %add3A_27, %sub3A : vector<1000x128xf32>
    %integer_pow3A = arith.mulf %sub3A_38, %sub3A_38 : vector<1000x128xf32>
    %reduce_sum3A_39 = arith.constant dense<0.000000e+00> : vector<1000xf32>
    %reduce_sum3A_40 = vector.multi_reduction <add>, %integer_pow3A, %reduce_sum3A_39 [1] : vector<1000x128xf32> to vector<1000xf32>
    %broadcast_in_dim3A_41 = vector.shape_cast %reduce_sum3A_40 : vector<1000xf32> to vector<1000x1xf32>
    %div3A_42 = arith.constant 1.280000e+02 : f32
    %div3A_43 = vector.broadcast %div3A_42 : f32 to vector<1000x1xf32>
    %div3A_44 = arith.divf %broadcast_in_dim3A_41, %div3A_43 : vector<1000x1xf32>
    %sub3A_45 = vector.broadcast %div3A_37 : vector<1000x1xf32> to vector<1000x128xf32>
    %sub3A_46 = arith.subf %add3A_27, %sub3A_45 : vector<1000x128xf32>
    %add3A_47 = arith.constant 9.99999974E-6 : f32
    %add3A_48 = vector.broadcast %add3A_47 : f32 to vector<1000x1xf32>
    %add3A_49 = arith.addf %div3A_44, %add3A_48 : vector<1000x1xf32>
    %rsqrt3A_50 = math.rsqrt %add3A_49 : vector<1000x1xf32>
    %mul3A_51 = vector.broadcast %rsqrt3A_50 : vector<1000x1xf32> to vector<1000x128xf32>
    %mul3A_52 = arith.mulf %sub3A_46, %mul3A_51 : vector<1000x128xf32>
    %mul3A_53 = vector.broadcast %get3A_30 : vector<1x128xf32> to vector<1000x128xf32>
    %mul3A_54 = arith.mulf %mul3A_52, %mul3A_53 : vector<1000x128xf32>
    %add3A_55 = vector.broadcast %get3A_33 : vector<1x128xf32> to vector<1000x128xf32>
    %add3A_56 = arith.addf %mul3A_54, %add3A_55 : vector<1000x128xf32>
    %max3A = arith.constant 0.000000e+00 : f32
    %max3A_57 = vector.broadcast %max3A : f32 to vector<1000x128xf32>
    %max3A_58 = arith.maximumf %add3A_56, %max3A_57 : vector<1000x128xf32>
    %get3A_59 = arith.constant 0 : index
    %get3A_60 = arith.constant 0 : index
    %get3A_61 = vector.load %arg7[%get3A_59, %get3A_60] : memref<128x128xf32, #tpu.memory_space<vmem>>, vector<128x128xf32>
    %dot_general3A = arith.constant dense<0.000000e+00> : vector<1000x128xf32>
    %dot_general3A_62 = tpu.matmul %max3A_58, %get3A_61, %dot_general3A {dimension_numbers = #tpu.dot_dimension_numbers<[1], [0], [0], [1], [0, 0, 1, 1], [], []>, transpose_lhs_hint = false} : vector<1000x128xf32>, vector<128x128xf32>, vector<1000x128xf32> -> vector<1000x128xf32>
    %broadcast_in_dim3A_63 = vector.shape_cast %rsqrt3A : vector<1000xf32> to vector<1000x1xf32>
    %mul3A_64 = vector.broadcast %broadcast_in_dim3A_63 : vector<1000x1xf32> to vector<1000x128xf32>
    %mul3A_65 = arith.mulf %dot_general3A_62, %mul3A_64 : vector<1000x128xf32>
    %swap3A = arith.constant 0 : index
    %swap3A_66 = arith.constant 0 : index
    %swap3A_67 = vector.load %arg8[%swap3A, %swap3A_66] : memref<1000x128xf32, #tpu.memory_space<vmem>>, vector<1000x128xf32>
    tpu.vector_store %arg8[%swap3A, %swap3A_66], %mul3A_65 {strides = array<i32>} : memref<1000x128xf32, #tpu.memory_space<vmem>>, vector<1000x128xf32>,
    return
  }
  func.func @transform_0(%arg0: i32) -> (i32, i32) {
    %c0_i32 = arith.constant 0 : i32
    %c0_i32_0 = arith.constant 0 : i32
    return %arg0, %c0_i32 : i32, i32
  }
  func.func @transform_1(%arg0: i32) -> (i32, i32, i32) {
    %c0_i32 = arith.constant 0 : i32
    %c0_i32_0 = arith.constant 0 : i32
    %c0_i32_1 = arith.constant 0 : i32
    return %c0_i32, %arg0, %c0_i32_0 : i32, i32, i32
  }
  func.func @transform_2(%arg0: i32) -> (i32, i32) {
    %c0_i32 = arith.constant 0 : i32
    %c0_i32_0 = arith.constant 0 : i32
    return %arg0, %c0_i32 : i32, i32
  }
  func.func @transform_3(%arg0: i32) -> (i32, i32) {
    %c0_i32 = arith.constant 0 : i32
    %c0_i32_0 = arith.constant 0 : i32
    %c0_i32_1 = arith.constant 0 : i32
    return %c0_i32, %c0_i32_0 : i32, i32
  }
  func.func @transform_4(%arg0: i32) -> (i32, i32) {
    %c0_i32 = arith.constant 0 : i32
    %c0_i32_0 = arith.constant 0 : i32
    %c0_i32_1 = arith.constant 0 : i32
    return %c0_i32, %c0_i32_0 : i32, i32
  }
  func.func @transform_5(%arg0: i32) -> (i32, i32) {
    %c0_i32 = arith.constant 0 : i32
    %c0_i32_0 = arith.constant 0 : i32
    %c0_i32_1 = arith.constant 0 : i32
    return %c0_i32, %c0_i32_0 : i32, i32
  }
  func.func @transform_6(%arg0: i32) -> (i32, i32) {
    %c0_i32 = arith.constant 0 : i32
    %c0_i32_0 = arith.constant 0 : i32
    %c0_i32_1 = arith.constant 0 : i32
    return %c0_i32, %c0_i32_0 : i32, i32
  }
  func.func @transform_7(%arg0: i32) -> (i32, i32) {
    %c0_i32 = arith.constant 0 : i32
    %c0_i32_0 = arith.constant 0 : i32
    return %arg0, %c0_i32 : i32, i32
  }
}

module attributes {stable_mosaic.version = 14 : i64} {
  func.func @_tc34_body(%arg0: i32, %arg1: memref<1000x128xf32, #tpu.memory_space<vmem>>, %arg2: memref<2x1000x128xf32, #tpu.memory_space<vmem>>, %arg3: memref<1000x2xf32, #tpu.memory_space<vmem>>, %arg4: memref<1x128xf32, #tpu.memory_space<vmem>>, %arg5: memref<1x128xf32, #tpu.memory_space<vmem>>, %arg6: memref<1x128xf32, #tpu.memory_space<vmem>>, %arg7: memref<128x128xf32, #tpu.memory_space<vmem>>, %arg8: memref<1x128xf32, #tpu.memory_space<vmem>>, %arg9: memref<128x64xf32, #tpu.memory_space<vmem>>, %arg10: memref<1x64xf32, #tpu.memory_space<vmem>>, %arg11: memref<64x3xf32, #tpu.memory_space<vmem>>, %arg12: memref<1x3xf32, #tpu.memory_space<vmem>>, %arg13: memref<1000x3xf32, #tpu.memory_space<vmem>>, %arg14: memref<10000x128xf32, #tpu.memory_space<vmem>>, %arg15: memref<1x128xf32, #tpu.memory_space<vmem>>) attributes {dimension_semantics = [#tpu.dimension_semantics<arbitrary>], iteration_bounds = array<i64: 20>, scalar_prefetch = 0 : i64, scratch_operands = 2 : i64, tpu.core_type = #tpu.core_type<tc>, window_params = [{transform_indices = @transform_0, window_bounds = array<i64: 1000, 128>}, {transform_indices = @transform_1, window_bounds = array<i64: 2, 1000, 128>}, {transform_indices = @transform_2, window_bounds = array<i64: 1000, 2>}, {pipeline_mode = #tpu.pipeline_mode<synchronous>, transform_indices = @transform_3, window_bounds = array<i64: 1, 128>}, {pipeline_mode = #tpu.pipeline_mode<synchronous>, transform_indices = @transform_4, window_bounds = array<i64: 1, 128>}, {pipeline_mode = #tpu.pipeline_mode<synchronous>, transform_indices = @transform_5, window_bounds = array<i64: 1, 128>}, {pipeline_mode = #tpu.pipeline_mode<synchronous>, transform_indices = @transform_6, window_bounds = array<i64: 128, 128>}, {pipeline_mode = #tpu.pipeline_mode<synchronous>, transform_indices = @transform_7, window_bounds = array<i64: 1, 128>}, {pipeline_mode = #tpu.pipeline_mode<synchronous>, transform_indices = @transform_8, window_bounds = array<i64: 128, 64>}, {pipeline_mode = #tpu.pipeline_mode<synchronous>, transform_indices = @transform_9, window_bounds = array<i64: 1, 64>}, {pipeline_mode = #tpu.pipeline_mode<synchronous>, transform_indices = @transform_10, window_bounds = array<i64: 64, 3>}, {pipeline_mode = #tpu.pipeline_mode<synchronous>, transform_indices = @transform_11, window_bounds = array<i64: 1, 3>}, {transform_indices = @transform_12, window_bounds = array<i64: 1000, 3>}]} {
    %lt3A = arith.constant 10 : i32
    %lt3A_0 = arith.cmpi slt, %arg0, %lt3A : i32
    %convert_element_type3A = arith.extui %lt3A_0 : i1 to i32
    %cond3A = arith.constant 0 : i32
    %cond3A_1 = arith.cmpi ne, %convert_element_type3A, %cond3A : i32
    scf.if %cond3A_1 {
      %get3A = arith.constant 0 : index
      %get3A_6 = arith.constant 0 : index
      %get3A_7 = vector.load %arg3[%get3A, %get3A_6] : memref<1000x2xf32, #tpu.memory_space<vmem>>, vector<1000x2xf32>
      %slice3A = vector.extract_strided_slice %get3A_7 {offsets = [0, 0], sizes = [1000, 1], strides = [1, 1]} : vector<1000x2xf32> to vector<1000x1xf32>
      %squeeze3A = vector.shape_cast %slice3A : vector<1000x1xf32> to vector<1000xf32>
      %slice3A_8 = vector.extract_strided_slice %get3A_7 {offsets = [0, 1], sizes = [1000, 1], strides = [1, 1]} : vector<1000x2xf32> to vector<1000x1xf32>
      %squeeze3A_9 = vector.shape_cast %slice3A_8 : vector<1000x1xf32> to vector<1000xf32>
      %add3A = arith.addf %squeeze3A, %squeeze3A_9 : vector<1000xf32>
      %add3A_10 = arith.constant 1.000000e+00 : f32
      %add3A_11 = vector.broadcast %add3A_10 : f32 to vector<1000xf32>
      %add3A_12 = arith.addf %add3A, %add3A_11 : vector<1000xf32>
      %rsqrt3A = math.rsqrt %add3A_12 : vector<1000xf32>
      %get3A_13 = arith.constant 0 : index
      %get3A_14 = arith.constant 0 : index
      %get3A_15 = arith.constant 0 : index
      %get3A_16 = vector.load %arg2[%get3A_13, %get3A_14, %get3A_15] : memref<2x1000x128xf32, #tpu.memory_space<vmem>>, vector<1x1000x128xf32>
      %get3A_17 = vector.shape_cast %get3A_16 : vector<1x1000x128xf32> to vector<1000x128xf32>
      %get3A_18 = arith.constant 1 : index
      %get3A_19 = arith.constant 0 : index
      %get3A_20 = arith.constant 0 : index
      %get3A_21 = vector.load %arg2[%get3A_18, %get3A_19, %get3A_20] : memref<2x1000x128xf32, #tpu.memory_space<vmem>>, vector<1x1000x128xf32>
      %get3A_22 = vector.shape_cast %get3A_21 : vector<1x1000x128xf32> to vector<1000x128xf32>
      %add3A_23 = arith.addf %get3A_17, %get3A_22 : vector<1000x128xf32>
      %get3A_24 = arith.constant 0 : index
      %get3A_25 = arith.constant 0 : index
      %get3A_26 = vector.load %arg1[%get3A_24, %get3A_25] : memref<1000x128xf32, #tpu.memory_space<vmem>>, vector<1000x128xf32>
      %add3A_27 = arith.addf %get3A_26, %add3A_23 : vector<1000x128xf32>
      %broadcast_in_dim3A = vector.shape_cast %rsqrt3A : vector<1000xf32> to vector<1000x1xf32>
      %mul3A = vector.broadcast %broadcast_in_dim3A : vector<1000x1xf32> to vector<1000x128xf32>
      %mul3A_28 = arith.mulf %add3A_27, %mul3A : vector<1000x128xf32>
      %get3A_29 = arith.constant 0 : index
      %get3A_30 = arith.constant 0 : index
      %get3A_31 = vector.load %arg4[%get3A_29, %get3A_30] : memref<1x128xf32, #tpu.memory_space<vmem>>, vector<1x128xf32>
      %add3A_32 = vector.broadcast %get3A_31 : vector<1x128xf32> to vector<1000x128xf32>
      %add3A_33 = arith.addf %mul3A_28, %add3A_32 : vector<1000x128xf32>
      %get3A_34 = arith.constant 0 : index
      %get3A_35 = arith.constant 0 : index
      %get3A_36 = vector.load %arg5[%get3A_34, %get3A_35] : memref<1x128xf32, #tpu.memory_space<vmem>>, vector<1x128xf32>
      %get3A_37 = arith.constant 0 : index
      %get3A_38 = arith.constant 0 : index
      %get3A_39 = vector.load %arg6[%get3A_37, %get3A_38] : memref<1x128xf32, #tpu.memory_space<vmem>>, vector<1x128xf32>
      %reduce_sum3A = arith.constant dense<0.000000e+00> : vector<1000xf32>
      %reduce_sum3A_40 = vector.multi_reduction <add>, %add3A_33, %reduce_sum3A [1] : vector<1000x128xf32> to vector<1000xf32>
      %broadcast_in_dim3A_41 = vector.shape_cast %reduce_sum3A_40 : vector<1000xf32> to vector<1000x1xf32>
      %div3A = arith.constant 1.280000e+02 : f32
      %div3A_42 = vector.broadcast %div3A : f32 to vector<1000x1xf32>
      %div3A_43 = arith.divf %broadcast_in_dim3A_41, %div3A_42 : vector<1000x1xf32>
      %sub3A = vector.broadcast %div3A_43 : vector<1000x1xf32> to vector<1000x128xf32>
      %sub3A_44 = arith.subf %add3A_33, %sub3A : vector<1000x128xf32>
      %integer_pow3A = arith.mulf %sub3A_44, %sub3A_44 : vector<1000x128xf32>
      %reduce_sum3A_45 = arith.constant dense<0.000000e+00> : vector<1000xf32>
      %reduce_sum3A_46 = vector.multi_reduction <add>, %integer_pow3A, %reduce_sum3A_45 [1] : vector<1000x128xf32> to vector<1000xf32>
      %broadcast_in_dim3A_47 = vector.shape_cast %reduce_sum3A_46 : vector<1000xf32> to vector<1000x1xf32>
      %div3A_48 = arith.constant 1.280000e+02 : f32
      %div3A_49 = vector.broadcast %div3A_48 : f32 to vector<1000x1xf32>
      %div3A_50 = arith.divf %broadcast_in_dim3A_47, %div3A_49 : vector<1000x1xf32>
      %sub3A_51 = vector.broadcast %div3A_43 : vector<1000x1xf32> to vector<1000x128xf32>
      %sub3A_52 = arith.subf %add3A_33, %sub3A_51 : vector<1000x128xf32>
      %add3A_53 = arith.constant 9.99999974E-6 : f32
      %add3A_54 = vector.broadcast %add3A_53 : f32 to vector<1000x1xf32>
      %add3A_55 = arith.addf %div3A_50, %add3A_54 : vector<1000x1xf32>
      %rsqrt3A_56 = math.rsqrt %add3A_55 : vector<1000x1xf32>
      %mul3A_57 = vector.broadcast %rsqrt3A_56 : vector<1000x1xf32> to vector<1000x128xf32>
      %mul3A_58 = arith.mulf %sub3A_52, %mul3A_57 : vector<1000x128xf32>
      %mul3A_59 = vector.broadcast %get3A_36 : vector<1x128xf32> to vector<1000x128xf32>
      %mul3A_60 = arith.mulf %mul3A_58, %mul3A_59 : vector<1000x128xf32>
      %add3A_61 = vector.broadcast %get3A_39 : vector<1x128xf32> to vector<1000x128xf32>
      %add3A_62 = arith.addf %mul3A_60, %add3A_61 : vector<1000x128xf32>
      %max3A = arith.constant 0.000000e+00 : f32
      %max3A_63 = vector.broadcast %max3A : f32 to vector<1000x128xf32>
      %max3A_64 = arith.maximumf %add3A_62, %max3A_63 : vector<1000x128xf32>
      %mul3A_65 = arith.constant 1000 : i32
      %mul3A_66 = arith.muli %arg0, %mul3A_65 : i32
      %swap3A = arith.index_cast %mul3A_66 : i32 to index
      %swap3A_67 = arith.constant 0 : index
      %swap3A_68 = vector.load %arg14[%swap3A, %swap3A_67] : memref<10000x128xf32, #tpu.memory_space<vmem>>, vector<1000x128xf32>
      tpu.vector_store %arg14[%swap3A, %swap3A_67], %max3A_64 {strides = array<i32>} : memref<10000x128xf32, #tpu.memory_space<vmem>>, vector<1000x128xf32>,
      %eq3A = arith.constant 0 : i32
      %eq3A_69 = arith.cmpi eq, %arg0, %eq3A : i32
      %convert_element_type3A_70 = arith.extui %eq3A_69 : i1 to i32
      %cond3A_71 = arith.constant 0 : i32
      %cond3A_72 = arith.cmpi ne, %convert_element_type3A_70, %cond3A_71 : i32
      scf.if %cond3A_72 {
        %broadcast_in_dim3A_83 = arith.constant 0.000000e+00 : f32
        %broadcast_in_dim3A_84 = vector.broadcast %broadcast_in_dim3A_83 : f32 to vector<1x128xf32>
        %swap3A_85 = arith.constant 0 : index
        %swap3A_86 = arith.constant 0 : index
        %swap3A_87 = vector.load %arg15[%swap3A_85, %swap3A_86] : memref<1x128xf32, #tpu.memory_space<vmem>>, vector<1x128xf32>
        tpu.vector_store %arg15[%swap3A_85, %swap3A_86], %broadcast_in_dim3A_84 {strides = array<i32>} : memref<1x128xf32, #tpu.memory_space<vmem>>, vector<1x128xf32>,
      } else {
      }
      %get3A_73 = arith.constant 0 : index
      %get3A_74 = arith.constant 0 : index
      %get3A_75 = vector.load %arg15[%get3A_73, %get3A_74] : memref<1x128xf32, #tpu.memory_space<vmem>>, vector<1x128xf32>
      %reduce_sum3A_76 = arith.constant dense<0.000000e+00> : vector<128xf32>
      %reduce_sum3A_77 = vector.multi_reduction <add>, %max3A_64, %reduce_sum3A_76 [0] : vector<1000x128xf32> to vector<128xf32>
      %broadcast_in_dim3A_78 = vector.shape_cast %reduce_sum3A_77 : vector<128xf32> to vector<1x128xf32>
      %add3A_79 = arith.addf %get3A_75, %broadcast_in_dim3A_78 : vector<1x128xf32>
      %swap3A_80 = arith.constant 0 : index
      %swap3A_81 = arith.constant 0 : index
      %swap3A_82 = vector.load %arg15[%swap3A_80, %swap3A_81] : memref<1x128xf32, #tpu.memory_space<vmem>>, vector<1x128xf32>
      tpu.vector_store %arg15[%swap3A_80, %swap3A_81], %add3A_79 {strides = array<i32>} : memref<1x128xf32, #tpu.memory_space<vmem>>, vector<1x128xf32>,
    } else {
    }
    %ge3A = arith.constant 10 : i32
    %ge3A_2 = arith.cmpi sge, %arg0, %ge3A : i32
    %convert_element_type3A_3 = arith.extui %ge3A_2 : i1 to i32
    %cond3A_4 = arith.constant 0 : i32
    %cond3A_5 = arith.cmpi ne, %convert_element_type3A_3, %cond3A_4 : i32
    scf.if %cond3A_5 {
      %get3A = arith.constant 0 : index
      %get3A_6 = arith.constant 0 : index
      %get3A_7 = vector.load %arg15[%get3A, %get3A_6] : memref<1x128xf32, #tpu.memory_space<vmem>>, vector<1x128xf32>
      %mul3A = arith.constant 9.99999974E-5 : f32
      %mul3A_8 = vector.broadcast %mul3A : f32 to vector<1x128xf32>
      %mul3A_9 = arith.mulf %get3A_7, %mul3A_8 : vector<1x128xf32>
      %get3A_10 = arith.constant 0 : index
      %get3A_11 = arith.constant 0 : index
      %get3A_12 = vector.load %arg7[%get3A_10, %get3A_11] : memref<128x128xf32, #tpu.memory_space<vmem>>, vector<128x128xf32>
      %dot_general3A = arith.constant dense<0.000000e+00> : vector<1x128xf32>
      %dot_general3A_13 = tpu.matmul %mul3A_9, %get3A_12, %dot_general3A {dimension_numbers = #tpu.dot_dimension_numbers<[1], [0], [0], [1], [0, 0, 1, 1], [], []>, transpose_lhs_hint = false} : vector<1x128xf32>, vector<128x128xf32>, vector<1x128xf32> -> vector<1x128xf32>
      %get3A_14 = arith.constant 0 : index
      %get3A_15 = arith.constant 0 : index
      %get3A_16 = vector.load %arg8[%get3A_14, %get3A_15] : memref<1x128xf32, #tpu.memory_space<vmem>>, vector<1x128xf32>
      %add3A = arith.addf %dot_general3A_13, %get3A_16 : vector<1x128xf32>
      %sub3A = arith.constant 10 : i32
      %sub3A_17 = arith.subi %arg0, %sub3A : i32
      %mul3A_18 = arith.constant 1000 : i32
      %mul3A_19 = arith.muli %sub3A_17, %mul3A_18 : i32
      %get3A_20 = arith.index_cast %mul3A_19 : i32 to index
      %get3A_21 = arith.constant 0 : index
      %get3A_22 = vector.load %arg14[%get3A_20, %get3A_21] : memref<10000x128xf32, #tpu.memory_space<vmem>>, vector<1000x128xf32>
      %add3A_23 = vector.broadcast %add3A : vector<1x128xf32> to vector<1000x128xf32>
      %add3A_24 = arith.addf %get3A_22, %add3A_23 : vector<1000x128xf32>
      %get3A_25 = arith.constant 0 : index
      %get3A_26 = arith.constant 0 : index
      %get3A_27 = vector.load %arg9[%get3A_25, %get3A_26] : memref<128x64xf32, #tpu.memory_space<vmem>>, vector<128x64xf32>
      %dot_general3A_28 = arith.constant dense<0.000000e+00> : vector<1000x64xf32>
      %dot_general3A_29 = tpu.matmul %add3A_24, %get3A_27, %dot_general3A_28 {dimension_numbers = #tpu.dot_dimension_numbers<[1], [0], [0], [1], [0, 0, 1, 1], [], []>, transpose_lhs_hint = false} : vector<1000x128xf32>, vector<128x64xf32>, vector<1000x64xf32> -> vector<1000x64xf32>
      %get3A_30 = arith.constant 0 : index
      %get3A_31 = arith.constant 0 : index
      %get3A_32 = vector.load %arg10[%get3A_30, %get3A_31] : memref<1x64xf32, #tpu.memory_space<vmem>>, vector<1x64xf32>
      %add3A_33 = vector.broadcast %get3A_32 : vector<1x64xf32> to vector<1000x64xf32>
      %add3A_34 = arith.addf %dot_general3A_29, %add3A_33 : vector<1000x64xf32>
      %max3A = arith.constant 0.000000e+00 : f32
      %max3A_35 = vector.broadcast %max3A : f32 to vector<1000x64xf32>
      %max3A_36 = arith.maximumf %add3A_34, %max3A_35 : vector<1000x64xf32>
      %get3A_37 = arith.constant 0 : index
      %get3A_38 = arith.constant 0 : index
      %get3A_39 = vector.load %arg11[%get3A_37, %get3A_38] : memref<64x3xf32, #tpu.memory_space<vmem>>, vector<64x3xf32>
      %dot_general3A_40 = arith.constant dense<0.000000e+00> : vector<1000x3xf32>
      %dot_general3A_41 = tpu.matmul %max3A_36, %get3A_39, %dot_general3A_40 {dimension_numbers = #tpu.dot_dimension_numbers<[1], [0], [0], [1], [0, 0, 1, 1], [], []>, transpose_lhs_hint = false} : vector<1000x64xf32>, vector<64x3xf32>, vector<1000x3xf32> -> vector<1000x3xf32>
      %get3A_42 = arith.constant 0 : index
      %get3A_43 = arith.constant 0 : index
      %get3A_44 = vector.load %arg12[%get3A_42, %get3A_43] : memref<1x3xf32, #tpu.memory_space<vmem>>, vector<1x3xf32>
      %add3A_45 = vector.broadcast %get3A_44 : vector<1x3xf32> to vector<1000x3xf32>
      %add3A_46 = arith.addf %dot_general3A_41, %add3A_45 : vector<1000x3xf32>
      %tanh3A = math.tanh %add3A_46 : vector<1000x3xf32>
      %swap3A = arith.constant 0 : index
      %swap3A_47 = arith.constant 0 : index
      %swap3A_48 = vector.load %arg13[%swap3A, %swap3A_47] : memref<1000x3xf32, #tpu.memory_space<vmem>>, vector<1000x3xf32>
      tpu.vector_store %arg13[%swap3A, %swap3A_47], %tanh3A {strides = array<i32>} : memref<1000x3xf32, #tpu.memory_space<vmem>>, vector<1000x3xf32>,
    } else {
    }
    return
  }
  func.func @transform_0(%arg0: i32) -> (i32, i32) {
    %min3A = arith.constant 9 : i32
    %min3A_0 = arith.minsi %arg0, %min3A : i32
    %c0_i32 = arith.constant 0 : i32
    %c0_i32_1 = arith.constant 0 : i32
    return %min3A_0, %c0_i32 : i32, i32
  }
  func.func @transform_1(%arg0: i32) -> (i32, i32, i32) {
    %min3A = arith.constant 9 : i32
    %min3A_0 = arith.minsi %arg0, %min3A : i32
    %c0_i32 = arith.constant 0 : i32
    %c0_i32_1 = arith.constant 0 : i32
    %c0_i32_2 = arith.constant 0 : i32
    return %c0_i32, %min3A_0, %c0_i32_1 : i32, i32, i32
  }
  func.func @transform_2(%arg0: i32) -> (i32, i32) {
    %min3A = arith.constant 9 : i32
    %min3A_0 = arith.minsi %arg0, %min3A : i32
    %c0_i32 = arith.constant 0 : i32
    %c0_i32_1 = arith.constant 0 : i32
    return %min3A_0, %c0_i32 : i32, i32
  }
  func.func @transform_3(%arg0: i32) -> (i32, i32) {
    %c0_i32 = arith.constant 0 : i32
    %c0_i32_0 = arith.constant 0 : i32
    %c0_i32_1 = arith.constant 0 : i32
    return %c0_i32, %c0_i32_0 : i32, i32
  }
  func.func @transform_4(%arg0: i32) -> (i32, i32) {
    %c0_i32 = arith.constant 0 : i32
    %c0_i32_0 = arith.constant 0 : i32
    %c0_i32_1 = arith.constant 0 : i32
    return %c0_i32, %c0_i32_0 : i32, i32
  }
  func.func @transform_5(%arg0: i32) -> (i32, i32) {
    %c0_i32 = arith.constant 0 : i32
    %c0_i32_0 = arith.constant 0 : i32
    %c0_i32_1 = arith.constant 0 : i32
    return %c0_i32, %c0_i32_0 : i32, i32
  }
  func.func @transform_6(%arg0: i32) -> (i32, i32) {
    %c0_i32 = arith.constant 0 : i32
    %c0_i32_0 = arith.constant 0 : i32
    %c0_i32_1 = arith.constant 0 : i32
    return %c0_i32, %c0_i32_0 : i32, i32
  }
  func.func @transform_7(%arg0: i32) -> (i32, i32) {
    %c0_i32 = arith.constant 0 : i32
    %c0_i32_0 = arith.constant 0 : i32
    %c0_i32_1 = arith.constant 0 : i32
    return %c0_i32, %c0_i32_0 : i32, i32
  }
  func.func @transform_8(%arg0: i32) -> (i32, i32) {
    %c0_i32 = arith.constant 0 : i32
    %c0_i32_0 = arith.constant 0 : i32
    %c0_i32_1 = arith.constant 0 : i32
    return %c0_i32, %c0_i32_0 : i32, i32
  }
  func.func @transform_9(%arg0: i32) -> (i32, i32) {
    %c0_i32 = arith.constant 0 : i32
    %c0_i32_0 = arith.constant 0 : i32
    %c0_i32_1 = arith.constant 0 : i32
    return %c0_i32, %c0_i32_0 : i32, i32
  }
  func.func @transform_10(%arg0: i32) -> (i32, i32) {
    %c0_i32 = arith.constant 0 : i32
    %c0_i32_0 = arith.constant 0 : i32
    %c0_i32_1 = arith.constant 0 : i32
    return %c0_i32, %c0_i32_0 : i32, i32
  }
  func.func @transform_11(%arg0: i32) -> (i32, i32) {
    %c0_i32 = arith.constant 0 : i32
    %c0_i32_0 = arith.constant 0 : i32
    %c0_i32_1 = arith.constant 0 : i32
    return %c0_i32, %c0_i32_0 : i32, i32
  }
  func.func @transform_12(%arg0: i32) -> (i32, i32) {
    %sub3A = arith.constant 10 : i32
    %sub3A_0 = arith.subi %arg0, %sub3A : i32
    %max3A = arith.constant 0 : i32
    %max3A_1 = arith.maxsi %sub3A_0, %max3A : i32
    %c0_i32 = arith.constant 0 : i32
    %c0_i32_2 = arith.constant 0 : i32
    return %max3A_1, %c0_i32 : i32, i32
  }
}

</mosaic_0001>

<sc_bundles>
// kernel: kernel.11.cloned.1.call-start
scs
__scs_entry_jumppad:
0x0: {  	(pc) =	sbr.rel $0x88, $3  }
0x1: {  	(tag) =	ssettag $0x0;
	lr =	simm.s32 $0x1  }
0x2: {  	[smem:$0x3F91] =	sst lr;
	_ =	strace $0xD0000000  }
0x3: {  	_ = 	snop  }
0x4: {  	_ = 	snop  }
0x5: {  	_ = 	snop  }
0x6: {  	_ = 	snop  }
0x7: {  	_ = 	snop  }
__scs_overlays_trampoline_lowered:
0x8: {  	[smem:$0x3FA0] =	sst s0  }
0x9: {  	[smem:$0x3FA1] =	sst s1  }
0xa: {  	[smem:$0x3FA2] =	sst s2  }
0xb: {  	[smem:$0x3FA3] =	sst s3  }
0xc: {  	[smem:$0x3FA4] =	sst s4  }
0xd: {  	[smem:$0x3FA5] =	sst s5  }
0xe: {  	[smem:$0x3FA6] =	sst s6  }
0xf: {  	[smem:$0x3FA7] =	sst s7  }
0x10: {  	[smem:$0x3FA8] =	sst s8  }
0x11: {  	[smem:$0x3FA9] =	sst s9;
	s0 =	simm.s32 @!p0 $0x0  }
0x12: {  	s1 =	sld [smem:$0x3F8F];
	s0 =	simm.s32 @p0 $0x1  }
0x13: {  	[smem:$0x3FAA] =	sst s0;
	s0 =	simm.s32 @!p1 $0x0  }
0x14: {  	s2 =	sld [smem:$0x3F8E];
	s0 =	simm.s32 @p1 $0x1  }
0x15: {  	[smem:$0x3FAB] =	sst s0;
	s0 =	simm.s32 @!p2 $0x0  }
0x16: {  	s3 =	sld [smem:$0x3FDB];
	s0 =	simm.s32 @p2 $0x1  }
0x17: {  	s4 =	simm.s32 $0x1BF5;
	[smem:$0x3FAD] =	sst s0  }
0x18: {  	s0 =	sld [smem:$0x3F90];
	_ =	swait.ge [sflag:s4], $0x0  }
0x19: {  	s7 =	sld [smem:$0x3F91]  }
0x1a: {  	s8 =	sadd.s32 $0xFFFFE003, lr  }
0x1b: {  	s9 =	sadd.s32 $0xFFFFFEF7, lr;
	s5 =	simm.s32 $0xFFFFFFFF;
	p2 =	slt.u32 s8, $0xFFFFF086  }
0x1c: {  	p1 =	slt.u32 s9, $0xF7A;
	s5 =	simm.s32 @!p2 $0x0  }
0x1d: {  	s5 =	simm.s32 @p1 $0x1;
	p0 =	seq.s32 s7, s2  }
0x1e: {  	s7 =	smul.u32 @!p0 $0xF7A, s2;
	p2 =	seq.s32 @!p0 s5, $0x0  }
0x1f: {  	s9 =	smul.u32 $0xF7A, s1;
	s8 =	simm.s32 @!p0 $0x1BF5;
	p2 =	por !p2, p0  }
0x20: {  	[sflag:s8] =	ssyncset.s32 @!p0 $0xFFFFF086;
	s6 =	sadd.s32 @!p0 s3, s7;
	s7 =	simm.s32 @!p0 $0x108  }
0x21: {  	s3 =	sadd.s32 s3, s9;
	s6 =	sadd.s32 @!p0 $0x88, s6;
	s7 =	simm.s32 @p2 $0x1082  }
0x22: {  	[simem:s7], [sflag:s8] =	dma.local @!p0 [hbm:s6], $0xF7A  }
0x23: {  	s9 =	sor.u32 $0xD0000000, s2;
	s6 =	simm.s32 $0x108;
	_ =	swait.ge @!p0 [sflag:s8], $0x0  }
0x24: {  	s3 =	sadd.s32 $0x88, s3;
	s6 =	simm.s32 @!p1 $0x1082;
	[sflag:s4] =	ssyncset.s32 $0xFFFFF086  }
0x25: {  	[simem:s6], [sflag:s4] =	dma.local [hbm:s3], $0xF7A  }
0x26: {  	[smem:$0x3F91] =	sst s1;
	(tag) =	ssettag s2;
	_ =	strace s9  }
0x27: {  	s1 =	sld [smem:$0x3FA1]  }
0x28: {  	s2 =	sld [smem:$0x3FA2]  }
0x29: {  	s4 =	sld [smem:$0x3FA4]  }
0x2a: {  	p0 =	seq.s32 s5, $0x0;
	s5 =	sld [smem:$0x3FA5]  }
0x2b: {  	s6 =	sld [smem:$0x3FA6]  }
0x2c: {  	s7 =	sld [smem:$0x3FA7]  }
0x2d: {  	s3 =	simm.s32 $0x108;
	s8 =	sld [smem:$0x3FA8]  }
0x2e: {  	s3 =	simm.s32 @!p0 $0x1082;
	s9 =	sld [smem:$0x3FA9]  }
0x2f: {  	lr =	sadd.s32 s0, s3;
	s0 =	sld [smem:$0x3FA0]  }
0x30: {  	s3 =	sld [smem:$0x3FA3]  }
0x31: {  	[smem:$0x3FAC] =	sst s10  }
0x32: {  	s10 =	sld [smem:$0x3FAA];
	_ =	sdelay $0x3  }
0x33: {  	p0 =	seq.s32 s10, $0x1;
	s10 =	sld [smem:$0x3FAC];
	_ =	sdelay $0x3  }
0x34: {  	[smem:$0x3FAC] =	sst s10  }
0x35: {  	s10 =	sld [smem:$0x3FAB];
	_ =	sdelay $0x3  }
0x36: {  	p1 =	seq.s32 s10, $0x1;
	s10 =	sld [smem:$0x3FAC];
	_ =	sdelay $0x3  }
0x37: {  	[smem:$0x3FAC] =	sst s10  }
0x38: {  	s10 =	sld [smem:$0x3FAD]  }
0x39: {  	_ = 	snop;
	(pc) =	sbr.ind lr, $3  }
0x3a: {  	_ = 	snop  }
0x3b: {  	_ = 	snop  }
0x3c: {  	p2 =	seq.s32 s10, $0x1;
	s10 =	sld [smem:$0x3FAC]  }
0x3d: {  	_ =	shalt  }
0x3e: {  	_ =	shalt  }
0x3f: {  	_ =	shalt  }
0x40: {  	_ =	shalt  }
0x41: {  	_ =	shalt  }
0x42: {  	_ =	shalt  }
0x43: {  	_ =	shalt  }
0x44: {  	_ =	shalt  }
0x45: {  	_ =	shalt  }
0x46: {  	_ =	shalt  }
0x47: {  	_ =	shalt  }
0x48: {  	_ =	shalt  }
0x49: {  	_ =	shalt  }
0x4a: {  	_ =	shalt  }
0x4b: {  	_ =	shalt  }
0x4c: {  	_ =	shalt  }
0x4d: {  	_ =	shalt  }
0x4e: {  	_ =	shalt  }
0x4f: {  	_ =	shalt  }
0x50: {  	_ =	shalt  }
0x51: {  	_ =	shalt  }
0x52: {  	_ =	shalt  }
0x53: {  	_ =	shalt  }
0x54: {  	_ =	shalt  }
0x55: {  	_ =	shalt  }
0x56: {  	_ =	shalt  }
0x57: {  	_ =	shalt  }
0x58: {  	_ =	shalt  }
0x59: {  	_ =	shalt  }
0x5a: {  	_ =	shalt  }
0x5b: {  	_ =	shalt  }
0x5c: {  	_ =	shalt  }
0x5d: {  	_ =	shalt  }
0x5e: {  	_ =	shalt  }
0x5f: {  	_ =	shalt  }
0x60: {  	_ =	shalt  }
0x61: {  	_ =	shalt  }
0x62: {  	_ =	shalt  }
0x63: {  	_ =	shalt  }
0x64: {  	_ =	shalt  }
0x65: {  	_ =	shalt  }
0x66: {  	_ =	shalt  }
0x67: {  	_ =	shalt  }
0x68: {  	_ =	shalt  }
0x69: {  	_ =	shalt  }
0x6a: {  	_ =	shalt  }
0x6b: {  	_ =	shalt  }
0x6c: {  	_ =	shalt  }
0x6d: {  	_ =	shalt  }
0x6e: {  	_ =	shalt  }
0x6f: {  	_ =	shalt  }
0x70: {  	_ =	shalt  }
0x71: {  	_ =	shalt  }
0x72: {  	_ =	shalt  }
0x73: {  	_ =	shalt  }
0x74: {  	_ =	shalt  }
0x75: {  	_ =	shalt  }
0x76: {  	_ =	shalt  }
0x77: {  	_ =	shalt  }
0x78: {  	_ =	shalt  }
0x79: {  	_ =	shalt  }
0x7a: {  	_ =	shalt  }
0x7b: {  	_ =	shalt  }
0x7c: {  	_ =	shalt  }
0x7d: {  	_ =	shalt  }
0x7e: {  	_ =	shalt  }
0x7f: {  	_ =	shalt  }
0x80: {  	_ =	shalt  }
0x81: {  	_ =	shalt  }
0x82: {  	_ =	shalt  }
0x83: {  	_ =	shalt  }
0x84: {  	_ =	shalt  }
0x85: {  	_ =	shalt  }
0x86: {  	_ =	shalt  }
0x87: {  	_ =	shalt  }
.Lfunc_end0:
.L_simem_size_0:
called_computation.1_lowered:
.L_overlay_start_0:
0x88: {  	s2 =	sld [smem:$0x3FD9]  }
0x89: {  	s3 =	sld [smem:$0x3FFE];
	_ =	sdelay $0x1  }
0x8a: {  	s1 =	srdreg.scid  }
0x8b: {  	s0 =	sand.u32 $0x1, s1  }
0x8c: {  	s16 =	sshll.u32 s0, $0xA;
	s2 =	sadd.s32 s3, s2  }
0x8d: {  	s2 =	sadd.s32 s2, s16  }
0x8e: {  	[smem:$0x3FB8] =	sst s2  }
0x8f: {  	_ = 	snop  }
0x90: {  	(tm) =	ssettm $0x1  }
0x91: {  	s17 =	sld [smem:$0x3FFB];
	_ =	sdelay $0x3  }
0x92: {  	_ =	strace s17  }
0x93: {  	s2 =	sld [smem:$0x3FFC];
	_ =	sdelay $0x3  }
0x94: {  	_ =	strace s2  }
0x95: {  	s2 =	sld [smem:$0x3FFD];
	_ =	sdelay $0x3  }
0x96: {  	_ =	strace s2  }
0x97: {  	_ =	strace $0x8FFFFFFF  }
0x98: {  	s18 =	sld [smem:$0x3FDB];
	_ =	sdelay $0x1  }
0x99: {  	s19 =	simm.s32 $_scs_section_size  }
0x9a: {  	s4 =	simm.s32 $_size__tile_overlayer_lowered;
	s5 =	simm.s32 $_tile_overlayer_lowered  }
0x9b: {  	s22 =	simm.s32 $0x1BFF;
	s21 =	sshll.u32 s5, $0x1;
	s2 =	sadd.s32 s19, s18  }
0x9c: {  	s6 =	simm.s32 $0x0;
	s20 =	sshll.u32 s4, $0x1;
	s4 =	sadd.s32 s21, s2  }
0x9d: {  	[timem:s6], [sflag:s22] =	dma.local [hbm:s4], s20  }
0x9e: {  	_ =	swait.ge [sflag:s22], s20  }
0x9f: {  	s3 =	ssub.s32 $0x0, s20;
	[sflag:s22] =	ssyncset.done $0x0  }
0xa0: {  	[sflag:s22] =	ssyncadd.s32 s3;
	_ =	sdelay $0x1  }
0xa1: {  	s23 =	simm.s32 $0x1B8B  }
0xa2: {  	_ =	swait.ge [sflag:s23], $0x1  }
0xa3: {  	[sflag:s23] =	ssyncset.done $0x0  }
0xa4: {  	s25 =	simm.s32 $0x1B8E;
	s24 =	sld [smem:$0x3FFE];
	[sflag:s23] =	ssyncadd.s32 $0xFFFFFFFF  }
0xa5: {  	s26 =	simm.s32 $execute0_lowered;
	[smem:$0x3FD2] =	sst s25  }
0xa6: {  	s4 =	sshll.u32 s26, $0x1;
	_ =	strace $0x80000049;
	[dreg:$0x1] =	wrdreg $0xFFFFFFFF  }
0xa7: {  	s28 =	simm.s32 $_size_execute0_lowered;
	s2 =	sadd.s32 s2, s4;
	[dreg:$0x0] =	wrdreg $0x0  }
0xa8: {  	s4 =	sshll.u32 s28, $0x1;
	[dreg:$0x2] =	wrdreg s2  }
0xa9: {  	[dreg:$0x3] =	wrdreg s4  }
0xaa: {  	[dreg:$0x4] =	wrdreg $0xC0  }
0xab: {  	_ =	task [dreg:s6], $0x5FFFF  }
0xac: {  	[dreg:$0x1] =	wrdreg $0xFFFFFFFF  }
0xad: {  	[dreg:$0x0] =	wrdreg $0x60  }
0xae: {  	[dreg:$0x2] =	wrdreg s24  }
0xaf: {  	[dreg:$0x3] =	wrdreg $0xB7800  }
0xb0: {  	[dreg:$0x4] =	wrdreg $0x9  }
0xb1: {  	_ =	task.clear_ibuf [dreg:s6], $0x5FFFF;
	_ =	strace $0x90000049  }
0xb2: {  	s29 =	simm.s32 $0x9;
	_ =	strace $0x8000004B  }
0xb3: {  	_ =	swait.ge [sflag:s29], $0x1  }
0xb4: {  	[sflag:s29] =	ssyncadd.s32 $0xFFFFFFFF  }
0xb5: {  	_ =	strace $0x9000004B  }
0xb6: {  	_ =	sfence  }
0xb7: {  	s30 =	sld [smem:$0x0];
	_ =	sdelay $0x2  }
0xb8: {  	s31 =	sshll.u32 s1, $0xD;
	s1 =	sshrl.u32 s1, $0x2  }
0xb9: {  	s3 =	sand.u32 $0x4000, s31;
	s1 =	sadd.s32 s1, s30  }
0xba: {  	s0 =	sor.u32 s3, s0;
	s1 =	sshll.u32 s1, $0x11  }
0xbb: {  	s0 =	sor.u32 s1, s0  }
0xbc: {  	s0 =	sadd.s32 $0x8F2B, s0  }
0xbd: {  	[sflag:s0] =	ssyncadd.remote.s32 $0x1  }
0xbe: {  	_ =	sfence.sel $0xFFFF  }
0xbf: {  	[dreg:$0x0] =	wrdreg $0xFFFFFFFF;
	(pc) =	sbr.abs _section_cstart, $3  }
0xc0: {  	[dreg:$0x1] =	wrdreg $0xFFFFFFFF  }
0xc1: {  	_ =	task.clear_ibuf [dreg:s6], $0x2FFFF;
	_ =	strace $0x9FFFFFFF  }
0xc2: {  	(tm) =	ssettm $0x7FFFFFFF  }
0xc3: {  	_ =	shalt  }
tec
execute0_lowered:
.L_overlay_start_1:
0x0: {  	(tag) =	ssettag $0x1  }
0x1: {  	s0 =	srdreg.scid  }
0x2: {  	s8 =	stileid.u32;
	s3 =	rddreg [dreg:$0x0]  }
0x3: {  	s2 =	rddreg [dreg:$0x1];
	s6 =	simm.s32 $0x0;
	s19 =	simm.s32 $0x2780  }
0x4: {  	s20 =	simm.s32 $0x1;
	s28 =	simm.s32 $0x7B80;
	s29 =	simm.s32 $0x3  }
0x5: {  	s30 =	simm.s32 $0x5;
	s31 =	simm.s32 $0x2;
	s22 =	smul.u32 $0x14000, s8  }
0x6: {  	s17 =	simm.s32 $0x0;
	s4 =	sshrl.u32 s8, $0x2;
	s23 =	smul.u32 $0x50000, s8  }
0x7: {  	s0 =	sand.u32 $0x1, s0;
	s1 =	sshll.u32 s8, $0x1;
	s4 =	smul.u32 $0x13C00, s4  }
0x8: {  	[smem:$0x7FF] =	sst s6;
	s1 =	sor.u32 s0, s1;
	s21 =	smul.u32 $0x140000, s0  }
0x9: {  	_ =	strace $0x8000004A;
	s0 =	ssub.s32 $0x2, s0;
	s5 =	sshll.u32 s1, $0x7  }
0xa: {  	s1 =	sshll.u32 s1, $0xB;
	s24 =	sshrl.u32 s0, $0x1;
	s25 =	sshrl.u32 s23, $0x2  }
0xb: {  	s23 =	simm.s32 $0xA380;
	s5 =	sand.u32 $0x380, s5;
	s1 =	sadd.s32 s1, s3  }
0xc: {  	s0 =	ssub.s32 s0, s24;
	s24 =	simm.s32 $0x6780;
	s4 =	sor.u32 s4, s5  }
0xd: {  	s5 =	sadd.s32 s22, s21;
	s6 =	sadd.s32 $0x3000, s1;
	s16 =	smax.u32 s0, $0x1  }
0xe: {  	s21 =	simm.s32 $0x28;
	s22 =	simm.s32 $0x8F80;
	s1 =	simm.s32 $0x4  }
0xf: {  	s0 =	simm.s32 $0x6;
	s4 =	sshrl.u32 s4, $0x3;
	s5 =	sshrl.u32 s5, $0x3  }
0x10: {  	s7 =	sadd.s32 s4, s3;
	s4 =	sadd.s32 $0x1CE00, s3;
	s3 =	sadd.s32 s5, s3  }
0x11: {  	s26 =	sadd.s32 $0x13000, s7;
	s7 =	sadd.s32 s25, s2;
	s15 =	sadd.s32 $0x44000, s3  }
0x12: {  	s25 =	simm.s32 $0x50;
	[dreg:$0x3] =	wrdreg s26;
	s8 =	sadd.s32 $0x2800, s7  }
0x13: {  	s9 =	sadd.s32 $0x5000, s7;
	s10 =	sadd.s32 $0x7800, s7;
	s11 =	sadd.s32 $0xA000, s7  }
0x14: {  	v0 =	vimm.f32 $0.0e+00;
	s12 =	sadd.s32 $0xC800, s7;
	s13 =	sadd.s32 $0xF000, s7;
	s14 =	sadd.s32 $0x11800, s7  }
.LBB2_1:
0x15: {  	s3 =	simm.s32 $0x0  }
0x16: {  	s5 =	rddreg [dreg:$0x3];
	s18 =	simm.s32 $0x80;
	s26 =	simm.s32 $0x400  }
0x17: {  	[tilespmem:s3], [sflag:$0x1] =	stream.strided.gather [hbm4b:s5+s18], $0x2780, s26, s18, $0x38;
	[tilespmem:$0x1F780] =	vst v63  }
0x18: {  	s18 =	simm.s32 $0x0;
	s26 =	simm.s32 $0x200  }
0x19: {  	[tilespmem:s19], [sflag:$0x1] =	stream.linear.gather [hbm4b:s6+s3], $0x3E80, $0x38;
	[tilespmem:$0x1F780] =	vst v63  }
.LBB2_2:
0x1a: {  	p0 =	sne.s32 s26, $0x9E00;
	[tilespmem:s18+$0x67F0] =	vst v0  }
0x1b: {  	[tilespmem:s18+$0x6780] =	vst v0  }
0x1c: {  	[tilespmem:s18+$0x6790] =	vst v0  }
.Ltmp0:
0x1d: {  	[tilespmem:s18+$0x67A0] =	vst v0;
	(pc) =	sbr.rel @p0 .LBB2_2-.Ltmp0, $4  }
0x1e: {  	[tilespmem:s18+$0x67B0] =	vst v0  }
0x1f: {  	[tilespmem:s18+$0x67C0] =	vst v0  }
0x20: {  	[tilespmem:s18+$0x67D0] =	vst v0  }
0x21: {  	[tilespmem:s18+$0x67E0] =	vst v0;
	s18 =	sshra.s32 s26, $0x2;
	s26 =	sadd.s32 $0x200, s26  }
0x22: {  	[tilespmem:s18+$0x67F0] =	vst v0  }
0x23: {  	[tilespmem:s18+$0x6780] =	vst v0  }
0x24: {  	[tilespmem:s18+$0x6790] =	vst v0  }
0x25: {  	[tilespmem:s18+$0x67A0] =	vst v0  }
0x26: {  	[tilespmem:s18+$0x67B0] =	vst v0  }
0x27: {  	[tilespmem:s18+$0x67C0] =	vst v0  }
0x28: {  	[tilespmem:s18+$0x67D0] =	vst v0  }
0x29: {  	[tilespmem:s18+$0x67E0] =	vst v0  }
0x2a: {  	_ =	swait.ge [sflag:s20], $0x2780  }
0x2b: {  	[sflag:s20] =	ssyncset.done $0x0  }
0x2c: {  	[sflag:s20] =	ssyncadd.s32 $0xFFFFD880  }
0x2d: {  	_ =	swait.ge [sflag:s20], $0x3E80  }
0x2e: {  	[sflag:s20] =	ssyncset.done $0x0  }
0x2f: {  	s3 =	simm.s32 $0x0;
	[sflag:s20] =	ssyncadd.s32 $0xFFFFC180  }
0x30: {  	[tilespmem:s22], [sflag:$0x3] =	stream.indirect.gather [hbm4b:s4+s21], $0x80, s3, s21, $0xb8;
	[tilespmem:$0x1F780] =	vst v63  }
0x31: {  	_ = 	snop  }
0x32: {  	[tilespmem:s23], [sflag:$0x3] =	stream.indirect.gather [hbm4b:s4+s21], $0x80, s21, s21, $0xb8;
	[tilespmem:$0x1F780] =	vst v63  }
0x33: {  	_ = 	snop  }
0x34: {  	[spmem:s7] =	stream.linear.scatter [tilespmem:s24], [sflag:$0x1], $0x2800, $0x38;
	[tilespmem:$0x1F780] =	vst v63  }
0x35: {  	_ = 	snop  }
0x36: {  	[spmem:s8] =	stream.linear.scatter [tilespmem:s24], [sflag:$0x1], $0x2800, $0x38;
	[tilespmem:$0x1F780] =	vst v63  }
0x37: {  	_ = 	snop  }
0x38: {  	[spmem:s9] =	stream.linear.scatter [tilespmem:s24], [sflag:$0x1], $0x2800, $0x38;
	[tilespmem:$0x1F780] =	vst v63  }
0x39: {  	_ = 	snop  }
0x3a: {  	[spmem:s10] =	stream.linear.scatter [tilespmem:s24], [sflag:$0x1], $0x2800, $0x38;
	[tilespmem:$0x1F780] =	vst v63  }
0x3b: {  	_ = 	snop  }
0x3c: {  	[spmem:s11] =	stream.linear.scatter [tilespmem:s24], [sflag:$0x1], $0x2800, $0x38;
	[tilespmem:$0x1F780] =	vst v63  }
0x3d: {  	_ = 	snop  }
0x3e: {  	[spmem:s12] =	stream.linear.scatter [tilespmem:s24], [sflag:$0x1], $0x2800, $0x38;
	[tilespmem:$0x1F780] =	vst v63  }
0x3f: {  	_ = 	snop  }
0x40: {  	[spmem:s13] =	stream.linear.scatter [tilespmem:s24], [sflag:$0x1], $0x2800, $0x38;
	[tilespmem:$0x1F780] =	vst v63  }
0x41: {  	_ = 	snop  }
0x42: {  	[spmem:s14] =	stream.linear.scatter [tilespmem:s24], [sflag:$0x1], $0x2800, $0x38;
	[tilespmem:$0x1F780] =	vst v63  }
0x43: {  	_ =	swait.ge [sflag:s20], $0x2800  }
0x44: {  	[sflag:s20] =	ssyncset.done $0x0  }
0x45: {  	[sflag:s20] =	ssyncadd.s32 $0xFFFFD800  }
0x46: {  	_ =	swait.ge [sflag:s20], $0x2800  }
0x47: {  	[sflag:s20] =	ssyncset.done $0x0  }
0x48: {  	[sflag:s20] =	ssyncadd.s32 $0xFFFFD800  }
0x49: {  	_ =	swait.ge [sflag:s20], $0x2800  }
0x4a: {  	[sflag:s20] =	ssyncset.done $0x0  }
0x4b: {  	[sflag:s20] =	ssyncadd.s32 $0xFFFFD800  }
0x4c: {  	_ =	swait.ge [sflag:s20], $0x2800  }
0x4d: {  	[sflag:s20] =	ssyncset.done $0x0  }
0x4e: {  	[sflag:s20] =	ssyncadd.s32 $0xFFFFD800  }
0x4f: {  	_ =	swait.ge [sflag:s20], $0x2800  }
0x50: {  	[sflag:s20] =	ssyncset.done $0x0  }
0x51: {  	[sflag:s20] =	ssyncadd.s32 $0xFFFFD800  }
0x52: {  	_ =	swait.ge [sflag:s20], $0x2800  }
0x53: {  	[sflag:s20] =	ssyncset.done $0x0  }
0x54: {  	[sflag:s20] =	ssyncadd.s32 $0xFFFFD800  }
0x55: {  	_ =	swait.ge [sflag:s20], $0x2800  }
0x56: {  	[sflag:s20] =	ssyncset.done $0x0  }
0x57: {  	[sflag:s20] =	ssyncadd.s32 $0xFFFFD800  }
0x58: {  	_ =	swait.ge [sflag:s20], $0x2800  }
0x59: {  	[sflag:s20] =	ssyncset.done $0x0  }
0x5a: {  	[sflag:s20] =	ssyncadd.s32 $0xFFFFD800  }
0x5b: {  	[bflag:$0x0] =	sbarrier.arrive $0xFFFF  }
0x5c: {  	[tilespmem:s24], [sflag:$0x2] =	stream.indirect.gather [hbm4b:s4+s21], $0x80, s25, s21, $0xb8;
	[tilespmem:$0x1F780] =	vst v63  }
0x5d: {  	s5 =	simm.s32 $0x78  }
0x5e: {  	[tilespmem:s28], [sflag:$0x2] =	stream.indirect.gather [hbm4b:s4+s21], $0x80, s5, s21, $0xb8;
	[tilespmem:$0x1F780] =	vst v63  }
0x5f: {  	_ =	swait.ge [sflag:s29], $0x1400  }
0x60: {  	[sflag:s29] =	ssyncset.done $0x0  }
0x61: {  	[sflag:s29] =	ssyncadd.s32 $0xFFFFEC00  }
0x62: {  	_ =	swait.ge [sflag:s29], $0x1400  }
0x63: {  	[sflag:s29] =	ssyncset.done $0x0  }
0x64: {  	[sflag:s29] =	ssyncadd.s32 $0xFFFFEC00  }
0x65: {  	[spmem:s2] =	stream.indirect.scatter.add.f32 [tilespmem:s22], [sflag:$0x5], $0x80, s19, s25, $0xb8;
	[tilespmem:$0x1F780] =	vst v63  }
0x66: {  	_ =	swait.ge [sflag:s30], $0x2800  }
0x67: {  	[sflag:s30] =	ssyncset.done $0x0  }
0x68: {  	s18 =	simm.s32 $0xA0;
	[sflag:s30] =	ssyncadd.s32 $0xFFFFD800  }
0x69: {  	[tilespmem:s22], [sflag:$0x3] =	stream.indirect.gather [hbm4b:s4+s21], $0x80, s18, s21, $0xb8;
	[tilespmem:$0x1F780] =	vst v63  }
0x6a: {  	s26 =	simm.s32 $0xC8  }
0x6b: {  	[tilespmem:s23], [sflag:$0x3] =	stream.indirect.gather [hbm4b:s4+s21], $0x80, s26, s21, $0xb8;
	[tilespmem:$0x1F780] =	vst v63  }
0x6c: {  	_ =	swait.ge [sflag:s31], $0x1400  }
0x6d: {  	[sflag:s31] =	ssyncset.done $0x0  }
0x6e: {  	[sflag:s31] =	ssyncadd.s32 $0xFFFFEC00  }
0x6f: {  	_ =	swait.ge [sflag:s31], $0x1400  }
0x70: {  	[sflag:s31] =	ssyncset.done $0x0  }
0x71: {  	s5 =	simm.s32 $0x2800;
	[sflag:s31] =	ssyncadd.s32 $0xFFFFEC00  }
0x72: {  	[spmem:s2] =	stream.indirect.scatter.add.f32 [tilespmem:s24], [sflag:$0x4], $0x80, s5, s25, $0xb8;
	[tilespmem:$0x1F780] =	vst v63  }
0x73: {  	_ =	swait.ge [sflag:s1], $0x2800  }
0x74: {  	[sflag:s1] =	ssyncset.done $0x0  }
0x75: {  	s18 =	simm.s32 $0xF0;
	[sflag:s1] =	ssyncadd.s32 $0xFFFFD800  }
0x76: {  	[tilespmem:s24], [sflag:$0x2] =	stream.indirect.gather [hbm4b:s4+s21], $0x80, s18, s21, $0xb8;
	[tilespmem:$0x1F780] =	vst v63  }
0x77: {  	s26 =	simm.s32 $0x118  }
0x78: {  	[tilespmem:s28], [sflag:$0x2] =	stream.indirect.gather [hbm4b:s4+s21], $0x80, s26, s21, $0xb8;
	[tilespmem:$0x1F780] =	vst v63  }
0x79: {  	_ =	swait.ge [sflag:s29], $0x1400  }
0x7a: {  	[sflag:s29] =	ssyncset.done $0x0  }
0x7b: {  	[sflag:s29] =	ssyncadd.s32 $0xFFFFEC00  }
0x7c: {  	_ =	swait.ge [sflag:s29], $0x1400  }
0x7d: {  	s3 =	simm.s32 $0x2880;
	[sflag:s29] =	ssyncset.done $0x0  }
0x7e: {  	s18 =	simm.s32 $0x280;
	s26 =	simm.s32 $0x2900;
	[sflag:s29] =	ssyncadd.s32 $0xFFFFEC00  }
.LBB2_4:
0x7f: {  	[spmem:s2] =	stream.indirect.scatter.add.f32 [tilespmem:s22], [sflag:$0x5], $0x80, s3, s25, $0xb8;
	[tilespmem:$0x1F780] =	vst v63  }
0x80: {  	s3 =	smov.u32 s18  }
0x81: {  	p0 =	sne.s32 s18, $0x9600;
	s18 =	sadd.s32 $0x280, s18;
	_ =	swait.ge [sflag:s30], $0x2800  }
0x82: {  	s3 =	sshra.s32 s3, $0x2;
	[sflag:s30] =	ssyncset.done $0x0  }
0x83: {  	s5 =	sadd.s32 $0xA0, s3;
	[sflag:s30] =	ssyncadd.s32 $0xFFFFD800  }
0x84: {  	[tilespmem:s22], [sflag:$0x3] =	stream.indirect.gather [hbm4b:s4+s21], $0x80, s5, s21, $0xb8;
	[tilespmem:$0x1F780] =	vst v63  }
0x85: {  	s5 =	sadd.s32 $0xC8, s3  }
0x86: {  	[tilespmem:s23], [sflag:$0x3] =	stream.indirect.gather [hbm4b:s4+s21], $0x80, s5, s21, $0xb8;
	[tilespmem:$0x1F780] =	vst v63  }
0x87: {  	_ =	swait.ge [sflag:s31], $0x1400  }
0x88: {  	[sflag:s31] =	ssyncset.done $0x0  }
0x89: {  	[sflag:s31] =	ssyncadd.s32 $0xFFFFEC00  }
0x8a: {  	_ =	swait.ge [sflag:s31], $0x1400  }
0x8b: {  	[sflag:s31] =	ssyncset.done $0x0  }
0x8c: {  	[sflag:s31] =	ssyncadd.s32 $0xFFFFEC00  }
0x8d: {  	[spmem:s2] =	stream.indirect.scatter.add.f32 [tilespmem:s24], [sflag:$0x4], $0x80, s26, s25, $0xb8;
	[tilespmem:$0x1F780] =	vst v63  }
0x8e: {  	_ =	swait.ge [sflag:s1], $0x2800  }
0x8f: {  	[sflag:s1] =	ssyncset.done $0x0  }
0x90: {  	s5 =	sadd.s32 $0xF0, s3;
	[sflag:s1] =	ssyncadd.s32 $0xFFFFD800  }
0x91: {  	[tilespmem:s24], [sflag:$0x2] =	stream.indirect.gather [hbm4b:s4+s21], $0x80, s5, s21, $0xb8;
	[tilespmem:$0x1F780] =	vst v63  }
0x92: {  	s3 =	sadd.s32 $0x118, s3  }
0x93: {  	[tilespmem:s28], [sflag:$0x2] =	stream.indirect.gather [hbm4b:s4+s21], $0x80, s3, s21, $0xb8;
	[tilespmem:$0x1F780] =	vst v63  }
0x94: {  	_ =	swait.ge [sflag:s29], $0x1400  }
.Ltmp1:
0x95: {  	[sflag:s29] =	ssyncset.done $0x0;
	(pc) =	sbr.rel @p0 .LBB2_4-.Ltmp1, $4  }
0x96: {  	[sflag:s29] =	ssyncadd.s32 $0xFFFFEC00  }
0x97: {  	_ =	swait.ge [sflag:s29], $0x1400  }
0x98: {  	[sflag:s29] =	ssyncset.done $0x0  }
0x99: {  	s3 =	sadd.s32 $0x80, s26;
	s26 =	sadd.s32 $0x100, s26;
	[sflag:s29] =	ssyncadd.s32 $0xFFFFEC00  }
0x9a: {  	[spmem:s2] =	stream.indirect.scatter.add.f32 [tilespmem:s22], [sflag:$0x5], $0x80, s3, s25, $0xb8;
	[tilespmem:$0x1F780] =	vst v63  }
0x9b: {  	_ =	swait.ge [sflag:s30], $0x2800  }
0x9c: {  	[sflag:s30] =	ssyncset.done $0x0  }
0x9d: {  	s18 =	simm.s32 $0x26C0;
	[sflag:s30] =	ssyncadd.s32 $0xFFFFD800  }
0x9e: {  	[tilespmem:s22], [sflag:$0x3] =	stream.indirect.gather [hbm4b:s4+s21], $0x80, s18, s21, $0xb8;
	[tilespmem:$0x1F780] =	vst v63  }
0x9f: {  	s26 =	simm.s32 $0x26E8  }
0xa0: {  	[tilespmem:s23], [sflag:$0x3] =	stream.indirect.gather [hbm4b:s4+s21], $0x80, s26, s21, $0xb8;
	[tilespmem:$0x1F780] =	vst v63  }
0xa1: {  	_ =	swait.ge [sflag:s31], $0x1400  }
0xa2: {  	[sflag:s31] =	ssyncset.done $0x0  }
0xa3: {  	[sflag:s31] =	ssyncadd.s32 $0xFFFFEC00  }
0xa4: {  	_ =	swait.ge [sflag:s31], $0x1400  }
0xa5: {  	[sflag:s31] =	ssyncset.done $0x0  }
0xa6: {  	s5 =	simm.s32 $0x6500;
	[sflag:s31] =	ssyncadd.s32 $0xFFFFEC00  }
0xa7: {  	[spmem:s2] =	stream.indirect.scatter.add.f32 [tilespmem:s24], [sflag:$0x4], $0x80, s5, s25, $0xb8;
	[tilespmem:$0x1F780] =	vst v63  }
0xa8: {  	_ =	swait.ge [sflag:s1], $0x2800  }
0xa9: {  	[sflag:s1] =	ssyncset.done $0x0  }
0xaa: {  	[sflag:s1] =	ssyncadd.s32 $0xFFFFD800  }
0xab: {  	_ =	swait.ge [sflag:s29], $0x1400  }
0xac: {  	[sflag:s29] =	ssyncset.done $0x0  }
0xad: {  	[sflag:s29] =	ssyncadd.s32 $0xFFFFEC00  }
0xae: {  	_ =	swait.ge [sflag:s29], $0x1400  }
0xaf: {  	[sflag:s29] =	ssyncset.done $0x0  }
0xb0: {  	s18 =	simm.s32 $0x6580;
	[sflag:s29] =	ssyncadd.s32 $0xFFFFEC00  }
0xb1: {  	[spmem:s2] =	stream.indirect.scatter.add.f32 [tilespmem:s22], [sflag:$0x5], $0x80, s18, s25, $0xb8;
	[tilespmem:$0x1F780] =	vst v63  }
0xb2: {  	s26 =	stileid.u32;
	_ =	swait.ge [sflag:s30], $0x2800  }
0xb3: {  	s17 =	sadd.s32 $0x1, s17;
	s3 =	sshll.u32 s26, $0x6;
	[sflag:s30] =	ssyncset.done $0x0  }
0xb4: {  	p0 =	sne.s32 s17, s16;
	s3 =	sor.u32 $0x1C06, s3;
	[sflag:s30] =	ssyncadd.s32 $0xFFFFD800  }
.Ltmp2:
0xb5: {  	s5 =	sshrl.u32 s7, $0x3;
	[bflag:$0x0] =	sbarrier.arrive $0xFFFF;
	(pc) =	sbr.rel @p0 .LBB2_1-.Ltmp2, $4  }
0xb6: {  	[hbm:s15], [sflag:s3] =	dma.local [spmem:s5], $0x2800  }
0xb7: {  	_ =	swait.ge [sflag:s0], $0x2800  }
0xb8: {  	[sflag:s0] =	ssyncset.done $0x0  }
0xb9: {  	[sflag:s0] =	ssyncadd.s32 $0xFFFFD800  }
0xba: {  	_ =	sfence.sel $0x180000  }
0xbb: {  	[bflag:$0x0] =	sbarrier.arrive $0xFFFF  }
0xbc: {  	_ =	strace $0x9000004A  }
0xbd: {  	s0 =	stileid.u32;
	[bflag:$0x2] =	sbarrier.arrive $0xFFFF  }
0xbe: {  	p0 =	sne.s32 s0, $0x0;
	s0 =	rddreg [dreg:$0x2]  }
0xbf: {  	s0 =	sadd.s32 @!p0 $0x100000, s0  }
0xc0: {  	[sflag:s0] =	ssyncadd.tile.s32 @!p0 $0x1;
	_ =	shalt  }
.Lfunc_end2:
_tile_overlayer_lowered:
.L_overlay_start_2:
0xc1: {  	(tag) =	ssettag $0x2  }
0xc2: {  	s0 =	rddreg [dreg:$0x0];
	s2 =	stileid.u32  }
0xc3: {  	s1 =	rddreg [dreg:$0x1];
	p0 =	sne.s32 s2, $0x0  }
0xc4: {  	s3 =	rddreg [dreg:$0x2];
	[bflag:$0x3] =	sbarrier.arrive $0xFFFF;
	s2 =	simm.s32 @!p0 $0x1C06  }
0xc5: {  	[timem:s3], [sflag:s2] =	dma.local @!p0 [hbm:s0], s1  }
0xc6: {  	s0 =	simm.s32 @!p0 $0x6  }
0xc7: {  	_ =	swait.ge @!p0 [sflag:s0], s1  }
0xc8: {  	s1 =	ssub.s32 @!p0 $0x0, s1;
	[sflag:s0] =	ssyncset.done @!p0 $0x0  }
0xc9: {  	[sflag:s0] =	ssyncadd.s32 @!p0 s1  }
0xca: {  	[bflag:$0x3] =	sbarrier.arrive $0xFFFF  }
0xcb: {  	_ =	shalt  }

// kernel: kernel.14.cloned.1.call-start
scs
__scs_entry_jumppad:
0x0: {  	(pc) =	sbr.rel $0x88, $3  }
0x1: {  	(tag) =	ssettag $0x0;
	lr =	simm.s32 $0x1  }
0x2: {  	[smem:$0x3F91] =	sst lr;
	_ =	strace $0xD0000000  }
0x3: {  	_ = 	snop  }
0x4: {  	_ = 	snop  }
0x5: {  	_ = 	snop  }
0x6: {  	_ = 	snop  }
0x7: {  	_ = 	snop  }
__scs_overlays_trampoline_lowered:
0x8: {  	[smem:$0x3FA0] =	sst s0  }
0x9: {  	[smem:$0x3FA1] =	sst s1  }
0xa: {  	[smem:$0x3FA2] =	sst s2  }
0xb: {  	[smem:$0x3FA3] =	sst s3  }
0xc: {  	[smem:$0x3FA4] =	sst s4  }
0xd: {  	[smem:$0x3FA5] =	sst s5  }
0xe: {  	[smem:$0x3FA6] =	sst s6  }
0xf: {  	[smem:$0x3FA7] =	sst s7  }
0x10: {  	[smem:$0x3FA8] =	sst s8  }
0x11: {  	[smem:$0x3FA9] =	sst s9;
	s0 =	simm.s32 @!p0 $0x0  }
0x12: {  	s1 =	sld [smem:$0x3F8F];
	s0 =	simm.s32 @p0 $0x1  }
0x13: {  	[smem:$0x3FAA] =	sst s0;
	s0 =	simm.s32 @!p1 $0x0  }
0x14: {  	s2 =	sld [smem:$0x3F8E];
	s0 =	simm.s32 @p1 $0x1  }
0x15: {  	[smem:$0x3FAB] =	sst s0;
	s0 =	simm.s32 @!p2 $0x0  }
0x16: {  	s3 =	sld [smem:$0x3FDB];
	s0 =	simm.s32 @p2 $0x1  }
0x17: {  	s4 =	simm.s32 $0x1BF5;
	[smem:$0x3FAD] =	sst s0  }
0x18: {  	s0 =	sld [smem:$0x3F90];
	_ =	swait.ge [sflag:s4], $0x0  }
0x19: {  	s7 =	sld [smem:$0x3F91]  }
0x1a: {  	s8 =	sadd.s32 $0xFFFFE003, lr  }
0x1b: {  	s9 =	sadd.s32 $0xFFFFFEF7, lr;
	s5 =	simm.s32 $0xFFFFFFFF;
	p2 =	slt.u32 s8, $0xFFFFF086  }
0x1c: {  	p1 =	slt.u32 s9, $0xF7A;
	s5 =	simm.s32 @!p2 $0x0  }
0x1d: {  	s5 =	simm.s32 @p1 $0x1;
	p0 =	seq.s32 s7, s2  }
0x1e: {  	s7 =	smul.u32 @!p0 $0xF7A, s2;
	p2 =	seq.s32 @!p0 s5, $0x0  }
0x1f: {  	s9 =	smul.u32 $0xF7A, s1;
	s8 =	simm.s32 @!p0 $0x1BF5;
	p2 =	por !p2, p0  }
0x20: {  	[sflag:s8] =	ssyncset.s32 @!p0 $0xFFFFF086;
	s6 =	sadd.s32 @!p0 s3, s7;
	s7 =	simm.s32 @!p0 $0x108  }
0x21: {  	s3 =	sadd.s32 s3, s9;
	s6 =	sadd.s32 @!p0 $0x88, s6;
	s7 =	simm.s32 @p2 $0x1082  }
0x22: {  	[simem:s7], [sflag:s8] =	dma.local @!p0 [hbm:s6], $0xF7A  }
0x23: {  	s9 =	sor.u32 $0xD0000000, s2;
	s6 =	simm.s32 $0x108;
	_ =	swait.ge @!p0 [sflag:s8], $0x0  }
0x24: {  	s3 =	sadd.s32 $0x88, s3;
	s6 =	simm.s32 @!p1 $0x1082;
	[sflag:s4] =	ssyncset.s32 $0xFFFFF086  }
0x25: {  	[simem:s6], [sflag:s4] =	dma.local [hbm:s3], $0xF7A  }
0x26: {  	[smem:$0x3F91] =	sst s1;
	(tag) =	ssettag s2;
	_ =	strace s9  }
0x27: {  	s1 =	sld [smem:$0x3FA1]  }
0x28: {  	s2 =	sld [smem:$0x3FA2]  }
0x29: {  	s4 =	sld [smem:$0x3FA4]  }
0x2a: {  	p0 =	seq.s32 s5, $0x0;
	s5 =	sld [smem:$0x3FA5]  }
0x2b: {  	s6 =	sld [smem:$0x3FA6]  }
0x2c: {  	s7 =	sld [smem:$0x3FA7]  }
0x2d: {  	s3 =	simm.s32 $0x108;
	s8 =	sld [smem:$0x3FA8]  }
0x2e: {  	s3 =	simm.s32 @!p0 $0x1082;
	s9 =	sld [smem:$0x3FA9]  }
0x2f: {  	lr =	sadd.s32 s0, s3;
	s0 =	sld [smem:$0x3FA0]  }
0x30: {  	s3 =	sld [smem:$0x3FA3]  }
0x31: {  	[smem:$0x3FAC] =	sst s10  }
0x32: {  	s10 =	sld [smem:$0x3FAA];
	_ =	sdelay $0x3  }
0x33: {  	p0 =	seq.s32 s10, $0x1;
	s10 =	sld [smem:$0x3FAC];
	_ =	sdelay $0x3  }
0x34: {  	[smem:$0x3FAC] =	sst s10  }
0x35: {  	s10 =	sld [smem:$0x3FAB];
	_ =	sdelay $0x3  }
0x36: {  	p1 =	seq.s32 s10, $0x1;
	s10 =	sld [smem:$0x3FAC];
	_ =	sdelay $0x3  }
0x37: {  	[smem:$0x3FAC] =	sst s10  }
0x38: {  	s10 =	sld [smem:$0x3FAD]  }
0x39: {  	_ = 	snop;
	(pc) =	sbr.ind lr, $3  }
0x3a: {  	_ = 	snop  }
0x3b: {  	_ = 	snop  }
0x3c: {  	p2 =	seq.s32 s10, $0x1;
	s10 =	sld [smem:$0x3FAC]  }
0x3d: {  	_ =	shalt  }
0x3e: {  	_ =	shalt  }
0x3f: {  	_ =	shalt  }
0x40: {  	_ =	shalt  }
0x41: {  	_ =	shalt  }
0x42: {  	_ =	shalt  }
0x43: {  	_ =	shalt  }
0x44: {  	_ =	shalt  }
0x45: {  	_ =	shalt  }
0x46: {  	_ =	shalt  }
0x47: {  	_ =	shalt  }
0x48: {  	_ =	shalt  }
0x49: {  	_ =	shalt  }
0x4a: {  	_ =	shalt  }
0x4b: {  	_ =	shalt  }
0x4c: {  	_ =	shalt  }
0x4d: {  	_ =	shalt  }
0x4e: {  	_ =	shalt  }
0x4f: {  	_ =	shalt  }
0x50: {  	_ =	shalt  }
0x51: {  	_ =	shalt  }
0x52: {  	_ =	shalt  }
0x53: {  	_ =	shalt  }
0x54: {  	_ =	shalt  }
0x55: {  	_ =	shalt  }
0x56: {  	_ =	shalt  }
0x57: {  	_ =	shalt  }
0x58: {  	_ =	shalt  }
0x59: {  	_ =	shalt  }
0x5a: {  	_ =	shalt  }
0x5b: {  	_ =	shalt  }
0x5c: {  	_ =	shalt  }
0x5d: {  	_ =	shalt  }
0x5e: {  	_ =	shalt  }
0x5f: {  	_ =	shalt  }
0x60: {  	_ =	shalt  }
0x61: {  	_ =	shalt  }
0x62: {  	_ =	shalt  }
0x63: {  	_ =	shalt  }
0x64: {  	_ =	shalt  }
0x65: {  	_ =	shalt  }
0x66: {  	_ =	shalt  }
0x67: {  	_ =	shalt  }
0x68: {  	_ =	shalt  }
0x69: {  	_ =	shalt  }
0x6a: {  	_ =	shalt  }
0x6b: {  	_ =	shalt  }
0x6c: {  	_ =	shalt  }
0x6d: {  	_ =	shalt  }
0x6e: {  	_ =	shalt  }
0x6f: {  	_ =	shalt  }
0x70: {  	_ =	shalt  }
0x71: {  	_ =	shalt  }
0x72: {  	_ =	shalt  }
0x73: {  	_ =	shalt  }
0x74: {  	_ =	shalt  }
0x75: {  	_ =	shalt  }
0x76: {  	_ =	shalt  }
0x77: {  	_ =	shalt  }
0x78: {  	_ =	shalt  }
0x79: {  	_ =	shalt  }
0x7a: {  	_ =	shalt  }
0x7b: {  	_ =	shalt  }
0x7c: {  	_ =	shalt  }
0x7d: {  	_ =	shalt  }
0x7e: {  	_ =	shalt  }
0x7f: {  	_ =	shalt  }
0x80: {  	_ =	shalt  }
0x81: {  	_ =	shalt  }
0x82: {  	_ =	shalt  }
0x83: {  	_ =	shalt  }
0x84: {  	_ =	shalt  }
0x85: {  	_ =	shalt  }
0x86: {  	_ =	shalt  }
0x87: {  	_ =	shalt  }
.Lfunc_end0:
.L_simem_size_0:
called_computation.2_lowered:
.L_overlay_start_0:
0x88: {  	s2 =	sld [smem:$0x3FD9]  }
0x89: {  	s3 =	sld [smem:$0x3FFE];
	_ =	sdelay $0x1  }
0x8a: {  	s1 =	srdreg.scid  }
0x8b: {  	s0 =	sand.u32 $0x1, s1  }
0x8c: {  	s16 =	sshll.u32 s0, $0xA;
	s2 =	sadd.s32 s3, s2  }
0x8d: {  	s2 =	sadd.s32 s2, s16  }
0x8e: {  	[smem:$0x3FB8] =	sst s2  }
0x8f: {  	_ = 	snop  }
0x90: {  	(tm) =	ssettm $0x1  }
0x91: {  	s17 =	sld [smem:$0x3FFB];
	_ =	sdelay $0x3  }
0x92: {  	_ =	strace s17  }
0x93: {  	s2 =	sld [smem:$0x3FFC];
	_ =	sdelay $0x3  }
0x94: {  	_ =	strace s2  }
0x95: {  	s2 =	sld [smem:$0x3FFD];
	_ =	sdelay $0x3  }
0x96: {  	_ =	strace s2  }
0x97: {  	_ =	strace $0x8FFFFFFF  }
0x98: {  	s18 =	sld [smem:$0x3FDB];
	_ =	sdelay $0x1  }
0x99: {  	s19 =	simm.s32 $_scs_section_size  }
0x9a: {  	s4 =	simm.s32 $_size__tile_overlayer_lowered;
	s5 =	simm.s32 $_tile_overlayer_lowered  }
0x9b: {  	s22 =	simm.s32 $0x1BFF;
	s21 =	sshll.u32 s5, $0x1;
	s2 =	sadd.s32 s19, s18  }
0x9c: {  	s6 =	simm.s32 $0x0;
	s20 =	sshll.u32 s4, $0x1;
	s4 =	sadd.s32 s21, s2  }
0x9d: {  	[timem:s6], [sflag:s22] =	dma.local [hbm:s4], s20  }
0x9e: {  	_ =	swait.ge [sflag:s22], s20  }
0x9f: {  	s3 =	ssub.s32 $0x0, s20;
	[sflag:s22] =	ssyncset.done $0x0  }
0xa0: {  	[sflag:s22] =	ssyncadd.s32 s3;
	_ =	sdelay $0x1  }
0xa1: {  	s23 =	simm.s32 $0x1B8B  }
0xa2: {  	_ =	swait.ge [sflag:s23], $0x1  }
0xa3: {  	[sflag:s23] =	ssyncset.done $0x0  }
0xa4: {  	s25 =	simm.s32 $0x1B8E;
	s24 =	sld [smem:$0x3FFE];
	[sflag:s23] =	ssyncadd.s32 $0xFFFFFFFF  }
0xa5: {  	s26 =	simm.s32 $execute0_lowered;
	[smem:$0x3FD2] =	sst s25  }
0xa6: {  	s4 =	sshll.u32 s26, $0x1;
	_ =	strace $0x8000004C;
	[dreg:$0x1] =	wrdreg $0xFFFFFFFF  }
0xa7: {  	s28 =	simm.s32 $_size_execute0_lowered;
	s2 =	sadd.s32 s2, s4;
	[dreg:$0x0] =	wrdreg $0x0  }
0xa8: {  	s4 =	sshll.u32 s28, $0x1;
	[dreg:$0x2] =	wrdreg s2  }
0xa9: {  	[dreg:$0x3] =	wrdreg s4  }
0xaa: {  	[dreg:$0x4] =	wrdreg $0xC0  }
0xab: {  	_ =	task [dreg:s6], $0x5FFFF  }
0xac: {  	[dreg:$0x1] =	wrdreg $0xFFFFFFFF  }
0xad: {  	[dreg:$0x0] =	wrdreg $0x60  }
0xae: {  	[dreg:$0x2] =	wrdreg s24  }
0xaf: {  	[dreg:$0x3] =	wrdreg $0xB7800  }
0xb0: {  	[dreg:$0x4] =	wrdreg $0x9  }
0xb1: {  	_ =	task.clear_ibuf [dreg:s6], $0x5FFFF;
	_ =	strace $0x9000004C  }
0xb2: {  	s29 =	simm.s32 $0x9;
	_ =	strace $0x8000004E  }
0xb3: {  	_ =	swait.ge [sflag:s29], $0x1  }
0xb4: {  	[sflag:s29] =	ssyncadd.s32 $0xFFFFFFFF  }
0xb5: {  	_ =	strace $0x9000004E  }
0xb6: {  	_ =	sfence  }
0xb7: {  	s30 =	sld [smem:$0x0];
	_ =	sdelay $0x2  }
0xb8: {  	s31 =	sshll.u32 s1, $0xD;
	s1 =	sshrl.u32 s1, $0x2  }
0xb9: {  	s3 =	sand.u32 $0x4000, s31;
	s1 =	sadd.s32 s1, s30  }
0xba: {  	s0 =	sor.u32 s3, s0;
	s1 =	sshll.u32 s1, $0x11  }
0xbb: {  	s0 =	sor.u32 s1, s0  }
0xbc: {  	s0 =	sadd.s32 $0x8F2B, s0  }
0xbd: {  	[sflag:s0] =	ssyncadd.remote.s32 $0x1  }
0xbe: {  	_ =	sfence.sel $0xFFFF  }
0xbf: {  	[dreg:$0x0] =	wrdreg $0xFFFFFFFF;
	(pc) =	sbr.abs _section_cstart, $3  }
0xc0: {  	[dreg:$0x1] =	wrdreg $0xFFFFFFFF  }
0xc1: {  	_ =	task.clear_ibuf [dreg:s6], $0x2FFFF;
	_ =	strace $0x9FFFFFFF  }
0xc2: {  	(tm) =	ssettm $0x7FFFFFFF  }
0xc3: {  	_ =	shalt  }
tec
execute0_lowered:
.L_overlay_start_1:
0x0: {  	(tag) =	ssettag $0x1  }
0x1: {  	s0 =	srdreg.scid  }
0x2: {  	s8 =	stileid.u32;
	s3 =	rddreg [dreg:$0x0]  }
0x3: {  	s2 =	rddreg [dreg:$0x1];
	s6 =	simm.s32 $0x0;
	s19 =	simm.s32 $0x2780  }
0x4: {  	s20 =	simm.s32 $0x1;
	s28 =	simm.s32 $0x7B80;
	s29 =	simm.s32 $0x3  }
0x5: {  	s30 =	simm.s32 $0x5;
	s31 =	simm.s32 $0x2;
	s22 =	smul.u32 $0x14000, s8  }
0x6: {  	s17 =	simm.s32 $0x0;
	s4 =	sshrl.u32 s8, $0x2;
	s23 =	smul.u32 $0x50000, s8  }
0x7: {  	s0 =	sand.u32 $0x1, s0;
	s1 =	sshll.u32 s8, $0x1;
	s4 =	smul.u32 $0x13C00, s4  }
0x8: {  	[smem:$0x7FF] =	sst s6;
	s1 =	sor.u32 s0, s1;
	s21 =	smul.u32 $0x140000, s0  }
0x9: {  	_ =	strace $0x8000004D;
	s0 =	ssub.s32 $0x2, s0;
	s5 =	sshll.u32 s1, $0x7  }
0xa: {  	s1 =	sshll.u32 s1, $0xB;
	s24 =	sshrl.u32 s0, $0x1;
	s25 =	sshrl.u32 s23, $0x2  }
0xb: {  	s23 =	simm.s32 $0xA380;
	s5 =	sand.u32 $0x380, s5;
	s1 =	sadd.s32 s1, s3  }
0xc: {  	s0 =	ssub.s32 s0, s24;
	s24 =	simm.s32 $0x6780;
	s4 =	sor.u32 s4, s5  }
0xd: {  	s5 =	sadd.s32 s22, s21;
	s6 =	sadd.s32 $0x3000, s1;
	s16 =	smax.u32 s0, $0x1  }
0xe: {  	s21 =	simm.s32 $0x28;
	s22 =	simm.s32 $0x8F80;
	s1 =	simm.s32 $0x4  }
0xf: {  	s0 =	simm.s32 $0x6;
	s4 =	sshrl.u32 s4, $0x3;
	s5 =	sshrl.u32 s5, $0x3  }
0x10: {  	s7 =	sadd.s32 s4, s3;
	s4 =	sadd.s32 $0x1CE00, s3;
	s3 =	sadd.s32 s5, s3  }
0x11: {  	s26 =	sadd.s32 $0x13000, s7;
	s7 =	sadd.s32 s25, s2;
	s15 =	sadd.s32 $0x44000, s3  }
0x12: {  	s25 =	simm.s32 $0x50;
	[dreg:$0x3] =	wrdreg s26;
	s8 =	sadd.s32 $0x2800, s7  }
0x13: {  	s9 =	sadd.s32 $0x5000, s7;
	s10 =	sadd.s32 $0x7800, s7;
	s11 =	sadd.s32 $0xA000, s7  }
0x14: {  	v0 =	vimm.f32 $0.0e+00;
	s12 =	sadd.s32 $0xC800, s7;
	s13 =	sadd.s32 $0xF000, s7;
	s14 =	sadd.s32 $0x11800, s7  }
.LBB2_1:
0x15: {  	s3 =	simm.s32 $0x0  }
0x16: {  	s5 =	rddreg [dreg:$0x3];
	s18 =	simm.s32 $0x80;
	s26 =	simm.s32 $0x400  }
0x17: {  	[tilespmem:s3], [sflag:$0x1] =	stream.strided.gather [hbm4b:s5+s18], $0x2780, s26, s18, $0x38;
	[tilespmem:$0x1F780] =	vst v63  }
0x18: {  	s18 =	simm.s32 $0x0;
	s26 =	simm.s32 $0x200  }
0x19: {  	[tilespmem:s19], [sflag:$0x1] =	stream.linear.gather [hbm4b:s6+s3], $0x3E80, $0x38;
	[tilespmem:$0x1F780] =	vst v63  }
.LBB2_2:
0x1a: {  	p0 =	sne.s32 s26, $0x9E00;
	[tilespmem:s18+$0x67F0] =	vst v0  }
0x1b: {  	[tilespmem:s18+$0x6780] =	vst v0  }
0x1c: {  	[tilespmem:s18+$0x6790] =	vst v0  }
.Ltmp0:
0x1d: {  	[tilespmem:s18+$0x67A0] =	vst v0;
	(pc) =	sbr.rel @p0 .LBB2_2-.Ltmp0, $4  }
0x1e: {  	[tilespmem:s18+$0x67B0] =	vst v0  }
0x1f: {  	[tilespmem:s18+$0x67C0] =	vst v0  }
0x20: {  	[tilespmem:s18+$0x67D0] =	vst v0  }
0x21: {  	[tilespmem:s18+$0x67E0] =	vst v0;
	s18 =	sshra.s32 s26, $0x2;
	s26 =	sadd.s32 $0x200, s26  }
0x22: {  	[tilespmem:s18+$0x67F0] =	vst v0  }
0x23: {  	[tilespmem:s18+$0x6780] =	vst v0  }
0x24: {  	[tilespmem:s18+$0x6790] =	vst v0  }
0x25: {  	[tilespmem:s18+$0x67A0] =	vst v0  }
0x26: {  	[tilespmem:s18+$0x67B0] =	vst v0  }
0x27: {  	[tilespmem:s18+$0x67C0] =	vst v0  }
0x28: {  	[tilespmem:s18+$0x67D0] =	vst v0  }
0x29: {  	[tilespmem:s18+$0x67E0] =	vst v0  }
0x2a: {  	_ =	swait.ge [sflag:s20], $0x2780  }
0x2b: {  	[sflag:s20] =	ssyncset.done $0x0  }
0x2c: {  	[sflag:s20] =	ssyncadd.s32 $0xFFFFD880  }
0x2d: {  	_ =	swait.ge [sflag:s20], $0x3E80  }
0x2e: {  	[sflag:s20] =	ssyncset.done $0x0  }
0x2f: {  	s3 =	simm.s32 $0x0;
	[sflag:s20] =	ssyncadd.s32 $0xFFFFC180  }
0x30: {  	[tilespmem:s22], [sflag:$0x3] =	stream.indirect.gather [hbm4b:s4+s21], $0x80, s3, s21, $0xb8;
	[tilespmem:$0x1F780] =	vst v63  }
0x31: {  	_ = 	snop  }
0x32: {  	[tilespmem:s23], [sflag:$0x3] =	stream.indirect.gather [hbm4b:s4+s21], $0x80, s21, s21, $0xb8;
	[tilespmem:$0x1F780] =	vst v63  }
0x33: {  	_ = 	snop  }
0x34: {  	[spmem:s7] =	stream.linear.scatter [tilespmem:s24], [sflag:$0x1], $0x2800, $0x38;
	[tilespmem:$0x1F780] =	vst v63  }
0x35: {  	_ = 	snop  }
0x36: {  	[spmem:s8] =	stream.linear.scatter [tilespmem:s24], [sflag:$0x1], $0x2800, $0x38;
	[tilespmem:$0x1F780] =	vst v63  }
0x37: {  	_ = 	snop  }
0x38: {  	[spmem:s9] =	stream.linear.scatter [tilespmem:s24], [sflag:$0x1], $0x2800, $0x38;
	[tilespmem:$0x1F780] =	vst v63  }
0x39: {  	_ = 	snop  }
0x3a: {  	[spmem:s10] =	stream.linear.scatter [tilespmem:s24], [sflag:$0x1], $0x2800, $0x38;
	[tilespmem:$0x1F780] =	vst v63  }
0x3b: {  	_ = 	snop  }
0x3c: {  	[spmem:s11] =	stream.linear.scatter [tilespmem:s24], [sflag:$0x1], $0x2800, $0x38;
	[tilespmem:$0x1F780] =	vst v63  }
0x3d: {  	_ = 	snop  }
0x3e: {  	[spmem:s12] =	stream.linear.scatter [tilespmem:s24], [sflag:$0x1], $0x2800, $0x38;
	[tilespmem:$0x1F780] =	vst v63  }
0x3f: {  	_ = 	snop  }
0x40: {  	[spmem:s13] =	stream.linear.scatter [tilespmem:s24], [sflag:$0x1], $0x2800, $0x38;
	[tilespmem:$0x1F780] =	vst v63  }
0x41: {  	_ = 	snop  }
0x42: {  	[spmem:s14] =	stream.linear.scatter [tilespmem:s24], [sflag:$0x1], $0x2800, $0x38;
	[tilespmem:$0x1F780] =	vst v63  }
0x43: {  	_ =	swait.ge [sflag:s20], $0x2800  }
0x44: {  	[sflag:s20] =	ssyncset.done $0x0  }
0x45: {  	[sflag:s20] =	ssyncadd.s32 $0xFFFFD800  }
0x46: {  	_ =	swait.ge [sflag:s20], $0x2800  }
0x47: {  	[sflag:s20] =	ssyncset.done $0x0  }
0x48: {  	[sflag:s20] =	ssyncadd.s32 $0xFFFFD800  }
0x49: {  	_ =	swait.ge [sflag:s20], $0x2800  }
0x4a: {  	[sflag:s20] =	ssyncset.done $0x0  }
0x4b: {  	[sflag:s20] =	ssyncadd.s32 $0xFFFFD800  }
0x4c: {  	_ =	swait.ge [sflag:s20], $0x2800  }
0x4d: {  	[sflag:s20] =	ssyncset.done $0x0  }
0x4e: {  	[sflag:s20] =	ssyncadd.s32 $0xFFFFD800  }
0x4f: {  	_ =	swait.ge [sflag:s20], $0x2800  }
0x50: {  	[sflag:s20] =	ssyncset.done $0x0  }
0x51: {  	[sflag:s20] =	ssyncadd.s32 $0xFFFFD800  }
0x52: {  	_ =	swait.ge [sflag:s20], $0x2800  }
0x53: {  	[sflag:s20] =	ssyncset.done $0x0  }
0x54: {  	[sflag:s20] =	ssyncadd.s32 $0xFFFFD800  }
0x55: {  	_ =	swait.ge [sflag:s20], $0x2800  }
0x56: {  	[sflag:s20] =	ssyncset.done $0x0  }
0x57: {  	[sflag:s20] =	ssyncadd.s32 $0xFFFFD800  }
0x58: {  	_ =	swait.ge [sflag:s20], $0x2800  }
0x59: {  	[sflag:s20] =	ssyncset.done $0x0  }
0x5a: {  	[sflag:s20] =	ssyncadd.s32 $0xFFFFD800  }
0x5b: {  	[bflag:$0x0] =	sbarrier.arrive $0xFFFF  }
0x5c: {  	[tilespmem:s24], [sflag:$0x2] =	stream.indirect.gather [hbm4b:s4+s21], $0x80, s25, s21, $0xb8;
	[tilespmem:$0x1F780] =	vst v63  }
0x5d: {  	s5 =	simm.s32 $0x78  }
0x5e: {  	[tilespmem:s28], [sflag:$0x2] =	stream.indirect.gather [hbm4b:s4+s21], $0x80, s5, s21, $0xb8;
	[tilespmem:$0x1F780] =	vst v63  }
0x5f: {  	_ =	swait.ge [sflag:s29], $0x1400  }
0x60: {  	[sflag:s29] =	ssyncset.done $0x0  }
0x61: {  	[sflag:s29] =	ssyncadd.s32 $0xFFFFEC00  }
0x62: {  	_ =	swait.ge [sflag:s29], $0x1400  }
0x63: {  	[sflag:s29] =	ssyncset.done $0x0  }
0x64: {  	[sflag:s29] =	ssyncadd.s32 $0xFFFFEC00  }
0x65: {  	[spmem:s2] =	stream.indirect.scatter.add.f32 [tilespmem:s22], [sflag:$0x5], $0x80, s19, s25, $0xb8;
	[tilespmem:$0x1F780] =	vst v63  }
0x66: {  	_ =	swait.ge [sflag:s30], $0x2800  }
0x67: {  	[sflag:s30] =	ssyncset.done $0x0  }
0x68: {  	s18 =	simm.s32 $0xA0;
	[sflag:s30] =	ssyncadd.s32 $0xFFFFD800  }
0x69: {  	[tilespmem:s22], [sflag:$0x3] =	stream.indirect.gather [hbm4b:s4+s21], $0x80, s18, s21, $0xb8;
	[tilespmem:$0x1F780] =	vst v63  }
0x6a: {  	s26 =	simm.s32 $0xC8  }
0x6b: {  	[tilespmem:s23], [sflag:$0x3] =	stream.indirect.gather [hbm4b:s4+s21], $0x80, s26, s21, $0xb8;
	[tilespmem:$0x1F780] =	vst v63  }
0x6c: {  	_ =	swait.ge [sflag:s31], $0x1400  }
0x6d: {  	[sflag:s31] =	ssyncset.done $0x0  }
0x6e: {  	[sflag:s31] =	ssyncadd.s32 $0xFFFFEC00  }
0x6f: {  	_ =	swait.ge [sflag:s31], $0x1400  }
0x70: {  	[sflag:s31] =	ssyncset.done $0x0  }
0x71: {  	s5 =	simm.s32 $0x2800;
	[sflag:s31] =	ssyncadd.s32 $0xFFFFEC00  }
0x72: {  	[spmem:s2] =	stream.indirect.scatter.add.f32 [tilespmem:s24], [sflag:$0x4], $0x80, s5, s25, $0xb8;
	[tilespmem:$0x1F780] =	vst v63  }
0x73: {  	_ =	swait.ge [sflag:s1], $0x2800  }
0x74: {  	[sflag:s1] =	ssyncset.done $0x0  }
0x75: {  	s18 =	simm.s32 $0xF0;
	[sflag:s1] =	ssyncadd.s32 $0xFFFFD800  }
0x76: {  	[tilespmem:s24], [sflag:$0x2] =	stream.indirect.gather [hbm4b:s4+s21], $0x80, s18, s21, $0xb8;
	[tilespmem:$0x1F780] =	vst v63  }
0x77: {  	s26 =	simm.s32 $0x118  }
0x78: {  	[tilespmem:s28], [sflag:$0x2] =	stream.indirect.gather [hbm4b:s4+s21], $0x80, s26, s21, $0xb8;
	[tilespmem:$0x1F780] =	vst v63  }
0x79: {  	_ =	swait.ge [sflag:s29], $0x1400  }
0x7a: {  	[sflag:s29] =	ssyncset.done $0x0  }
0x7b: {  	[sflag:s29] =	ssyncadd.s32 $0xFFFFEC00  }
0x7c: {  	_ =	swait.ge [sflag:s29], $0x1400  }
0x7d: {  	s3 =	simm.s32 $0x2880;
	[sflag:s29] =	ssyncset.done $0x0  }
0x7e: {  	s18 =	simm.s32 $0x280;
	s26 =	simm.s32 $0x2900;
	[sflag:s29] =	ssyncadd.s32 $0xFFFFEC00  }
.LBB2_4:
0x7f: {  	[spmem:s2] =	stream.indirect.scatter.add.f32 [tilespmem:s22], [sflag:$0x5], $0x80, s3, s25, $0xb8;
	[tilespmem:$0x1F780] =	vst v63  }
0x80: {  	s3 =	smov.u32 s18  }
0x81: {  	p0 =	sne.s32 s18, $0x9600;
	s18 =	sadd.s32 $0x280, s18;
	_ =	swait.ge [sflag:s30], $0x2800  }
0x82: {  	s3 =	sshra.s32 s3, $0x2;
	[sflag:s30] =	ssyncset.done $0x0  }
0x83: {  	s5 =	sadd.s32 $0xA0, s3;
	[sflag:s30] =	ssyncadd.s32 $0xFFFFD800  }
0x84: {  	[tilespmem:s22], [sflag:$0x3] =	stream.indirect.gather [hbm4b:s4+s21], $0x80, s5, s21, $0xb8;
	[tilespmem:$0x1F780] =	vst v63  }
0x85: {  	s5 =	sadd.s32 $0xC8, s3  }
0x86: {  	[tilespmem:s23], [sflag:$0x3] =	stream.indirect.gather [hbm4b:s4+s21], $0x80, s5, s21, $0xb8;
	[tilespmem:$0x1F780] =	vst v63  }
0x87: {  	_ =	swait.ge [sflag:s31], $0x1400  }
0x88: {  	[sflag:s31] =	ssyncset.done $0x0  }
0x89: {  	[sflag:s31] =	ssyncadd.s32 $0xFFFFEC00  }
0x8a: {  	_ =	swait.ge [sflag:s31], $0x1400  }
0x8b: {  	[sflag:s31] =	ssyncset.done $0x0  }
0x8c: {  	[sflag:s31] =	ssyncadd.s32 $0xFFFFEC00  }
0x8d: {  	[spmem:s2] =	stream.indirect.scatter.add.f32 [tilespmem:s24], [sflag:$0x4], $0x80, s26, s25, $0xb8;
	[tilespmem:$0x1F780] =	vst v63  }
0x8e: {  	_ =	swait.ge [sflag:s1], $0x2800  }
0x8f: {  	[sflag:s1] =	ssyncset.done $0x0  }
0x90: {  	s5 =	sadd.s32 $0xF0, s3;
	[sflag:s1] =	ssyncadd.s32 $0xFFFFD800  }
0x91: {  	[tilespmem:s24], [sflag:$0x2] =	stream.indirect.gather [hbm4b:s4+s21], $0x80, s5, s21, $0xb8;
	[tilespmem:$0x1F780] =	vst v63  }
0x92: {  	s3 =	sadd.s32 $0x118, s3  }
0x93: {  	[tilespmem:s28], [sflag:$0x2] =	stream.indirect.gather [hbm4b:s4+s21], $0x80, s3, s21, $0xb8;
	[tilespmem:$0x1F780] =	vst v63  }
0x94: {  	_ =	swait.ge [sflag:s29], $0x1400  }
.Ltmp1:
0x95: {  	[sflag:s29] =	ssyncset.done $0x0;
	(pc) =	sbr.rel @p0 .LBB2_4-.Ltmp1, $4  }
0x96: {  	[sflag:s29] =	ssyncadd.s32 $0xFFFFEC00  }
0x97: {  	_ =	swait.ge [sflag:s29], $0x1400  }
0x98: {  	[sflag:s29] =	ssyncset.done $0x0  }
0x99: {  	s3 =	sadd.s32 $0x80, s26;
	s26 =	sadd.s32 $0x100, s26;
	[sflag:s29] =	ssyncadd.s32 $0xFFFFEC00  }
0x9a: {  	[spmem:s2] =	stream.indirect.scatter.add.f32 [tilespmem:s22], [sflag:$0x5], $0x80, s3, s25, $0xb8;
	[tilespmem:$0x1F780] =	vst v63  }
0x9b: {  	_ =	swait.ge [sflag:s30], $0x2800  }
0x9c: {  	[sflag:s30] =	ssyncset.done $0x0  }
0x9d: {  	s18 =	simm.s32 $0x26C0;
	[sflag:s30] =	ssyncadd.s32 $0xFFFFD800  }
0x9e: {  	[tilespmem:s22], [sflag:$0x3] =	stream.indirect.gather [hbm4b:s4+s21], $0x80, s18, s21, $0xb8;
	[tilespmem:$0x1F780] =	vst v63  }
0x9f: {  	s26 =	simm.s32 $0x26E8  }
0xa0: {  	[tilespmem:s23], [sflag:$0x3] =	stream.indirect.gather [hbm4b:s4+s21], $0x80, s26, s21, $0xb8;
	[tilespmem:$0x1F780] =	vst v63  }
0xa1: {  	_ =	swait.ge [sflag:s31], $0x1400  }
0xa2: {  	[sflag:s31] =	ssyncset.done $0x0  }
0xa3: {  	[sflag:s31] =	ssyncadd.s32 $0xFFFFEC00  }
0xa4: {  	_ =	swait.ge [sflag:s31], $0x1400  }
0xa5: {  	[sflag:s31] =	ssyncset.done $0x0  }
0xa6: {  	s5 =	simm.s32 $0x6500;
	[sflag:s31] =	ssyncadd.s32 $0xFFFFEC00  }
0xa7: {  	[spmem:s2] =	stream.indirect.scatter.add.f32 [tilespmem:s24], [sflag:$0x4], $0x80, s5, s25, $0xb8;
	[tilespmem:$0x1F780] =	vst v63  }
0xa8: {  	_ =	swait.ge [sflag:s1], $0x2800  }
0xa9: {  	[sflag:s1] =	ssyncset.done $0x0  }
0xaa: {  	[sflag:s1] =	ssyncadd.s32 $0xFFFFD800  }
0xab: {  	_ =	swait.ge [sflag:s29], $0x1400  }
0xac: {  	[sflag:s29] =	ssyncset.done $0x0  }
0xad: {  	[sflag:s29] =	ssyncadd.s32 $0xFFFFEC00  }
0xae: {  	_ =	swait.ge [sflag:s29], $0x1400  }
0xaf: {  	[sflag:s29] =	ssyncset.done $0x0  }
0xb0: {  	s18 =	simm.s32 $0x6580;
	[sflag:s29] =	ssyncadd.s32 $0xFFFFEC00  }
0xb1: {  	[spmem:s2] =	stream.indirect.scatter.add.f32 [tilespmem:s22], [sflag:$0x5], $0x80, s18, s25, $0xb8;
	[tilespmem:$0x1F780] =	vst v63  }
0xb2: {  	s26 =	stileid.u32;
	_ =	swait.ge [sflag:s30], $0x2800  }
0xb3: {  	s17 =	sadd.s32 $0x1, s17;
	s3 =	sshll.u32 s26, $0x6;
	[sflag:s30] =	ssyncset.done $0x0  }
0xb4: {  	p0 =	sne.s32 s17, s16;
	s3 =	sor.u32 $0x1C06, s3;
	[sflag:s30] =	ssyncadd.s32 $0xFFFFD800  }
.Ltmp2:
0xb5: {  	s5 =	sshrl.u32 s7, $0x3;
	[bflag:$0x0] =	sbarrier.arrive $0xFFFF;
	(pc) =	sbr.rel @p0 .LBB2_1-.Ltmp2, $4  }
0xb6: {  	[hbm:s15], [sflag:s3] =	dma.local [spmem:s5], $0x2800  }
0xb7: {  	_ =	swait.ge [sflag:s0], $0x2800  }
0xb8: {  	[sflag:s0] =	ssyncset.done $0x0  }
0xb9: {  	[sflag:s0] =	ssyncadd.s32 $0xFFFFD800  }
0xba: {  	_ =	sfence.sel $0x180000  }
0xbb: {  	[bflag:$0x0] =	sbarrier.arrive $0xFFFF  }
0xbc: {  	_ =	strace $0x9000004D  }
0xbd: {  	s0 =	stileid.u32;
	[bflag:$0x2] =	sbarrier.arrive $0xFFFF  }
0xbe: {  	p0 =	sne.s32 s0, $0x0;
	s0 =	rddreg [dreg:$0x2]  }
0xbf: {  	s0 =	sadd.s32 @!p0 $0x100000, s0  }
0xc0: {  	[sflag:s0] =	ssyncadd.tile.s32 @!p0 $0x1;
	_ =	shalt  }
.Lfunc_end2:
_tile_overlayer_lowered:
.L_overlay_start_2:
0xc1: {  	(tag) =	ssettag $0x2  }
0xc2: {  	s0 =	rddreg [dreg:$0x0];
	s2 =	stileid.u32  }
0xc3: {  	s1 =	rddreg [dreg:$0x1];
	p0 =	sne.s32 s2, $0x0  }
0xc4: {  	s3 =	rddreg [dreg:$0x2];
	[bflag:$0x3] =	sbarrier.arrive $0xFFFF;
	s2 =	simm.s32 @!p0 $0x1C06  }
0xc5: {  	[timem:s3], [sflag:s2] =	dma.local @!p0 [hbm:s0], s1  }
0xc6: {  	s0 =	simm.s32 @!p0 $0x6  }
0xc7: {  	_ =	swait.ge @!p0 [sflag:s0], s1  }
0xc8: {  	s1 =	ssub.s32 @!p0 $0x0, s1;
	[sflag:s0] =	ssyncset.done @!p0 $0x0  }
0xc9: {  	[sflag:s0] =	ssyncadd.s32 @!p0 s1  }
0xca: {  	[bflag:$0x3] =	sbarrier.arrive $0xFFFF  }
0xcb: {  	_ =	shalt  }

// kernel: kernel.8.cloned.1.call-start
scs
__scs_entry_jumppad:
0x0: {  	(pc) =	sbr.rel $0x88, $3  }
0x1: {  	(tag) =	ssettag $0x0;
	lr =	simm.s32 $0x1  }
0x2: {  	[smem:$0x3F91] =	sst lr;
	_ =	strace $0xD0000000  }
0x3: {  	_ = 	snop  }
0x4: {  	_ = 	snop  }
0x5: {  	_ = 	snop  }
0x6: {  	_ = 	snop  }
0x7: {  	_ = 	snop  }
__scs_overlays_trampoline_lowered:
0x8: {  	[smem:$0x3FA0] =	sst s0  }
0x9: {  	[smem:$0x3FA1] =	sst s1  }
0xa: {  	[smem:$0x3FA2] =	sst s2  }
0xb: {  	[smem:$0x3FA3] =	sst s3  }
0xc: {  	[smem:$0x3FA4] =	sst s4  }
0xd: {  	[smem:$0x3FA5] =	sst s5  }
0xe: {  	[smem:$0x3FA6] =	sst s6  }
0xf: {  	[smem:$0x3FA7] =	sst s7  }
0x10: {  	[smem:$0x3FA8] =	sst s8  }
0x11: {  	[smem:$0x3FA9] =	sst s9;
	s0 =	simm.s32 @!p0 $0x0  }
0x12: {  	s1 =	sld [smem:$0x3F8F];
	s0 =	simm.s32 @p0 $0x1  }
0x13: {  	[smem:$0x3FAA] =	sst s0;
	s0 =	simm.s32 @!p1 $0x0  }
0x14: {  	s2 =	sld [smem:$0x3F8E];
	s0 =	simm.s32 @p1 $0x1  }
0x15: {  	[smem:$0x3FAB] =	sst s0;
	s0 =	simm.s32 @!p2 $0x0  }
0x16: {  	s3 =	sld [smem:$0x3FDB];
	s0 =	simm.s32 @p2 $0x1  }
0x17: {  	s4 =	simm.s32 $0x1BF5;
	[smem:$0x3FAD] =	sst s0  }
0x18: {  	s0 =	sld [smem:$0x3F90];
	_ =	swait.ge [sflag:s4], $0x0  }
0x19: {  	s7 =	sld [smem:$0x3F91]  }
0x1a: {  	s8 =	sadd.s32 $0xFFFFE003, lr  }
0x1b: {  	s9 =	sadd.s32 $0xFFFFFEF7, lr;
	s5 =	simm.s32 $0xFFFFFFFF;
	p2 =	slt.u32 s8, $0xFFFFF086  }
0x1c: {  	p1 =	slt.u32 s9, $0xF7A;
	s5 =	simm.s32 @!p2 $0x0  }
0x1d: {  	s5 =	simm.s32 @p1 $0x1;
	p0 =	seq.s32 s7, s2  }
0x1e: {  	s7 =	smul.u32 @!p0 $0xF7A, s2;
	p2 =	seq.s32 @!p0 s5, $0x0  }
0x1f: {  	s9 =	smul.u32 $0xF7A, s1;
	s8 =	simm.s32 @!p0 $0x1BF5;
	p2 =	por !p2, p0  }
0x20: {  	[sflag:s8] =	ssyncset.s32 @!p0 $0xFFFFF086;
	s6 =	sadd.s32 @!p0 s3, s7;
	s7 =	simm.s32 @!p0 $0x108  }
0x21: {  	s3 =	sadd.s32 s3, s9;
	s6 =	sadd.s32 @!p0 $0x88, s6;
	s7 =	simm.s32 @p2 $0x1082  }
0x22: {  	[simem:s7], [sflag:s8] =	dma.local @!p0 [hbm:s6], $0xF7A  }
0x23: {  	s9 =	sor.u32 $0xD0000000, s2;
	s6 =	simm.s32 $0x108;
	_ =	swait.ge @!p0 [sflag:s8], $0x0  }
0x24: {  	s3 =	sadd.s32 $0x88, s3;
	s6 =	simm.s32 @!p1 $0x1082;
	[sflag:s4] =	ssyncset.s32 $0xFFFFF086  }
0x25: {  	[simem:s6], [sflag:s4] =	dma.local [hbm:s3], $0xF7A  }
0x26: {  	[smem:$0x3F91] =	sst s1;
	(tag) =	ssettag s2;
	_ =	strace s9  }
0x27: {  	s1 =	sld [smem:$0x3FA1]  }
0x28: {  	s2 =	sld [smem:$0x3FA2]  }
0x29: {  	s4 =	sld [smem:$0x3FA4]  }
0x2a: {  	p0 =	seq.s32 s5, $0x0;
	s5 =	sld [smem:$0x3FA5]  }
0x2b: {  	s6 =	sld [smem:$0x3FA6]  }
0x2c: {  	s7 =	sld [smem:$0x3FA7]  }
0x2d: {  	s3 =	simm.s32 $0x108;
	s8 =	sld [smem:$0x3FA8]  }
0x2e: {  	s3 =	simm.s32 @!p0 $0x1082;
	s9 =	sld [smem:$0x3FA9]  }
0x2f: {  	lr =	sadd.s32 s0, s3;
	s0 =	sld [smem:$0x3FA0]  }
0x30: {  	s3 =	sld [smem:$0x3FA3]  }
0x31: {  	[smem:$0x3FAC] =	sst s10  }
0x32: {  	s10 =	sld [smem:$0x3FAA];
	_ =	sdelay $0x3  }
0x33: {  	p0 =	seq.s32 s10, $0x1;
	s10 =	sld [smem:$0x3FAC];
	_ =	sdelay $0x3  }
0x34: {  	[smem:$0x3FAC] =	sst s10  }
0x35: {  	s10 =	sld [smem:$0x3FAB];
	_ =	sdelay $0x3  }
0x36: {  	p1 =	seq.s32 s10, $0x1;
	s10 =	sld [smem:$0x3FAC];
	_ =	sdelay $0x3  }
0x37: {  	[smem:$0x3FAC] =	sst s10  }
0x38: {  	s10 =	sld [smem:$0x3FAD]  }
0x39: {  	_ = 	snop;
	(pc) =	sbr.ind lr, $3  }
0x3a: {  	_ = 	snop  }
0x3b: {  	_ = 	snop  }
0x3c: {  	p2 =	seq.s32 s10, $0x1;
	s10 =	sld [smem:$0x3FAC]  }
0x3d: {  	_ =	shalt  }
0x3e: {  	_ =	shalt  }
0x3f: {  	_ =	shalt  }
0x40: {  	_ =	shalt  }
0x41: {  	_ =	shalt  }
0x42: {  	_ =	shalt  }
0x43: {  	_ =	shalt  }
0x44: {  	_ =	shalt  }
0x45: {  	_ =	shalt  }
0x46: {  	_ =	shalt  }
0x47: {  	_ =	shalt  }
0x48: {  	_ =	shalt  }
0x49: {  	_ =	shalt  }
0x4a: {  	_ =	shalt  }
0x4b: {  	_ =	shalt  }
0x4c: {  	_ =	shalt  }
0x4d: {  	_ =	shalt  }
0x4e: {  	_ =	shalt  }
0x4f: {  	_ =	shalt  }
0x50: {  	_ =	shalt  }
0x51: {  	_ =	shalt  }
0x52: {  	_ =	shalt  }
0x53: {  	_ =	shalt  }
0x54: {  	_ =	shalt  }
0x55: {  	_ =	shalt  }
0x56: {  	_ =	shalt  }
0x57: {  	_ =	shalt  }
0x58: {  	_ =	shalt  }
0x59: {  	_ =	shalt  }
0x5a: {  	_ =	shalt  }
0x5b: {  	_ =	shalt  }
0x5c: {  	_ =	shalt  }
0x5d: {  	_ =	shalt  }
0x5e: {  	_ =	shalt  }
0x5f: {  	_ =	shalt  }
0x60: {  	_ =	shalt  }
0x61: {  	_ =	shalt  }
0x62: {  	_ =	shalt  }
0x63: {  	_ =	shalt  }
0x64: {  	_ =	shalt  }
0x65: {  	_ =	shalt  }
0x66: {  	_ =	shalt  }
0x67: {  	_ =	shalt  }
0x68: {  	_ =	shalt  }
0x69: {  	_ =	shalt  }
0x6a: {  	_ =	shalt  }
0x6b: {  	_ =	shalt  }
0x6c: {  	_ =	shalt  }
0x6d: {  	_ =	shalt  }
0x6e: {  	_ =	shalt  }
0x6f: {  	_ =	shalt  }
0x70: {  	_ =	shalt  }
0x71: {  	_ =	shalt  }
0x72: {  	_ =	shalt  }
0x73: {  	_ =	shalt  }
0x74: {  	_ =	shalt  }
0x75: {  	_ =	shalt  }
0x76: {  	_ =	shalt  }
0x77: {  	_ =	shalt  }
0x78: {  	_ =	shalt  }
0x79: {  	_ =	shalt  }
0x7a: {  	_ =	shalt  }
0x7b: {  	_ =	shalt  }
0x7c: {  	_ =	shalt  }
0x7d: {  	_ =	shalt  }
0x7e: {  	_ =	shalt  }
0x7f: {  	_ =	shalt  }
0x80: {  	_ =	shalt  }
0x81: {  	_ =	shalt  }
0x82: {  	_ =	shalt  }
0x83: {  	_ =	shalt  }
0x84: {  	_ =	shalt  }
0x85: {  	_ =	shalt  }
0x86: {  	_ =	shalt  }
0x87: {  	_ =	shalt  }
.Lfunc_end0:
.L_simem_size_0:
called_computation_lowered:
.L_overlay_start_0:
0x88: {  	s2 =	sld [smem:$0x3FD9]  }
0x89: {  	s3 =	sld [smem:$0x3FFE];
	_ =	sdelay $0x1  }
0x8a: {  	s1 =	srdreg.scid  }
0x8b: {  	s0 =	sand.u32 $0x1, s1  }
0x8c: {  	s17 =	sshll.u32 s0, $0xA;
	s2 =	sadd.s32 s3, s2  }
0x8d: {  	s2 =	sadd.s32 s2, s17  }
0x8e: {  	[smem:$0x3FB8] =	sst s2  }
0x8f: {  	_ = 	snop  }
0x90: {  	s2 =	sld [smem:$0x3FD0];
	(tm) =	ssettm $0x1  }
0x91: {  	s18 =	sld [smem:$0x3FFB];
	_ =	sdelay $0x3  }
0x92: {  	_ =	strace s18  }
0x93: {  	s3 =	sld [smem:$0x3FFC];
	_ =	sdelay $0x3  }
0x94: {  	_ =	strace s3  }
0x95: {  	s3 =	sld [smem:$0x3FFD];
	_ =	sdelay $0x3  }
0x96: {  	_ =	strace s3  }
0x97: {  	_ =	strace $0x8FFFFFFF  }
0x98: {  	s19 =	sld [smem:$0x3FDB];
	_ =	sdelay $0x1  }
0x99: {  	s4 =	simm.s32 $_scs_section_size  }
0x9a: {  	s5 =	simm.s32 $_size__tile_overlayer_lowered;
	s6 =	simm.s32 $_tile_overlayer_lowered  }
0x9b: {  	s22 =	simm.s32 $0x1BFF;
	s21 =	sshll.u32 s6, $0x1;
	s3 =	sadd.s32 s4, s19  }
0x9c: {  	s7 =	simm.s32 $0x0;
	s20 =	sshll.u32 s5, $0x1;
	s5 =	sadd.s32 s21, s3  }
0x9d: {  	[timem:s7], [sflag:s22] =	dma.local [hbm:s5], s20  }
0x9e: {  	_ =	swait.ge [sflag:s22], s20  }
0x9f: {  	s4 =	ssub.s32 $0x0, s20;
	[sflag:s22] =	ssyncset.done $0x0  }
0xa0: {  	[sflag:s22] =	ssyncadd.s32 s4;
	_ =	sdelay $0x1  }
0xa1: {  	s23 =	simm.s32 $0x1B8B  }
0xa2: {  	_ =	swait.ge [sflag:s23], $0x1  }
0xa3: {  	[sflag:s23] =	ssyncset.done $0x0  }
0xa4: {  	s25 =	simm.s32 $0x1B8E;
	s24 =	sld [smem:$0x3FFE];
	[sflag:s23] =	ssyncadd.s32 $0xFFFFFFFF  }
0xa5: {  	s26 =	simm.s32 $execute0_lowered;
	[smem:$0x3FD2] =	sst s25  }
0xa6: {  	s5 =	sshll.u32 s26, $0x1;
	_ =	strace $0x80000046;
	[dreg:$0x1] =	wrdreg $0xFFFFFFFF  }
0xa7: {  	s28 =	simm.s32 $_size_execute0_lowered;
	s3 =	sadd.s32 s3, s5;
	[dreg:$0x0] =	wrdreg $0x0  }
0xa8: {  	s5 =	sshll.u32 s28, $0x1;
	[dreg:$0x2] =	wrdreg s3  }
0xa9: {  	[dreg:$0x3] =	wrdreg s5  }
0xaa: {  	[dreg:$0x4] =	wrdreg $0xC0  }
0xab: {  	_ =	task [dreg:s7], $0x5FFFF  }
0xac: {  	[dreg:$0x1] =	wrdreg $0xFFFFFFFF  }
0xad: {  	[dreg:$0x0] =	wrdreg $0x60  }
0xae: {  	[dreg:$0x2] =	wrdreg s24  }
0xaf: {  	[dreg:$0x3] =	wrdreg s2  }
0xb0: {  	[dreg:$0x4] =	wrdreg $0x43000  }
0xb1: {  	[dreg:$0x5] =	wrdreg $0x9  }
0xb2: {  	_ =	task.clear_ibuf [dreg:s7], $0x6FFFF;
	_ =	strace $0x90000046  }
0xb3: {  	s29 =	simm.s32 $0x9;
	_ =	strace $0x80000048  }
0xb4: {  	_ =	swait.ge [sflag:s29], $0x1  }
0xb5: {  	[sflag:s29] =	ssyncadd.s32 $0xFFFFFFFF  }
0xb6: {  	_ =	strace $0x90000048  }
0xb7: {  	_ =	sfence  }
0xb8: {  	s30 =	sld [smem:$0x0];
	_ =	sdelay $0x2  }
0xb9: {  	s31 =	sshll.u32 s1, $0xD;
	s1 =	sshrl.u32 s1, $0x2  }
0xba: {  	s3 =	sand.u32 $0x4000, s31;
	s1 =	sadd.s32 s1, s30  }
0xbb: {  	s0 =	sor.u32 s3, s0;
	s1 =	sshll.u32 s1, $0x11  }
0xbc: {  	s0 =	sor.u32 s1, s0  }
0xbd: {  	s0 =	sadd.s32 $0x8F2B, s0  }
0xbe: {  	[sflag:s0] =	ssyncadd.remote.s32 $0x1  }
0xbf: {  	_ =	sfence.sel $0xFFFF  }
0xc0: {  	[dreg:$0x0] =	wrdreg $0xFFFFFFFF;
	(pc) =	sbr.abs _section_cstart, $3  }
0xc1: {  	[dreg:$0x1] =	wrdreg $0xFFFFFFFF  }
0xc2: {  	_ =	task.clear_ibuf [dreg:s7], $0x2FFFF;
	_ =	strace $0x9FFFFFFF  }
0xc3: {  	(tm) =	ssettm $0x7FFFFFFF  }
tec
execute0_lowered:
.L_overlay_start_1:
0x0: {  	(tag) =	ssettag $0x1  }
0x1: {  	s4 =	rddreg [dreg:$0x0]  }
0x2: {  	s6 =	rddreg [dreg:$0x1]  }
0x3: {  	s1 =	rddreg [dreg:$0x2]  }
0x4: {  	s0 =	rddreg [dreg:$0x3];
	s2 =	simm.s32 $0x0;
	s3 =	srdreg.scid  }
0x5: {  	s12 =	simm.s32 $0x4000;
	s13 =	simm.s32 $0x80;
	s14 =	simm.s32 $0x2  }
0x6: {  	s15 =	simm.s32 $0x3;
	s16 =	simm.s32 $0x3E00;
	s19 =	simm.s32 $0x20  }
0x7: {  	s20 =	simm.s32 $0x10;
	s21 =	simm.s32 $0x0;
	[smem:$0x7FF] =	sst s2  }
0x8: {  	s5 =	sand.u32 $0x1, s3;
	s3 =	stileid.u32;
	_ =	strace $0x80000047  }
0x9: {  	s7 =	sshll.u32 s5, $0xB;
	s8 =	ssub.s32 $0x2, s5;
	s9 =	smul.u32 $0x500, s3  }
0xa: {  	s10 =	sshll.u32 s3, $0xC;
	s11 =	smul.u32 $0xA00, s3;
	s5 =	sshll.u32 s5, $0x7  }
0xb: {  	s17 =	sshll.u32 s3, $0x6;
	s4 =	sadd.s32 s7, s4;
	s30 =	sshrl.u32 s8, $0x1  }
0xc: {  	s17 =	sor.u32 $0x1C04, s17;
	s7 =	ssub.s32 s8, s30;
	s4 =	sadd.s32 s10, s4  }
0xd: {  	s5 =	sor.u32 s5, s9;
	s31 =	sshrl.u32 s11, $0x2;
	s8 =	simm.s32 $0x4080  }
0xe: {  	s10 =	simm.s32 $0x1;
	s11 =	simm.s32 $0x50;
	s4 =	sadd.s32 $0x3000, s4  }
0xf: {  	s9 =	sshrl.u32 s5, $0x3;
	s5 =	sadd.s32 s31, s1;
	s7 =	smax.u32 s7, $0x1  }
0x10: {  	v0 =	vimm.f32 $1.000000000e+00;
	v1 =	vimm.f32 $0.0e+00;
	s6 =	sadd.s32 s6, s9;
	s9 =	simm.s32 $0x4;
	s18 =	sshrl.u32 s5, $0x3  }
.LBB2_1:
0x11: {  	[tilespmem:s2], [sflag:$0x1] =	stream.linear.gather [hbm4b:s4+s2], $0x3E80, $0x38;
	[tilespmem:$0x4580] =	vst v63  }
0x12: {  	[tilespmem:$0x4000] =	vst v0  }
0x13: {  	[tilespmem:$0x4010] =	vst v0  }
0x14: {  	[tilespmem:$0x4020] =	vst v0  }
0x15: {  	[tilespmem:$0x4030] =	vst v0  }
0x16: {  	[tilespmem:$0x4040] =	vst v0  }
0x17: {  	[tilespmem:$0x4080] =	vst v1  }
0x18: {  	[tilespmem:$0x4090] =	vst v1  }
0x19: {  	[tilespmem:$0x40A0] =	vst v1  }
0x1a: {  	[tilespmem:$0x40B0] =	vst v1  }
0x1b: {  	[tilespmem:$0x40C0] =	vst v1  }
0x1c: {  	[tilespmem:$0x40D0] =	vst v1  }
0x1d: {  	[tilespmem:$0x40E0] =	vst v1  }
0x1e: {  	[tilespmem:$0x40F0] =	vst v1  }
0x1f: {  	[tilespmem:$0x4100] =	vst v1  }
0x20: {  	[tilespmem:$0x4110] =	vst v1  }
0x21: {  	[tilespmem:$0x4120] =	vst v1  }
0x22: {  	[tilespmem:$0x4130] =	vst v1  }
0x23: {  	[tilespmem:$0x4140] =	vst v1  }
0x24: {  	[tilespmem:$0x4150] =	vst v1  }
0x25: {  	[tilespmem:$0x4160] =	vst v1  }
0x26: {  	[tilespmem:$0x4170] =	vst v1  }
0x27: {  	[tilespmem:$0x4180] =	vst v1  }
0x28: {  	[tilespmem:$0x4190] =	vst v1  }
0x29: {  	[tilespmem:$0x41A0] =	vst v1  }
0x2a: {  	[tilespmem:$0x41B0] =	vst v1  }
0x2b: {  	[tilespmem:$0x41C0] =	vst v1  }
0x2c: {  	[tilespmem:$0x41D0] =	vst v1  }
0x2d: {  	[tilespmem:$0x41E0] =	vst v1  }
0x2e: {  	[tilespmem:$0x41F0] =	vst v1  }
0x2f: {  	[tilespmem:$0x4200] =	vst v1  }
0x30: {  	[tilespmem:$0x4210] =	vst v1  }
0x31: {  	[tilespmem:$0x4220] =	vst v1  }
0x32: {  	[tilespmem:$0x4230] =	vst v1  }
0x33: {  	[tilespmem:$0x4240] =	vst v1  }
0x34: {  	[tilespmem:$0x4250] =	vst v1  }
0x35: {  	[tilespmem:$0x4260] =	vst v1  }
0x36: {  	[tilespmem:$0x4270] =	vst v1  }
0x37: {  	[tilespmem:$0x4280] =	vst v1  }
0x38: {  	[tilespmem:$0x4290] =	vst v1  }
0x39: {  	[tilespmem:$0x42A0] =	vst v1  }
0x3a: {  	[tilespmem:$0x42B0] =	vst v1  }
0x3b: {  	[tilespmem:$0x42C0] =	vst v1  }
0x3c: {  	[tilespmem:$0x42D0] =	vst v1  }
0x3d: {  	[tilespmem:$0x42E0] =	vst v1  }
0x3e: {  	[tilespmem:$0x42F0] =	vst v1  }
0x3f: {  	[spmem:s5] =	stream.linear.scatter [tilespmem:s8], [sflag:$0x4], $0x280, $0x38;
	[tilespmem:$0x4580] =	vst v63  }
0x40: {  	_ =	swait.ge [sflag:s9], $0x280  }
0x41: {  	[sflag:s9] =	ssyncset.done $0x0  }
0x42: {  	[sflag:s9] =	ssyncadd.s32 $0xFFFFFD80  }
0x43: {  	_ =	swait.ge [sflag:s10], $0x3E80  }
0x44: {  	[sflag:s10] =	ssyncset.done $0x0  }
0x45: {  	[sflag:s10] =	ssyncadd.s32 $0xFFFFC180  }
0x46: {  	[bflag:$0x0] =	sbarrier.arrive $0xFFFF  }
0x47: {  	[spmem:s1] =	stream.indirect.scatter.add.f32 [tilespmem:s12], [sflag:$0x2], $0x1, s2, s11, $0xb8;
	[tilespmem:$0x4580] =	vst v63  }
0x48: {  	_ = 	snop  }
0x49: {  	[spmem:s1] =	stream.indirect.scatter.add.f32 [tilespmem:s12], [sflag:$0x3], $0x1, s13, s11, $0xb8;
	[tilespmem:$0x4580] =	vst v63  }
0x4a: {  	_ =	swait.ge [sflag:s14], $0x50  }
0x4b: {  	[sflag:s14] =	ssyncset.done $0x0  }
0x4c: {  	s22 =	simm.s32 $0x100;
	[sflag:s14] =	ssyncadd.s32 $0xFFFFFFB0  }
0x4d: {  	[spmem:s1] =	stream.indirect.scatter.add.f32 [tilespmem:s12], [sflag:$0x2], $0x1, s22, s11, $0xb8;
	[tilespmem:$0x4580] =	vst v63  }
0x4e: {  	_ =	swait.ge [sflag:s15], $0x50  }
0x4f: {  	[sflag:s15] =	ssyncset.done $0x0  }
0x50: {  	s23 =	simm.s32 $0x180;
	s22 =	simm.s32 $0xFFFF1000;
	[sflag:s15] =	ssyncadd.s32 $0xFFFFFFB0  }
.LBB2_2:
0x51: {  	[spmem:s1] =	stream.indirect.scatter.add.f32 [tilespmem:s12], [sflag:$0x3], $0x1, s23, s11, $0xb8;
	[tilespmem:$0x4580] =	vst v63  }
0x52: {  	s23 =	smov.u32 s22  }
0x53: {  	p0 =	sne.s32 s22, $0xFFFFFC00;
	s22 =	sadd.s32 $0x400, s22;
	_ =	swait.ge [sflag:s14], $0x50  }
0x54: {  	s23 =	sshra.s32 s23, $0x2;
	[sflag:s14] =	ssyncset.done $0x0  }
.Ltmp0:
0x55: {  	s24 =	sadd.s32 $0x3E00, s23;
	[sflag:s14] =	ssyncadd.s32 $0xFFFFFFB0;
	(pc) =	sbr.rel @p0 .LBB2_2-.Ltmp0, $4  }
0x56: {  	[spmem:s1] =	stream.indirect.scatter.add.f32 [tilespmem:s12], [sflag:$0x2], $0x1, s24, s11, $0xb8;
	[tilespmem:$0x4580] =	vst v63  }
0x57: {  	_ =	swait.ge [sflag:s15], $0x50  }
0x58: {  	[sflag:s15] =	ssyncset.done $0x0  }
0x59: {  	s23 =	sadd.s32 $0x3E80, s23;
	[sflag:s15] =	ssyncadd.s32 $0xFFFFFFB0  }
0x5a: {  	[spmem:s1] =	stream.indirect.scatter.add.f32 [tilespmem:s12], [sflag:$0x3], $0x1, s23, s11, $0xb8;
	[tilespmem:$0x4580] =	vst v63  }
0x5b: {  	_ =	swait.ge [sflag:s14], $0x50  }
0x5c: {  	[sflag:s14] =	ssyncset.done $0x0  }
0x5d: {  	[sflag:s14] =	ssyncadd.s32 $0xFFFFFFB0  }
0x5e: {  	[spmem:s1] =	stream.indirect.scatter.add.f32 [tilespmem:s12], [sflag:$0x2], $0x1, s16, s11, $0xb8;
	[tilespmem:$0x4580] =	vst v63  }
0x5f: {  	_ =	swait.ge [sflag:s15], $0x50  }
0x60: {  	[sflag:s15] =	ssyncset.done $0x0  }
0x61: {  	[sflag:s15] =	ssyncadd.s32 $0xFFFFFFB0  }
0x62: {  	_ =	swait.ge [sflag:s14], $0x50  }
0x63: {  	s21 =	sadd.s32 $0x1, s21;
	[sflag:s14] =	ssyncset.done $0x0  }
0x64: {  	p0 =	sne.s32 s21, s7;
	[sflag:s14] =	ssyncadd.s32 $0xFFFFFFB0  }
.Ltmp1:
0x65: {  	[bflag:$0x0] =	sbarrier.arrive $0xFFFF;
	(pc) =	sbr.rel @p0 .LBB2_1-.Ltmp1, $4  }
0x66: {  	[hbm:s6@s19], [sflag:s17] =	dma.strided [spmem:s18@s20], $0x50, s10, $0x10   }
0x67: {  	_ =	swait.ge [sflag:s9], $0x50  }
0x68: {  	[sflag:s9] =	ssyncset.done $0x0  }
0x69: {  	[sflag:s9] =	ssyncadd.s32 $0xFFFFFFB0  }
0x6a: {  	_ =	sfence.sel $0x180000  }
0x6b: {  	[bflag:$0x0] =	sbarrier.arrive $0xFFFF  }
0x6c: {  	p0 =	sne.s32 s3, $0x0;
	_ =	strace $0x90000047  }
0x6d: {  	s0 =	sadd.s32 @!p0 $0x100000, s0;
	[bflag:$0x2] =	sbarrier.arrive $0xFFFF  }
0x6e: {  	[sflag:s0] =	ssyncadd.tile.s32 @!p0 $0x1;
	_ =	shalt  }
.Lfunc_end2:
_tile_overlayer_lowered:
.L_overlay_start_2:
0x6f: {  	(tag) =	ssettag $0x2  }
0x70: {  	s0 =	rddreg [dreg:$0x0];
	s2 =	stileid.u32  }
0x71: {  	s1 =	rddreg [dreg:$0x1];
	p0 =	sne.s32 s2, $0x0  }
0x72: {  	s3 =	rddreg [dreg:$0x2];
	[bflag:$0x3] =	sbarrier.arrive $0xFFFF;
	s2 =	simm.s32 @!p0 $0x1C04  }
0x73: {  	[timem:s3], [sflag:s2] =	dma.local @!p0 [hbm:s0], s1  }
0x74: {  	s0 =	simm.s32 @!p0 $0x4  }
0x75: {  	_ =	swait.ge @!p0 [sflag:s0], s1  }
0x76: {  	s1 =	ssub.s32 @!p0 $0x0, s1;
	[sflag:s0] =	ssyncset.done @!p0 $0x0  }
0x77: {  	[sflag:s0] =	ssyncadd.s32 @!p0 s1  }
0x78: {  	[bflag:$0x3] =	sbarrier.arrive $0xFFFF  }
0x79: {  	_ =	shalt  }

</sc_bundles>
